<compile_context>
chip_gen: v7x
topology: tpu7x:2x2x1
jax: 0.10.2.dev20260603
libtpu: 0.0.44.dev20260713+nightly
codegen_flags: <defaults>
</compile_context>

<pallas_src>
import functools

import jax
import jax.numpy as jnp
from jax import lax
from jax.experimental import pallas as pl
from jax.experimental.pallas import tpu as pltpu
from jax.experimental.pallas import tpu_sc as plsc

B, S, D = 4, 4096, 2048
N = 128
TOTAL = B * N
L = 16
NC, NS = 2, 16
NW = NC * NS
BPW = TOTAL // NW
HB = BPW // 2
SLOT = 16
CHUNKS = D // L
UNROLL = 8

_mesh = plsc.VectorSubcoreMesh(core_axis_name="c", subcore_axis_name="s")


@functools.partial(
    pl.kernel,
    mesh=_mesh,
    out_type=jax.ShapeDtypeStruct((TOTAL, D), jnp.float32),
    scratch_types=(
        [pltpu.VMEM((BPW,), jnp.int32),
         pltpu.VMEM((BPW,), jnp.int32),
         pltpu.VMEM((BPW * SLOT,), jnp.int32)]
        + [pltpu.VMEM((1, D), jnp.float32) for _ in range(BPW)]
        + [pltpu.SemaphoreType.DMA] * 5
    ),
)
def _gather_pool(wv_hbm, ids_hbm, mask_hbm, out_hbm, *scratch):
    idx_v, mask_v, slot_v = scratch[0], scratch[1], scratch[2]
    bufs = scratch[3:3 + BPW]
    semi, semm, semA, semB, semw = scratch[3 + BPW:]

    wid = lax.axis_index("s") * NC + lax.axis_index("c")
    base = wid * BPW
    ci = pltpu.async_copy(ids_hbm.at[pl.ds(base, BPW)], idx_v, semi)
    cm = pltpu.async_copy(mask_hbm.at[pl.ds(base, BPW)], mask_v, semm)
    ci.wait()
    cm.wait()
    boff = (base // N) * S
    idx_reg = idx_v[...] + boff
    for r in range(BPW):
        slot_v[pl.ds(r * SLOT, L)] = idx_reg.at[
            jnp.full((L,), r, jnp.int32)].get(mode="promise_in_bounds")

    mask_reg = mask_v[...]
    zero = jnp.zeros((L,), jnp.float32)
    halves = [(semA, 0), (semB, HB)]

    for sem, r0 in halves:
        for r in range(HB):
            g = r0 + r

            @pl.when(mask_reg[g] != 0)
            def _fetch(sem=sem, g=g):
                pltpu.async_copy(wv_hbm.at[slot_v.at[pl.ds(g * SLOT, 1)]],
                                 bufs[g], sem)

            @pl.when(mask_reg[g] == 0)
            def _zero(g=g):
                def col_body(j, _):
                    for u in range(UNROLL):
                        bufs[g][0, pl.ds((j * UNROLL + u) * L, L)] = zero
                    return 0

                lax.fori_loop(0, CHUNKS // UNROLL, col_body, 0)

    writes = []
    for sem, r0 in halves:
        for r in range(HB):
            g = r0 + r

            @pl.when(mask_reg[g] != 0)
            def _drain(sem=sem, g=g):
                pltpu.make_async_copy(wv_hbm.at[pl.ds(0, 1)],
                                      bufs[g], sem).wait()

        for r in range(HB):
            g = r0 + r
            writes.append(
                pltpu.async_copy(bufs[g],
                                 out_hbm.at[pl.ds(base + g, 1)], semw))
    for w in writes:
        w.wait()


def kernel(word_vectors, sent_rep_token_ids, sent_rep_mask):
    wv2d = word_vectors.reshape(B * S, D)
    ids = sent_rep_token_ids.reshape(TOTAL)
    msk = sent_rep_mask.reshape(TOTAL)
    out = _gather_pool(wv2d, ids, msk)
    return out.reshape(B, N, D), sent_rep_mask

# --- scband reference (transcript-rebuilt; emitter-appended) ---
"""Pipeline reference for scband-pooling-11905649345073 (READ-ONLY COPY).

The authoritative reference and input builder live on the scoring server;
editing this copy changes nothing except your own understanding.
"""

import jax, jax.numpy as jnp
import numpy as np


def setup_inputs(seed: int = 0) -> dict:
    key = jax.random.key(seed)
    k1, k2, k3 = jax.random.split(key, 3)
    B, S, D = 4, 4096, 2048
    num_sents = 128
    word_vectors = jax.random.normal(k1, (B, S, D), dtype=jnp.float32)
    sent_rep_token_ids = jax.random.randint(k2, (B, num_sents), 0, S, dtype=jnp.int32)
    sent_rep_mask = jax.random.randint(k3, (B, num_sents), 0, 2, dtype=jnp.int32)
    return {
        "word_vectors": word_vectors,
        "sent_rep_token_ids": sent_rep_token_ids,
        "sent_rep_mask": sent_rep_mask,
    }


def reference(word_vectors, sent_rep_token_ids, sent_rep_mask):
    # Pooling(sent_rep_tokens=True, mean_tokens=False)
    B = word_vectors.shape[0]
    # word_vectors[arange(B)[:, None], sent_rep_token_ids] -> [B, num_sents, D]
    sents_vec = word_vectors[jnp.arange(B)[:, None], sent_rep_token_ids]
    # torch .squeeze() removes size-1 dims; here all dims > 1 so it is a no-op,
    # but mirror the semantics faithfully
    sents_vec = jnp.squeeze(sents_vec)
    sents_vec = sents_vec * sent_rep_mask[:, :, None].astype(jnp.float32)
    # single pooling method -> concat of one element along dim 1 is identity
    output_vector = sents_vec
    output_mask = sent_rep_mask
    return (output_vector, output_mask)

if __name__ == "__main__":
    import jax
    _d = setup_inputs()
    print(jax.jit(kernel)(*tuple(_d.values())))

</pallas_src>

<mosaic_0001>
#map = affine_map<(d0, d1) -> (0, 0)>
#map1 = affine_map<(d0, d1) -> (0)>
module attributes {stable_mosaic.version = 14 : i64} {
  func.func @_gather_pool(%arg0: i32, %arg1: i32, %arg2: memref<16384x2048xf32, #tpu.memory_space<hbm>>, %arg3: memref<512xi32, #tpu.memory_space<hbm>>, %arg4: memref<512xi32, #tpu.memory_space<hbm>>, %arg5: memref<512x2048xf32, #tpu.memory_space<hbm>>, %arg6: memref<16xi32, #tpu.memory_space<vmem>>, %arg7: memref<16xi32, #tpu.memory_space<vmem>>, %arg8: memref<256xi32, #tpu.memory_space<vmem>>, %arg9: memref<1x2048xf32, #tpu.memory_space<vmem>>, %arg10: memref<1x2048xf32, #tpu.memory_space<vmem>>, %arg11: memref<1x2048xf32, #tpu.memory_space<vmem>>, %arg12: memref<1x2048xf32, #tpu.memory_space<vmem>>, %arg13: memref<1x2048xf32, #tpu.memory_space<vmem>>, %arg14: memref<1x2048xf32, #tpu.memory_space<vmem>>, %arg15: memref<1x2048xf32, #tpu.memory_space<vmem>>, %arg16: memref<1x2048xf32, #tpu.memory_space<vmem>>, %arg17: memref<1x2048xf32, #tpu.memory_space<vmem>>, %arg18: memref<1x2048xf32, #tpu.memory_space<vmem>>, %arg19: memref<1x2048xf32, #tpu.memory_space<vmem>>, %arg20: memref<1x2048xf32, #tpu.memory_space<vmem>>, %arg21: memref<1x2048xf32, #tpu.memory_space<vmem>>, %arg22: memref<1x2048xf32, #tpu.memory_space<vmem>>, %arg23: memref<1x2048xf32, #tpu.memory_space<vmem>>, %arg24: memref<1x2048xf32, #tpu.memory_space<vmem>>, %arg25: memref<!tpu.dma_semaphore, #tpu.memory_space<semaphore_mem>>, %arg26: memref<!tpu.dma_semaphore, #tpu.memory_space<semaphore_mem>>, %arg27: memref<!tpu.dma_semaphore, #tpu.memory_space<semaphore_mem>>, %arg28: memref<!tpu.dma_semaphore, #tpu.memory_space<semaphore_mem>>, %arg29: memref<!tpu.dma_semaphore, #tpu.memory_space<semaphore_mem>>) attributes {dimension_semantics = [#tpu.dimension_semantics<core_parallel>, #tpu.dimension_semantics<subcore_parallel>], iteration_bounds = array<i64: 2, 16>, scalar_prefetch = 0 : i64, scratch_operands = 24 : i64, tpu.core_type = #tpu.core_type<sc_vector_subcore>, window_params = [{transform_indices = #map}, {transform_indices = #map1}, {transform_indices = #map1}, {transform_indices = #map}]} {
    %mul3A = arith.constant 2 : i32
    %mul3A_0 = arith.muli %arg1, %mul3A : i32
    %add3A = arith.addi %mul3A_0, %arg0 : i32
    %mul3A_1 = arith.constant 16 : i32
    %mul3A_2 = arith.muli %add3A, %mul3A_1 : i32
    %dma_start3A = tpu.memref_slice %arg3[%mul3A_2] : memref<512xi32, #tpu.memory_space<hbm>> -> memref<16xi32, #tpu.memory_space<hbm>>
    %dma_start3A_3 = tpu.memref_slice %arg3[%mul3A_2] : memref<512xi32, #tpu.memory_space<hbm>> -> memref<16xi32, #tpu.memory_space<hbm>>
    tpu.enqueue_dma source(%dma_start3A_3 : memref<16xi32, #tpu.memory_space<hbm>>) target(%arg6 : memref<16xi32, #tpu.memory_space<vmem>>) target_semaphore(%arg25 : memref<!tpu.dma_semaphore, #tpu.memory_space<semaphore_mem>>)
    %dma_start3A_4 = tpu.memref_slice %arg4[%mul3A_2] : memref<512xi32, #tpu.memory_space<hbm>> -> memref<16xi32, #tpu.memory_space<hbm>>
    %dma_start3A_5 = tpu.memref_slice %arg4[%mul3A_2] : memref<512xi32, #tpu.memory_space<hbm>> -> memref<16xi32, #tpu.memory_space<hbm>>
    tpu.enqueue_dma source(%dma_start3A_5 : memref<16xi32, #tpu.memory_space<hbm>>) target(%arg7 : memref<16xi32, #tpu.memory_space<vmem>>) target_semaphore(%arg26 : memref<!tpu.dma_semaphore, #tpu.memory_space<semaphore_mem>>)
    %dma_wait3A = tpu.memref_slice %arg3[%mul3A_2] : memref<512xi32, #tpu.memory_space<hbm>> -> memref<16xi32, #tpu.memory_space<hbm>>
    %dma_wait3A_6 = tpu.memref_slice %arg3[%mul3A_2] : memref<512xi32, #tpu.memory_space<hbm>> -> memref<16xi32, #tpu.memory_space<hbm>>
    tpu.wait_dma2 semaphore(%arg25 : memref<!tpu.dma_semaphore, #tpu.memory_space<semaphore_mem>>) src(%dma_wait3A_6 : memref<16xi32, #tpu.memory_space<hbm>>) dst(%arg6 : memref<16xi32, #tpu.memory_space<vmem>>)
    %dma_wait3A_7 = tpu.memref_slice %arg4[%mul3A_2] : memref<512xi32, #tpu.memory_space<hbm>> -> memref<16xi32, #tpu.memory_space<hbm>>
    %dma_wait3A_8 = tpu.memref_slice %arg4[%mul3A_2] : memref<512xi32, #tpu.memory_space<hbm>> -> memref<16xi32, #tpu.memory_space<hbm>>
    tpu.wait_dma2 semaphore(%arg26 : memref<!tpu.dma_semaphore, #tpu.memory_space<semaphore_mem>>) src(%dma_wait3A_8 : memref<16xi32, #tpu.memory_space<hbm>>) dst(%arg7 : memref<16xi32, #tpu.memory_space<vmem>>)
    %jit3A = arith.constant 128 : i32
    %div3A = arith.divsi %mul3A_2, %jit3A : i32
    %sign3A = arith.constant 0 : i32
    %sign3A_9 = arith.cmpi sgt, %mul3A_2, %sign3A : i32
    %sign3A_10 = arith.extui %sign3A_9 : i1 to i32
    %sign3A_11 = arith.constant 0 : i32
    %sign3A_12 = arith.cmpi slt, %mul3A_2, %sign3A_11 : i32
    %sign3A_13 = arith.extui %sign3A_12 : i1 to i32
    %sign3A_14 = arith.subi %sign3A_10, %sign3A_13 : i32
    %sign3A_15 = arith.constant 0 : i32
    %sign3A_16 = arith.cmpi sgt, %jit3A, %sign3A_15 : i32
    %sign3A_17 = arith.extui %sign3A_16 : i1 to i32
    %sign3A_18 = arith.constant 0 : i32
    %sign3A_19 = arith.cmpi slt, %jit3A, %sign3A_18 : i32
    %sign3A_20 = arith.extui %sign3A_19 : i1 to i32
    %sign3A_21 = arith.subi %sign3A_17, %sign3A_20 : i32
    %ne3A = arith.cmpi ne, %sign3A_14, %sign3A_21 : i32
    %rem3A = arith.remsi %mul3A_2, %jit3A : i32
    %ne3A_22 = arith.constant 0 : i32
    %ne3A_23 = arith.cmpi ne, %rem3A, %ne3A_22 : i32
    %and3A = arith.andi %ne3A, %ne3A_23 : i1
    %sub3A = arith.constant 1 : i32
    %sub3A_24 = arith.subi %div3A, %sub3A : i32
    %select_n3A = arith.select %and3A, %sub3A_24, %div3A : i32
    %mul3A_25 = arith.constant 4096 : i32
    %mul3A_26 = arith.muli %select_n3A, %mul3A_25 : i32
    %get3A = arith.constant 0 : index
    %get3A_27 = tpu.vector_load %arg6[%get3A] {strides = array<i32>} : memref<16xi32, #tpu.memory_space<vmem>>, vector<16xi32>,
    %get3A_28 = vector.shape_cast %get3A_27 : vector<16xi32> to vector<16xi32>
    %add3A_29 = vector.broadcast %mul3A_26 : i32 to vector<16xi32>
    %add3A_30 = arith.addi %get3A_28, %add3A_29 : vector<16xi32>
    %broadcast_in_dim3A = arith.constant 0 : i32
    %broadcast_in_dim3A_31 = vector.broadcast %broadcast_in_dim3A : i32 to vector<16xi32>
    %lt3A = arith.constant 0 : i32
    %lt3A_32 = vector.broadcast %lt3A : i32 to vector<16xi32>
    %lt3A_33 = arith.cmpi slt, %broadcast_in_dim3A_31, %lt3A_32 : vector<16xi32>
    %add3A_34 = arith.constant 16 : i32
    %add3A_35 = vector.broadcast %add3A_34 : i32 to vector<16xi32>
    %add3A_36 = arith.addi %broadcast_in_dim3A_31, %add3A_35 : vector<16xi32>
    %select_n3A_37 = arith.select %lt3A_33, %add3A_36, %broadcast_in_dim3A_31 : vector<16xi1>, vector<16xi32>
    %broadcast_in_dim3A_38 = vector.shape_cast %select_n3A_37 : vector<16xi32> to vector<16x1xi32>
    %gather3A = vector.shape_cast %broadcast_in_dim3A_38 : vector<16x1xi32> to vector<16xi32>
    %gather3A_39 = tpu.dynamic_gather %add3A_30[%gather3A] in [0] : vector<16xi32>, vector<16xi32> -> vector<16xi32>
    %swap3A = arith.constant 0 : index
    %swap3A_40 = tpu.vector_load %arg8[%swap3A] {strides = array<i32>} : memref<256xi32, #tpu.memory_space<vmem>>, vector<16xi32>,
    %swap3A_41 = vector.shape_cast %swap3A_40 : vector<16xi32> to vector<16xi32>
    %swap3A_42 = vector.shape_cast %gather3A_39 : vector<16xi32> to vector<16xi32>
    tpu.vector_store %arg8[%swap3A], %swap3A_42 {strides = array<i32>} : memref<256xi32, #tpu.memory_space<vmem>>, vector<16xi32>,
    %broadcast_in_dim3A_43 = arith.constant 1 : i32
    %broadcast_in_dim3A_44 = vector.broadcast %broadcast_in_dim3A_43 : i32 to vector<16xi32>
    %lt3A_45 = arith.constant 0 : i32
    %lt3A_46 = vector.broadcast %lt3A_45 : i32 to vector<16xi32>
    %lt3A_47 = arith.cmpi slt, %broadcast_in_dim3A_44, %lt3A_46 : vector<16xi32>
    %add3A_48 = arith.constant 16 : i32
    %add3A_49 = vector.broadcast %add3A_48 : i32 to vector<16xi32>
    %add3A_50 = arith.addi %broadcast_in_dim3A_44, %add3A_49 : vector<16xi32>
    %select_n3A_51 = arith.select %lt3A_47, %add3A_50, %broadcast_in_dim3A_44 : vector<16xi1>, vector<16xi32>
    %broadcast_in_dim3A_52 = vector.shape_cast %select_n3A_51 : vector<16xi32> to vector<16x1xi32>
    %gather3A_53 = vector.shape_cast %broadcast_in_dim3A_52 : vector<16x1xi32> to vector<16xi32>
    %gather3A_54 = tpu.dynamic_gather %add3A_30[%gather3A_53] in [0] : vector<16xi32>, vector<16xi32> -> vector<16xi32>
    %swap3A_55 = arith.constant 16 : index
    %swap3A_56 = tpu.vector_load %arg8[%swap3A_55] {strides = array<i32>} : memref<256xi32, #tpu.memory_space<vmem>>, vector<16xi32>,
    %swap3A_57 = vector.shape_cast %swap3A_56 : vector<16xi32> to vector<16xi32>
    %swap3A_58 = vector.shape_cast %gather3A_54 : vector<16xi32> to vector<16xi32>
    tpu.vector_store %arg8[%swap3A_55], %swap3A_58 {strides = array<i32>} : memref<256xi32, #tpu.memory_space<vmem>>, vector<16xi32>,
    %broadcast_in_dim3A_59 = arith.constant 2 : i32
    %broadcast_in_dim3A_60 = vector.broadcast %broadcast_in_dim3A_59 : i32 to vector<16xi32>
    %lt3A_61 = arith.constant 0 : i32
    %lt3A_62 = vector.broadcast %lt3A_61 : i32 to vector<16xi32>
    %lt3A_63 = arith.cmpi slt, %broadcast_in_dim3A_60, %lt3A_62 : vector<16xi32>
    %add3A_64 = arith.constant 16 : i32
    %add3A_65 = vector.broadcast %add3A_64 : i32 to vector<16xi32>
    %add3A_66 = arith.addi %broadcast_in_dim3A_60, %add3A_65 : vector<16xi32>
    %select_n3A_67 = arith.select %lt3A_63, %add3A_66, %broadcast_in_dim3A_60 : vector<16xi1>, vector<16xi32>
    %broadcast_in_dim3A_68 = vector.shape_cast %select_n3A_67 : vector<16xi32> to vector<16x1xi32>
    %gather3A_69 = vector.shape_cast %broadcast_in_dim3A_68 : vector<16x1xi32> to vector<16xi32>
    %gather3A_70 = tpu.dynamic_gather %add3A_30[%gather3A_69] in [0] : vector<16xi32>, vector<16xi32> -> vector<16xi32>
    %swap3A_71 = arith.constant 32 : index
    %swap3A_72 = tpu.vector_load %arg8[%swap3A_71] {strides = array<i32>} : memref<256xi32, #tpu.memory_space<vmem>>, vector<16xi32>,
    %swap3A_73 = vector.shape_cast %swap3A_72 : vector<16xi32> to vector<16xi32>
    %swap3A_74 = vector.shape_cast %gather3A_70 : vector<16xi32> to vector<16xi32>
    tpu.vector_store %arg8[%swap3A_71], %swap3A_74 {strides = array<i32>} : memref<256xi32, #tpu.memory_space<vmem>>, vector<16xi32>,
    %broadcast_in_dim3A_75 = arith.constant 3 : i32
    %broadcast_in_dim3A_76 = vector.broadcast %broadcast_in_dim3A_75 : i32 to vector<16xi32>
    %lt3A_77 = arith.constant 0 : i32
    %lt3A_78 = vector.broadcast %lt3A_77 : i32 to vector<16xi32>
    %lt3A_79 = arith.cmpi slt, %broadcast_in_dim3A_76, %lt3A_78 : vector<16xi32>
    %add3A_80 = arith.constant 16 : i32
    %add3A_81 = vector.broadcast %add3A_80 : i32 to vector<16xi32>
    %add3A_82 = arith.addi %broadcast_in_dim3A_76, %add3A_81 : vector<16xi32>
    %select_n3A_83 = arith.select %lt3A_79, %add3A_82, %broadcast_in_dim3A_76 : vector<16xi1>, vector<16xi32>
    %broadcast_in_dim3A_84 = vector.shape_cast %select_n3A_83 : vector<16xi32> to vector<16x1xi32>
    %gather3A_85 = vector.shape_cast %broadcast_in_dim3A_84 : vector<16x1xi32> to vector<16xi32>
    %gather3A_86 = tpu.dynamic_gather %add3A_30[%gather3A_85] in [0] : vector<16xi32>, vector<16xi32> -> vector<16xi32>
    %swap3A_87 = arith.constant 48 : index
    %swap3A_88 = tpu.vector_load %arg8[%swap3A_87] {strides = array<i32>} : memref<256xi32, #tpu.memory_space<vmem>>, vector<16xi32>,
    %swap3A_89 = vector.shape_cast %swap3A_88 : vector<16xi32> to vector<16xi32>
    %swap3A_90 = vector.shape_cast %gather3A_86 : vector<16xi32> to vector<16xi32>
    tpu.vector_store %arg8[%swap3A_87], %swap3A_90 {strides = array<i32>} : memref<256xi32, #tpu.memory_space<vmem>>, vector<16xi32>,
    %broadcast_in_dim3A_91 = arith.constant 4 : i32
    %broadcast_in_dim3A_92 = vector.broadcast %broadcast_in_dim3A_91 : i32 to vector<16xi32>
    %lt3A_93 = arith.constant 0 : i32
    %lt3A_94 = vector.broadcast %lt3A_93 : i32 to vector<16xi32>
    %lt3A_95 = arith.cmpi slt, %broadcast_in_dim3A_92, %lt3A_94 : vector<16xi32>
    %add3A_96 = arith.constant 16 : i32
    %add3A_97 = vector.broadcast %add3A_96 : i32 to vector<16xi32>
    %add3A_98 = arith.addi %broadcast_in_dim3A_92, %add3A_97 : vector<16xi32>
    %select_n3A_99 = arith.select %lt3A_95, %add3A_98, %broadcast_in_dim3A_92 : vector<16xi1>, vector<16xi32>
    %broadcast_in_dim3A_100 = vector.shape_cast %select_n3A_99 : vector<16xi32> to vector<16x1xi32>
    %gather3A_101 = vector.shape_cast %broadcast_in_dim3A_100 : vector<16x1xi32> to vector<16xi32>
    %gather3A_102 = tpu.dynamic_gather %add3A_30[%gather3A_101] in [0] : vector<16xi32>, vector<16xi32> -> vector<16xi32>
    %swap3A_103 = arith.constant 64 : index
    %swap3A_104 = tpu.vector_load %arg8[%swap3A_103] {strides = array<i32>} : memref<256xi32, #tpu.memory_space<vmem>>, vector<16xi32>,
    %swap3A_105 = vector.shape_cast %swap3A_104 : vector<16xi32> to vector<16xi32>
    %swap3A_106 = vector.shape_cast %gather3A_102 : vector<16xi32> to vector<16xi32>
    tpu.vector_store %arg8[%swap3A_103], %swap3A_106 {strides = array<i32>} : memref<256xi32, #tpu.memory_space<vmem>>, vector<16xi32>,
    %broadcast_in_dim3A_107 = arith.constant 5 : i32
    %broadcast_in_dim3A_108 = vector.broadcast %broadcast_in_dim3A_107 : i32 to vector<16xi32>
    %lt3A_109 = arith.constant 0 : i32
    %lt3A_110 = vector.broadcast %lt3A_109 : i32 to vector<16xi32>
    %lt3A_111 = arith.cmpi slt, %broadcast_in_dim3A_108, %lt3A_110 : vector<16xi32>
    %add3A_112 = arith.constant 16 : i32
    %add3A_113 = vector.broadcast %add3A_112 : i32 to vector<16xi32>
    %add3A_114 = arith.addi %broadcast_in_dim3A_108, %add3A_113 : vector<16xi32>
    %select_n3A_115 = arith.select %lt3A_111, %add3A_114, %broadcast_in_dim3A_108 : vector<16xi1>, vector<16xi32>
    %broadcast_in_dim3A_116 = vector.shape_cast %select_n3A_115 : vector<16xi32> to vector<16x1xi32>
    %gather3A_117 = vector.shape_cast %broadcast_in_dim3A_116 : vector<16x1xi32> to vector<16xi32>
    %gather3A_118 = tpu.dynamic_gather %add3A_30[%gather3A_117] in [0] : vector<16xi32>, vector<16xi32> -> vector<16xi32>
    %swap3A_119 = arith.constant 80 : index
    %swap3A_120 = tpu.vector_load %arg8[%swap3A_119] {strides = array<i32>} : memref<256xi32, #tpu.memory_space<vmem>>, vector<16xi32>,
    %swap3A_121 = vector.shape_cast %swap3A_120 : vector<16xi32> to vector<16xi32>
    %swap3A_122 = vector.shape_cast %gather3A_118 : vector<16xi32> to vector<16xi32>
    tpu.vector_store %arg8[%swap3A_119], %swap3A_122 {strides = array<i32>} : memref<256xi32, #tpu.memory_space<vmem>>, vector<16xi32>,
    %broadcast_in_dim3A_123 = arith.constant 6 : i32
    %broadcast_in_dim3A_124 = vector.broadcast %broadcast_in_dim3A_123 : i32 to vector<16xi32>
    %lt3A_125 = arith.constant 0 : i32
    %lt3A_126 = vector.broadcast %lt3A_125 : i32 to vector<16xi32>
    %lt3A_127 = arith.cmpi slt, %broadcast_in_dim3A_124, %lt3A_126 : vector<16xi32>
    %add3A_128 = arith.constant 16 : i32
    %add3A_129 = vector.broadcast %add3A_128 : i32 to vector<16xi32>
    %add3A_130 = arith.addi %broadcast_in_dim3A_124, %add3A_129 : vector<16xi32>
    %select_n3A_131 = arith.select %lt3A_127, %add3A_130, %broadcast_in_dim3A_124 : vector<16xi1>, vector<16xi32>
    %broadcast_in_dim3A_132 = vector.shape_cast %select_n3A_131 : vector<16xi32> to vector<16x1xi32>
    %gather3A_133 = vector.shape_cast %broadcast_in_dim3A_132 : vector<16x1xi32> to vector<16xi32>
    %gather3A_134 = tpu.dynamic_gather %add3A_30[%gather3A_133] in [0] : vector<16xi32>, vector<16xi32> -> vector<16xi32>
    %swap3A_135 = arith.constant 96 : index
    %swap3A_136 = tpu.vector_load %arg8[%swap3A_135] {strides = array<i32>} : memref<256xi32, #tpu.memory_space<vmem>>, vector<16xi32>,
    %swap3A_137 = vector.shape_cast %swap3A_136 : vector<16xi32> to vector<16xi32>
    %swap3A_138 = vector.shape_cast %gather3A_134 : vector<16xi32> to vector<16xi32>
    tpu.vector_store %arg8[%swap3A_135], %swap3A_138 {strides = array<i32>} : memref<256xi32, #tpu.memory_space<vmem>>, vector<16xi32>,
    %broadcast_in_dim3A_139 = arith.constant 7 : i32
    %broadcast_in_dim3A_140 = vector.broadcast %broadcast_in_dim3A_139 : i32 to vector<16xi32>
    %lt3A_141 = arith.constant 0 : i32
    %lt3A_142 = vector.broadcast %lt3A_141 : i32 to vector<16xi32>
    %lt3A_143 = arith.cmpi slt, %broadcast_in_dim3A_140, %lt3A_142 : vector<16xi32>
    %add3A_144 = arith.constant 16 : i32
    %add3A_145 = vector.broadcast %add3A_144 : i32 to vector<16xi32>
    %add3A_146 = arith.addi %broadcast_in_dim3A_140, %add3A_145 : vector<16xi32>
    %select_n3A_147 = arith.select %lt3A_143, %add3A_146, %broadcast_in_dim3A_140 : vector<16xi1>, vector<16xi32>
    %broadcast_in_dim3A_148 = vector.shape_cast %select_n3A_147 : vector<16xi32> to vector<16x1xi32>
    %gather3A_149 = vector.shape_cast %broadcast_in_dim3A_148 : vector<16x1xi32> to vector<16xi32>
    %gather3A_150 = tpu.dynamic_gather %add3A_30[%gather3A_149] in [0] : vector<16xi32>, vector<16xi32> -> vector<16xi32>
    %swap3A_151 = arith.constant 112 : index
    %swap3A_152 = tpu.vector_load %arg8[%swap3A_151] {strides = array<i32>} : memref<256xi32, #tpu.memory_space<vmem>>, vector<16xi32>,
    %swap3A_153 = vector.shape_cast %swap3A_152 : vector<16xi32> to vector<16xi32>
    %swap3A_154 = vector.shape_cast %gather3A_150 : vector<16xi32> to vector<16xi32>
    tpu.vector_store %arg8[%swap3A_151], %swap3A_154 {strides = array<i32>} : memref<256xi32, #tpu.memory_space<vmem>>, vector<16xi32>,
    %broadcast_in_dim3A_155 = arith.constant 8 : i32
    %broadcast_in_dim3A_156 = vector.broadcast %broadcast_in_dim3A_155 : i32 to vector<16xi32>
    %lt3A_157 = arith.constant 0 : i32
    %lt3A_158 = vector.broadcast %lt3A_157 : i32 to vector<16xi32>
    %lt3A_159 = arith.cmpi slt, %broadcast_in_dim3A_156, %lt3A_158 : vector<16xi32>
    %add3A_160 = arith.constant 16 : i32
    %add3A_161 = vector.broadcast %add3A_160 : i32 to vector<16xi32>
    %add3A_162 = arith.addi %broadcast_in_dim3A_156, %add3A_161 : vector<16xi32>
    %select_n3A_163 = arith.select %lt3A_159, %add3A_162, %broadcast_in_dim3A_156 : vector<16xi1>, vector<16xi32>
    %broadcast_in_dim3A_164 = vector.shape_cast %select_n3A_163 : vector<16xi32> to vector<16x1xi32>
    %gather3A_165 = vector.shape_cast %broadcast_in_dim3A_164 : vector<16x1xi32> to vector<16xi32>
    %gather3A_166 = tpu.dynamic_gather %add3A_30[%gather3A_165] in [0] : vector<16xi32>, vector<16xi32> -> vector<16xi32>
    %swap3A_167 = arith.constant 128 : index
    %swap3A_168 = tpu.vector_load %arg8[%swap3A_167] {strides = array<i32>} : memref<256xi32, #tpu.memory_space<vmem>>, vector<16xi32>,
    %swap3A_169 = vector.shape_cast %swap3A_168 : vector<16xi32> to vector<16xi32>
    %swap3A_170 = vector.shape_cast %gather3A_166 : vector<16xi32> to vector<16xi32>
    tpu.vector_store %arg8[%swap3A_167], %swap3A_170 {strides = array<i32>} : memref<256xi32, #tpu.memory_space<vmem>>, vector<16xi32>,
    %broadcast_in_dim3A_171 = arith.constant 9 : i32
    %broadcast_in_dim3A_172 = vector.broadcast %broadcast_in_dim3A_171 : i32 to vector<16xi32>
    %lt3A_173 = arith.constant 0 : i32
    %lt3A_174 = vector.broadcast %lt3A_173 : i32 to vector<16xi32>
    %lt3A_175 = arith.cmpi slt, %broadcast_in_dim3A_172, %lt3A_174 : vector<16xi32>
    %add3A_176 = arith.constant 16 : i32
    %add3A_177 = vector.broadcast %add3A_176 : i32 to vector<16xi32>
    %add3A_178 = arith.addi %broadcast_in_dim3A_172, %add3A_177 : vector<16xi32>
    %select_n3A_179 = arith.select %lt3A_175, %add3A_178, %broadcast_in_dim3A_172 : vector<16xi1>, vector<16xi32>
    %broadcast_in_dim3A_180 = vector.shape_cast %select_n3A_179 : vector<16xi32> to vector<16x1xi32>
    %gather3A_181 = vector.shape_cast %broadcast_in_dim3A_180 : vector<16x1xi32> to vector<16xi32>
    %gather3A_182 = tpu.dynamic_gather %add3A_30[%gather3A_181] in [0] : vector<16xi32>, vector<16xi32> -> vector<16xi32>
    %swap3A_183 = arith.constant 144 : index
    %swap3A_184 = tpu.vector_load %arg8[%swap3A_183] {strides = array<i32>} : memref<256xi32, #tpu.memory_space<vmem>>, vector<16xi32>,
    %swap3A_185 = vector.shape_cast %swap3A_184 : vector<16xi32> to vector<16xi32>
    %swap3A_186 = vector.shape_cast %gather3A_182 : vector<16xi32> to vector<16xi32>
    tpu.vector_store %arg8[%swap3A_183], %swap3A_186 {strides = array<i32>} : memref<256xi32, #tpu.memory_space<vmem>>, vector<16xi32>,
    %broadcast_in_dim3A_187 = arith.constant 10 : i32
    %broadcast_in_dim3A_188 = vector.broadcast %broadcast_in_dim3A_187 : i32 to vector<16xi32>
    %lt3A_189 = arith.constant 0 : i32
    %lt3A_190 = vector.broadcast %lt3A_189 : i32 to vector<16xi32>
    %lt3A_191 = arith.cmpi slt, %broadcast_in_dim3A_188, %lt3A_190 : vector<16xi32>
    %add3A_192 = arith.constant 16 : i32
    %add3A_193 = vector.broadcast %add3A_192 : i32 to vector<16xi32>
    %add3A_194 = arith.addi %broadcast_in_dim3A_188, %add3A_193 : vector<16xi32>
    %select_n3A_195 = arith.select %lt3A_191, %add3A_194, %broadcast_in_dim3A_188 : vector<16xi1>, vector<16xi32>
    %broadcast_in_dim3A_196 = vector.shape_cast %select_n3A_195 : vector<16xi32> to vector<16x1xi32>
    %gather3A_197 = vector.shape_cast %broadcast_in_dim3A_196 : vector<16x1xi32> to vector<16xi32>
    %gather3A_198 = tpu.dynamic_gather %add3A_30[%gather3A_197] in [0] : vector<16xi32>, vector<16xi32> -> vector<16xi32>
    %swap3A_199 = arith.constant 160 : index
    %swap3A_200 = tpu.vector_load %arg8[%swap3A_199] {strides = array<i32>} : memref<256xi32, #tpu.memory_space<vmem>>, vector<16xi32>,
    %swap3A_201 = vector.shape_cast %swap3A_200 : vector<16xi32> to vector<16xi32>
    %swap3A_202 = vector.shape_cast %gather3A_198 : vector<16xi32> to vector<16xi32>
    tpu.vector_store %arg8[%swap3A_199], %swap3A_202 {strides = array<i32>} : memref<256xi32, #tpu.memory_space<vmem>>, vector<16xi32>,
    %broadcast_in_dim3A_203 = arith.constant 11 : i32
    %broadcast_in_dim3A_204 = vector.broadcast %broadcast_in_dim3A_203 : i32 to vector<16xi32>
    %lt3A_205 = arith.constant 0 : i32
    %lt3A_206 = vector.broadcast %lt3A_205 : i32 to vector<16xi32>
    %lt3A_207 = arith.cmpi slt, %broadcast_in_dim3A_204, %lt3A_206 : vector<16xi32>
    %add3A_208 = arith.constant 16 : i32
    %add3A_209 = vector.broadcast %add3A_208 : i32 to vector<16xi32>
    %add3A_210 = arith.addi %broadcast_in_dim3A_204, %add3A_209 : vector<16xi32>
    %select_n3A_211 = arith.select %lt3A_207, %add3A_210, %broadcast_in_dim3A_204 : vector<16xi1>, vector<16xi32>
    %broadcast_in_dim3A_212 = vector.shape_cast %select_n3A_211 : vector<16xi32> to vector<16x1xi32>
    %gather3A_213 = vector.shape_cast %broadcast_in_dim3A_212 : vector<16x1xi32> to vector<16xi32>
    %gather3A_214 = tpu.dynamic_gather %add3A_30[%gather3A_213] in [0] : vector<16xi32>, vector<16xi32> -> vector<16xi32>
    %swap3A_215 = arith.constant 176 : index
    %swap3A_216 = tpu.vector_load %arg8[%swap3A_215] {strides = array<i32>} : memref<256xi32, #tpu.memory_space<vmem>>, vector<16xi32>,
    %swap3A_217 = vector.shape_cast %swap3A_216 : vector<16xi32> to vector<16xi32>
    %swap3A_218 = vector.shape_cast %gather3A_214 : vector<16xi32> to vector<16xi32>
    tpu.vector_store %arg8[%swap3A_215], %swap3A_218 {strides = array<i32>} : memref<256xi32, #tpu.memory_space<vmem>>, vector<16xi32>,
    %broadcast_in_dim3A_219 = arith.constant 12 : i32
    %broadcast_in_dim3A_220 = vector.broadcast %broadcast_in_dim3A_219 : i32 to vector<16xi32>
    %lt3A_221 = arith.constant 0 : i32
    %lt3A_222 = vector.broadcast %lt3A_221 : i32 to vector<16xi32>
    %lt3A_223 = arith.cmpi slt, %broadcast_in_dim3A_220, %lt3A_222 : vector<16xi32>
    %add3A_224 = arith.constant 16 : i32
    %add3A_225 = vector.broadcast %add3A_224 : i32 to vector<16xi32>
    %add3A_226 = arith.addi %broadcast_in_dim3A_220, %add3A_225 : vector<16xi32>
    %select_n3A_227 = arith.select %lt3A_223, %add3A_226, %broadcast_in_dim3A_220 : vector<16xi1>, vector<16xi32>
    %broadcast_in_dim3A_228 = vector.shape_cast %select_n3A_227 : vector<16xi32> to vector<16x1xi32>
    %gather3A_229 = vector.shape_cast %broadcast_in_dim3A_228 : vector<16x1xi32> to vector<16xi32>
    %gather3A_230 = tpu.dynamic_gather %add3A_30[%gather3A_229] in [0] : vector<16xi32>, vector<16xi32> -> vector<16xi32>
    %swap3A_231 = arith.constant 192 : index
    %swap3A_232 = tpu.vector_load %arg8[%swap3A_231] {strides = array<i32>} : memref<256xi32, #tpu.memory_space<vmem>>, vector<16xi32>,
    %swap3A_233 = vector.shape_cast %swap3A_232 : vector<16xi32> to vector<16xi32>
    %swap3A_234 = vector.shape_cast %gather3A_230 : vector<16xi32> to vector<16xi32>
    tpu.vector_store %arg8[%swap3A_231], %swap3A_234 {strides = array<i32>} : memref<256xi32, #tpu.memory_space<vmem>>, vector<16xi32>,
    %broadcast_in_dim3A_235 = arith.constant 13 : i32
    %broadcast_in_dim3A_236 = vector.broadcast %broadcast_in_dim3A_235 : i32 to vector<16xi32>
    %lt3A_237 = arith.constant 0 : i32
    %lt3A_238 = vector.broadcast %lt3A_237 : i32 to vector<16xi32>
    %lt3A_239 = arith.cmpi slt, %broadcast_in_dim3A_236, %lt3A_238 : vector<16xi32>
    %add3A_240 = arith.constant 16 : i32
    %add3A_241 = vector.broadcast %add3A_240 : i32 to vector<16xi32>
    %add3A_242 = arith.addi %broadcast_in_dim3A_236, %add3A_241 : vector<16xi32>
    %select_n3A_243 = arith.select %lt3A_239, %add3A_242, %broadcast_in_dim3A_236 : vector<16xi1>, vector<16xi32>
    %broadcast_in_dim3A_244 = vector.shape_cast %select_n3A_243 : vector<16xi32> to vector<16x1xi32>
    %gather3A_245 = vector.shape_cast %broadcast_in_dim3A_244 : vector<16x1xi32> to vector<16xi32>
    %gather3A_246 = tpu.dynamic_gather %add3A_30[%gather3A_245] in [0] : vector<16xi32>, vector<16xi32> -> vector<16xi32>
    %swap3A_247 = arith.constant 208 : index
    %swap3A_248 = tpu.vector_load %arg8[%swap3A_247] {strides = array<i32>} : memref<256xi32, #tpu.memory_space<vmem>>, vector<16xi32>,
    %swap3A_249 = vector.shape_cast %swap3A_248 : vector<16xi32> to vector<16xi32>
    %swap3A_250 = vector.shape_cast %gather3A_246 : vector<16xi32> to vector<16xi32>
    tpu.vector_store %arg8[%swap3A_247], %swap3A_250 {strides = array<i32>} : memref<256xi32, #tpu.memory_space<vmem>>, vector<16xi32>,
    %broadcast_in_dim3A_251 = arith.constant 14 : i32
    %broadcast_in_dim3A_252 = vector.broadcast %broadcast_in_dim3A_251 : i32 to vector<16xi32>
    %lt3A_253 = arith.constant 0 : i32
    %lt3A_254 = vector.broadcast %lt3A_253 : i32 to vector<16xi32>
    %lt3A_255 = arith.cmpi slt, %broadcast_in_dim3A_252, %lt3A_254 : vector<16xi32>
    %add3A_256 = arith.constant 16 : i32
    %add3A_257 = vector.broadcast %add3A_256 : i32 to vector<16xi32>
    %add3A_258 = arith.addi %broadcast_in_dim3A_252, %add3A_257 : vector<16xi32>
    %select_n3A_259 = arith.select %lt3A_255, %add3A_258, %broadcast_in_dim3A_252 : vector<16xi1>, vector<16xi32>
    %broadcast_in_dim3A_260 = vector.shape_cast %select_n3A_259 : vector<16xi32> to vector<16x1xi32>
    %gather3A_261 = vector.shape_cast %broadcast_in_dim3A_260 : vector<16x1xi32> to vector<16xi32>
    %gather3A_262 = tpu.dynamic_gather %add3A_30[%gather3A_261] in [0] : vector<16xi32>, vector<16xi32> -> vector<16xi32>
    %swap3A_263 = arith.constant 224 : index
    %swap3A_264 = tpu.vector_load %arg8[%swap3A_263] {strides = array<i32>} : memref<256xi32, #tpu.memory_space<vmem>>, vector<16xi32>,
    %swap3A_265 = vector.shape_cast %swap3A_264 : vector<16xi32> to vector<16xi32>
    %swap3A_266 = vector.shape_cast %gather3A_262 : vector<16xi32> to vector<16xi32>
    tpu.vector_store %arg8[%swap3A_263], %swap3A_266 {strides = array<i32>} : memref<256xi32, #tpu.memory_space<vmem>>, vector<16xi32>,
    %broadcast_in_dim3A_267 = arith.constant 15 : i32
    %broadcast_in_dim3A_268 = vector.broadcast %broadcast_in_dim3A_267 : i32 to vector<16xi32>
    %lt3A_269 = arith.constant 0 : i32
    %lt3A_270 = vector.broadcast %lt3A_269 : i32 to vector<16xi32>
    %lt3A_271 = arith.cmpi slt, %broadcast_in_dim3A_268, %lt3A_270 : vector<16xi32>
    %add3A_272 = arith.constant 16 : i32
    %add3A_273 = vector.broadcast %add3A_272 : i32 to vector<16xi32>
    %add3A_274 = arith.addi %broadcast_in_dim3A_268, %add3A_273 : vector<16xi32>
    %select_n3A_275 = arith.select %lt3A_271, %add3A_274, %broadcast_in_dim3A_268 : vector<16xi1>, vector<16xi32>
    %broadcast_in_dim3A_276 = vector.shape_cast %select_n3A_275 : vector<16xi32> to vector<16x1xi32>
    %gather3A_277 = vector.shape_cast %broadcast_in_dim3A_276 : vector<16x1xi32> to vector<16xi32>
    %gather3A_278 = tpu.dynamic_gather %add3A_30[%gather3A_277] in [0] : vector<16xi32>, vector<16xi32> -> vector<16xi32>
    %swap3A_279 = arith.constant 240 : index
    %swap3A_280 = tpu.vector_load %arg8[%swap3A_279] {strides = array<i32>} : memref<256xi32, #tpu.memory_space<vmem>>, vector<16xi32>,
    %swap3A_281 = vector.shape_cast %swap3A_280 : vector<16xi32> to vector<16xi32>
    %swap3A_282 = vector.shape_cast %gather3A_278 : vector<16xi32> to vector<16xi32>
    tpu.vector_store %arg8[%swap3A_279], %swap3A_282 {strides = array<i32>} : memref<256xi32, #tpu.memory_space<vmem>>, vector<16xi32>,
    %get3A_283 = arith.constant 0 : index
    %get3A_284 = tpu.vector_load %arg7[%get3A_283] {strides = array<i32>} : memref<16xi32, #tpu.memory_space<vmem>>, vector<16xi32>,
    %get3A_285 = vector.shape_cast %get3A_284 : vector<16xi32> to vector<16xi32>
    %broadcast_in_dim3A_286 = arith.constant 0.000000e+00 : f32
    %broadcast_in_dim3A_287 = vector.broadcast %broadcast_in_dim3A_286 : f32 to vector<16xf32>
    %slice3A = vector.extract_strided_slice %get3A_285 {offsets = [0], sizes = [1], strides = [1]} : vector<16xi32> to vector<1xi32>
    %squeeze3A = vector.extract %slice3A[0] : i32 from vector<1xi32>
    %ne3A_288 = arith.constant 0 : i32
    %ne3A_289 = arith.cmpi ne, %squeeze3A, %ne3A_288 : i32
    %convert_element_type3A = arith.extui %ne3A_289 : i1 to i32
    %cond3A = arith.constant 0 : i32
    %cond3A_290 = arith.cmpi ne, %convert_element_type3A, %cond3A : i32
    scf.if %cond3A_290 {
      %dma_start3A_779 = arith.constant 0 : i32
      %dma_start3A_780 = tpu.memref_slice %arg8[%dma_start3A_779] : memref<256xi32, #tpu.memory_space<vmem>> -> memref<1xi32, #tpu.memory_space<vmem>>
      %dma_start3A_781 = arith.constant 0 : i32
      %dma_start3A_782 = arith.constant 0 : i32
      %dma_start3A_783 = tpu.memref_slice %arg2[%dma_start3A_781, %dma_start3A_782] : memref<16384x2048xf32, #tpu.memory_space<hbm>> -> memref<16384x2048xf32, #tpu.memory_space<hbm>>
      tpu.enqueue_indirect_dma source(%dma_start3A_783 : memref<16384x2048xf32, #tpu.memory_space<hbm>>) target(%arg9 : memref<1x2048xf32, #tpu.memory_space<vmem>>) offsets(%dma_start3A_780 : memref<1xi32, #tpu.memory_space<vmem>>) semaphore(%arg27 : memref<!tpu.dma_semaphore, #tpu.memory_space<semaphore_mem>>)
    } else {
    }
    %slice3A_291 = vector.extract_strided_slice %get3A_285 {offsets = [0], sizes = [1], strides = [1]} : vector<16xi32> to vector<1xi32>
    %squeeze3A_292 = vector.extract %slice3A_291[0] : i32 from vector<1xi32>
    %eq3A = arith.constant 0 : i32
    %eq3A_293 = arith.cmpi eq, %squeeze3A_292, %eq3A : i32
    %convert_element_type3A_294 = arith.extui %eq3A_293 : i1 to i32
    %cond3A_295 = arith.constant 0 : i32
    %cond3A_296 = arith.cmpi ne, %convert_element_type3A_294, %cond3A_295 : i32
    scf.if %cond3A_296 {
      %scan3A = arith.constant 0 : i32
      %scan3A_779 = arith.constant 0 : i32
      %scan3A_780 = arith.constant 16 : i32
      %scan3A_781 = arith.addi %scan3A_779, %scan3A_780 : i32
      %scan3A_782 = arith.constant 1 : i32
      %scan3A_783 = scf.for %scan3A_785 = %scan3A_779 to %scan3A_781 step %scan3A_782 iter_args(%scan3A_786 = %scan3A) -> (i32)  : i32 {
        %mul3A_787 = arith.constant 8 : i32
        %mul3A_788 = arith.muli %scan3A_785, %mul3A_787 : i32
        %add3A_789 = arith.constant 0 : i32
        %add3A_790 = arith.addi %mul3A_788, %add3A_789 : i32
        %mul3A_791 = arith.constant 16 : i32
        %mul3A_792 = arith.muli %add3A_790, %mul3A_791 : i32
        %swap3A_793 = arith.constant 0 : i32
        %swap3A_794 = arith.index_cast %swap3A_793 : i32 to index
        %swap3A_795 = arith.index_cast %mul3A_792 : i32 to index
        %swap3A_796 = tpu.vector_load %arg9[%swap3A_794, %swap3A_795] {strides = array<i32>} : memref<1x2048xf32, #tpu.memory_space<vmem>>, vector<1x16xf32>,
        %swap3A_797 = vector.shape_cast %swap3A_796 : vector<1x16xf32> to vector<16xf32>
        %swap3A_798 = vector.shape_cast %broadcast_in_dim3A_287 : vector<16xf32> to vector<1x16xf32>
        tpu.vector_store %arg9[%swap3A_794, %swap3A_795], %swap3A_798 {strides = array<i32>} : memref<1x2048xf32, #tpu.memory_space<vmem>>, vector<1x16xf32>,
        %mul3A_799 = arith.constant 8 : i32
        %mul3A_800 = arith.muli %scan3A_785, %mul3A_799 : i32
        %add3A_801 = arith.constant 1 : i32
        %add3A_802 = arith.addi %mul3A_800, %add3A_801 : i32
        %mul3A_803 = arith.constant 16 : i32
        %mul3A_804 = arith.muli %add3A_802, %mul3A_803 : i32
        %swap3A_805 = arith.constant 0 : i32
        %swap3A_806 = arith.index_cast %swap3A_805 : i32 to index
        %swap3A_807 = arith.index_cast %mul3A_804 : i32 to index
        %swap3A_808 = tpu.vector_load %arg9[%swap3A_806, %swap3A_807] {strides = array<i32>} : memref<1x2048xf32, #tpu.memory_space<vmem>>, vector<1x16xf32>,
        %swap3A_809 = vector.shape_cast %swap3A_808 : vector<1x16xf32> to vector<16xf32>
        %swap3A_810 = vector.shape_cast %broadcast_in_dim3A_287 : vector<16xf32> to vector<1x16xf32>
        tpu.vector_store %arg9[%swap3A_806, %swap3A_807], %swap3A_810 {strides = array<i32>} : memref<1x2048xf32, #tpu.memory_space<vmem>>, vector<1x16xf32>,
        %mul3A_811 = arith.constant 8 : i32
        %mul3A_812 = arith.muli %scan3A_785, %mul3A_811 : i32
        %add3A_813 = arith.constant 2 : i32
        %add3A_814 = arith.addi %mul3A_812, %add3A_813 : i32
        %mul3A_815 = arith.constant 16 : i32
        %mul3A_816 = arith.muli %add3A_814, %mul3A_815 : i32
        %swap3A_817 = arith.constant 0 : i32
        %swap3A_818 = arith.index_cast %swap3A_817 : i32 to index
        %swap3A_819 = arith.index_cast %mul3A_816 : i32 to index
        %swap3A_820 = tpu.vector_load %arg9[%swap3A_818, %swap3A_819] {strides = array<i32>} : memref<1x2048xf32, #tpu.memory_space<vmem>>, vector<1x16xf32>,
        %swap3A_821 = vector.shape_cast %swap3A_820 : vector<1x16xf32> to vector<16xf32>
        %swap3A_822 = vector.shape_cast %broadcast_in_dim3A_287 : vector<16xf32> to vector<1x16xf32>
        tpu.vector_store %arg9[%swap3A_818, %swap3A_819], %swap3A_822 {strides = array<i32>} : memref<1x2048xf32, #tpu.memory_space<vmem>>, vector<1x16xf32>,
        %mul3A_823 = arith.constant 8 : i32
        %mul3A_824 = arith.muli %scan3A_785, %mul3A_823 : i32
        %add3A_825 = arith.constant 3 : i32
        %add3A_826 = arith.addi %mul3A_824, %add3A_825 : i32
        %mul3A_827 = arith.constant 16 : i32
        %mul3A_828 = arith.muli %add3A_826, %mul3A_827 : i32
        %swap3A_829 = arith.constant 0 : i32
        %swap3A_830 = arith.index_cast %swap3A_829 : i32 to index
        %swap3A_831 = arith.index_cast %mul3A_828 : i32 to index
        %swap3A_832 = tpu.vector_load %arg9[%swap3A_830, %swap3A_831] {strides = array<i32>} : memref<1x2048xf32, #tpu.memory_space<vmem>>, vector<1x16xf32>,
        %swap3A_833 = vector.shape_cast %swap3A_832 : vector<1x16xf32> to vector<16xf32>
        %swap3A_834 = vector.shape_cast %broadcast_in_dim3A_287 : vector<16xf32> to vector<1x16xf32>
        tpu.vector_store %arg9[%swap3A_830, %swap3A_831], %swap3A_834 {strides = array<i32>} : memref<1x2048xf32, #tpu.memory_space<vmem>>, vector<1x16xf32>,
        %mul3A_835 = arith.constant 8 : i32
        %mul3A_836 = arith.muli %scan3A_785, %mul3A_835 : i32
        %add3A_837 = arith.constant 4 : i32
        %add3A_838 = arith.addi %mul3A_836, %add3A_837 : i32
        %mul3A_839 = arith.constant 16 : i32
        %mul3A_840 = arith.muli %add3A_838, %mul3A_839 : i32
        %swap3A_841 = arith.constant 0 : i32
        %swap3A_842 = arith.index_cast %swap3A_841 : i32 to index
        %swap3A_843 = arith.index_cast %mul3A_840 : i32 to index
        %swap3A_844 = tpu.vector_load %arg9[%swap3A_842, %swap3A_843] {strides = array<i32>} : memref<1x2048xf32, #tpu.memory_space<vmem>>, vector<1x16xf32>,
        %swap3A_845 = vector.shape_cast %swap3A_844 : vector<1x16xf32> to vector<16xf32>
        %swap3A_846 = vector.shape_cast %broadcast_in_dim3A_287 : vector<16xf32> to vector<1x16xf32>
        tpu.vector_store %arg9[%swap3A_842, %swap3A_843], %swap3A_846 {strides = array<i32>} : memref<1x2048xf32, #tpu.memory_space<vmem>>, vector<1x16xf32>,
        %mul3A_847 = arith.constant 8 : i32
        %mul3A_848 = arith.muli %scan3A_785, %mul3A_847 : i32
        %add3A_849 = arith.constant 5 : i32
        %add3A_850 = arith.addi %mul3A_848, %add3A_849 : i32
        %mul3A_851 = arith.constant 16 : i32
        %mul3A_852 = arith.muli %add3A_850, %mul3A_851 : i32
        %swap3A_853 = arith.constant 0 : i32
        %swap3A_854 = arith.index_cast %swap3A_853 : i32 to index
        %swap3A_855 = arith.index_cast %mul3A_852 : i32 to index
        %swap3A_856 = tpu.vector_load %arg9[%swap3A_854, %swap3A_855] {strides = array<i32>} : memref<1x2048xf32, #tpu.memory_space<vmem>>, vector<1x16xf32>,
        %swap3A_857 = vector.shape_cast %swap3A_856 : vector<1x16xf32> to vector<16xf32>
        %swap3A_858 = vector.shape_cast %broadcast_in_dim3A_287 : vector<16xf32> to vector<1x16xf32>
        tpu.vector_store %arg9[%swap3A_854, %swap3A_855], %swap3A_858 {strides = array<i32>} : memref<1x2048xf32, #tpu.memory_space<vmem>>, vector<1x16xf32>,
        %mul3A_859 = arith.constant 8 : i32
        %mul3A_860 = arith.muli %scan3A_785, %mul3A_859 : i32
        %add3A_861 = arith.constant 6 : i32
        %add3A_862 = arith.addi %mul3A_860, %add3A_861 : i32
        %mul3A_863 = arith.constant 16 : i32
        %mul3A_864 = arith.muli %add3A_862, %mul3A_863 : i32
        %swap3A_865 = arith.constant 0 : i32
        %swap3A_866 = arith.index_cast %swap3A_865 : i32 to index
        %swap3A_867 = arith.index_cast %mul3A_864 : i32 to index
        %swap3A_868 = tpu.vector_load %arg9[%swap3A_866, %swap3A_867] {strides = array<i32>} : memref<1x2048xf32, #tpu.memory_space<vmem>>, vector<1x16xf32>,
        %swap3A_869 = vector.shape_cast %swap3A_868 : vector<1x16xf32> to vector<16xf32>
        %swap3A_870 = vector.shape_cast %broadcast_in_dim3A_287 : vector<16xf32> to vector<1x16xf32>
        tpu.vector_store %arg9[%swap3A_866, %swap3A_867], %swap3A_870 {strides = array<i32>} : memref<1x2048xf32, #tpu.memory_space<vmem>>, vector<1x16xf32>,
        %mul3A_871 = arith.constant 8 : i32
        %mul3A_872 = arith.muli %scan3A_785, %mul3A_871 : i32
        %add3A_873 = arith.constant 7 : i32
        %add3A_874 = arith.addi %mul3A_872, %add3A_873 : i32
        %mul3A_875 = arith.constant 16 : i32
        %mul3A_876 = arith.muli %add3A_874, %mul3A_875 : i32
        %swap3A_877 = arith.constant 0 : i32
        %swap3A_878 = arith.index_cast %swap3A_877 : i32 to index
        %swap3A_879 = arith.index_cast %mul3A_876 : i32 to index
        %swap3A_880 = tpu.vector_load %arg9[%swap3A_878, %swap3A_879] {strides = array<i32>} : memref<1x2048xf32, #tpu.memory_space<vmem>>, vector<1x16xf32>,
        %swap3A_881 = vector.shape_cast %swap3A_880 : vector<1x16xf32> to vector<16xf32>
        %swap3A_882 = vector.shape_cast %broadcast_in_dim3A_287 : vector<16xf32> to vector<1x16xf32>
        tpu.vector_store %arg9[%swap3A_878, %swap3A_879], %swap3A_882 {strides = array<i32>} : memref<1x2048xf32, #tpu.memory_space<vmem>>, vector<1x16xf32>,
        %scan3A_883 = arith.constant 0 : i32
        scf.yield %scan3A_883 : i32
      }
      %scan3A_784 = arith.constant 16 : i32
    } else {
    }
    %slice3A_297 = vector.extract_strided_slice %get3A_285 {offsets = [1], sizes = [1], strides = [1]} : vector<16xi32> to vector<1xi32>
    %squeeze3A_298 = vector.extract %slice3A_297[0] : i32 from vector<1xi32>
    %ne3A_299 = arith.constant 0 : i32
    %ne3A_300 = arith.cmpi ne, %squeeze3A_298, %ne3A_299 : i32
    %convert_element_type3A_301 = arith.extui %ne3A_300 : i1 to i32
    %cond3A_302 = arith.constant 0 : i32
    %cond3A_303 = arith.cmpi ne, %convert_element_type3A_301, %cond3A_302 : i32
    scf.if %cond3A_303 {
      %dma_start3A_779 = arith.constant 16 : i32
      %dma_start3A_780 = tpu.memref_slice %arg8[%dma_start3A_779] : memref<256xi32, #tpu.memory_space<vmem>> -> memref<1xi32, #tpu.memory_space<vmem>>
      %dma_start3A_781 = arith.constant 0 : i32
      %dma_start3A_782 = arith.constant 0 : i32
      %dma_start3A_783 = tpu.memref_slice %arg2[%dma_start3A_781, %dma_start3A_782] : memref<16384x2048xf32, #tpu.memory_space<hbm>> -> memref<16384x2048xf32, #tpu.memory_space<hbm>>
      tpu.enqueue_indirect_dma source(%dma_start3A_783 : memref<16384x2048xf32, #tpu.memory_space<hbm>>) target(%arg10 : memref<1x2048xf32, #tpu.memory_space<vmem>>) offsets(%dma_start3A_780 : memref<1xi32, #tpu.memory_space<vmem>>) semaphore(%arg27 : memref<!tpu.dma_semaphore, #tpu.memory_space<semaphore_mem>>)
    } else {
    }
    %slice3A_304 = vector.extract_strided_slice %get3A_285 {offsets = [1], sizes = [1], strides = [1]} : vector<16xi32> to vector<1xi32>
    %squeeze3A_305 = vector.extract %slice3A_304[0] : i32 from vector<1xi32>
    %eq3A_306 = arith.constant 0 : i32
    %eq3A_307 = arith.cmpi eq, %squeeze3A_305, %eq3A_306 : i32
    %convert_element_type3A_308 = arith.extui %eq3A_307 : i1 to i32
    %cond3A_309 = arith.constant 0 : i32
    %cond3A_310 = arith.cmpi ne, %convert_element_type3A_308, %cond3A_309 : i32
    scf.if %cond3A_310 {
      %scan3A = arith.constant 0 : i32
      %scan3A_779 = arith.constant 0 : i32
      %scan3A_780 = arith.constant 16 : i32
      %scan3A_781 = arith.addi %scan3A_779, %scan3A_780 : i32
      %scan3A_782 = arith.constant 1 : i32
      %scan3A_783 = scf.for %scan3A_785 = %scan3A_779 to %scan3A_781 step %scan3A_782 iter_args(%scan3A_786 = %scan3A) -> (i32)  : i32 {
        %mul3A_787 = arith.constant 8 : i32
        %mul3A_788 = arith.muli %scan3A_785, %mul3A_787 : i32
        %add3A_789 = arith.constant 0 : i32
        %add3A_790 = arith.addi %mul3A_788, %add3A_789 : i32
        %mul3A_791 = arith.constant 16 : i32
        %mul3A_792 = arith.muli %add3A_790, %mul3A_791 : i32
        %swap3A_793 = arith.constant 0 : i32
        %swap3A_794 = arith.index_cast %swap3A_793 : i32 to index
        %swap3A_795 = arith.index_cast %mul3A_792 : i32 to index
        %swap3A_796 = tpu.vector_load %arg10[%swap3A_794, %swap3A_795] {strides = array<i32>} : memref<1x2048xf32, #tpu.memory_space<vmem>>, vector<1x16xf32>,
        %swap3A_797 = vector.shape_cast %swap3A_796 : vector<1x16xf32> to vector<16xf32>
        %swap3A_798 = vector.shape_cast %broadcast_in_dim3A_287 : vector<16xf32> to vector<1x16xf32>
        tpu.vector_store %arg10[%swap3A_794, %swap3A_795], %swap3A_798 {strides = array<i32>} : memref<1x2048xf32, #tpu.memory_space<vmem>>, vector<1x16xf32>,
        %mul3A_799 = arith.constant 8 : i32
        %mul3A_800 = arith.muli %scan3A_785, %mul3A_799 : i32
        %add3A_801 = arith.constant 1 : i32
        %add3A_802 = arith.addi %mul3A_800, %add3A_801 : i32
        %mul3A_803 = arith.constant 16 : i32
        %mul3A_804 = arith.muli %add3A_802, %mul3A_803 : i32
        %swap3A_805 = arith.constant 0 : i32
        %swap3A_806 = arith.index_cast %swap3A_805 : i32 to index
        %swap3A_807 = arith.index_cast %mul3A_804 : i32 to index
        %swap3A_808 = tpu.vector_load %arg10[%swap3A_806, %swap3A_807] {strides = array<i32>} : memref<1x2048xf32, #tpu.memory_space<vmem>>, vector<1x16xf32>,
        %swap3A_809 = vector.shape_cast %swap3A_808 : vector<1x16xf32> to vector<16xf32>
        %swap3A_810 = vector.shape_cast %broadcast_in_dim3A_287 : vector<16xf32> to vector<1x16xf32>
        tpu.vector_store %arg10[%swap3A_806, %swap3A_807], %swap3A_810 {strides = array<i32>} : memref<1x2048xf32, #tpu.memory_space<vmem>>, vector<1x16xf32>,
        %mul3A_811 = arith.constant 8 : i32
        %mul3A_812 = arith.muli %scan3A_785, %mul3A_811 : i32
        %add3A_813 = arith.constant 2 : i32
        %add3A_814 = arith.addi %mul3A_812, %add3A_813 : i32
        %mul3A_815 = arith.constant 16 : i32
        %mul3A_816 = arith.muli %add3A_814, %mul3A_815 : i32
        %swap3A_817 = arith.constant 0 : i32
        %swap3A_818 = arith.index_cast %swap3A_817 : i32 to index
        %swap3A_819 = arith.index_cast %mul3A_816 : i32 to index
        %swap3A_820 = tpu.vector_load %arg10[%swap3A_818, %swap3A_819] {strides = array<i32>} : memref<1x2048xf32, #tpu.memory_space<vmem>>, vector<1x16xf32>,
        %swap3A_821 = vector.shape_cast %swap3A_820 : vector<1x16xf32> to vector<16xf32>
        %swap3A_822 = vector.shape_cast %broadcast_in_dim3A_287 : vector<16xf32> to vector<1x16xf32>
        tpu.vector_store %arg10[%swap3A_818, %swap3A_819], %swap3A_822 {strides = array<i32>} : memref<1x2048xf32, #tpu.memory_space<vmem>>, vector<1x16xf32>,
        %mul3A_823 = arith.constant 8 : i32
        %mul3A_824 = arith.muli %scan3A_785, %mul3A_823 : i32
        %add3A_825 = arith.constant 3 : i32
        %add3A_826 = arith.addi %mul3A_824, %add3A_825 : i32
        %mul3A_827 = arith.constant 16 : i32
        %mul3A_828 = arith.muli %add3A_826, %mul3A_827 : i32
        %swap3A_829 = arith.constant 0 : i32
        %swap3A_830 = arith.index_cast %swap3A_829 : i32 to index
        %swap3A_831 = arith.index_cast %mul3A_828 : i32 to index
        %swap3A_832 = tpu.vector_load %arg10[%swap3A_830, %swap3A_831] {strides = array<i32>} : memref<1x2048xf32, #tpu.memory_space<vmem>>, vector<1x16xf32>,
        %swap3A_833 = vector.shape_cast %swap3A_832 : vector<1x16xf32> to vector<16xf32>
        %swap3A_834 = vector.shape_cast %broadcast_in_dim3A_287 : vector<16xf32> to vector<1x16xf32>
        tpu.vector_store %arg10[%swap3A_830, %swap3A_831], %swap3A_834 {strides = array<i32>} : memref<1x2048xf32, #tpu.memory_space<vmem>>, vector<1x16xf32>,
        %mul3A_835 = arith.constant 8 : i32
        %mul3A_836 = arith.muli %scan3A_785, %mul3A_835 : i32
        %add3A_837 = arith.constant 4 : i32
        %add3A_838 = arith.addi %mul3A_836, %add3A_837 : i32
        %mul3A_839 = arith.constant 16 : i32
        %mul3A_840 = arith.muli %add3A_838, %mul3A_839 : i32
        %swap3A_841 = arith.constant 0 : i32
        %swap3A_842 = arith.index_cast %swap3A_841 : i32 to index
        %swap3A_843 = arith.index_cast %mul3A_840 : i32 to index
        %swap3A_844 = tpu.vector_load %arg10[%swap3A_842, %swap3A_843] {strides = array<i32>} : memref<1x2048xf32, #tpu.memory_space<vmem>>, vector<1x16xf32>,
        %swap3A_845 = vector.shape_cast %swap3A_844 : vector<1x16xf32> to vector<16xf32>
        %swap3A_846 = vector.shape_cast %broadcast_in_dim3A_287 : vector<16xf32> to vector<1x16xf32>
        tpu.vector_store %arg10[%swap3A_842, %swap3A_843], %swap3A_846 {strides = array<i32>} : memref<1x2048xf32, #tpu.memory_space<vmem>>, vector<1x16xf32>,
        %mul3A_847 = arith.constant 8 : i32
        %mul3A_848 = arith.muli %scan3A_785, %mul3A_847 : i32
        %add3A_849 = arith.constant 5 : i32
        %add3A_850 = arith.addi %mul3A_848, %add3A_849 : i32
        %mul3A_851 = arith.constant 16 : i32
        %mul3A_852 = arith.muli %add3A_850, %mul3A_851 : i32
        %swap3A_853 = arith.constant 0 : i32
        %swap3A_854 = arith.index_cast %swap3A_853 : i32 to index
        %swap3A_855 = arith.index_cast %mul3A_852 : i32 to index
        %swap3A_856 = tpu.vector_load %arg10[%swap3A_854, %swap3A_855] {strides = array<i32>} : memref<1x2048xf32, #tpu.memory_space<vmem>>, vector<1x16xf32>,
        %swap3A_857 = vector.shape_cast %swap3A_856 : vector<1x16xf32> to vector<16xf32>
        %swap3A_858 = vector.shape_cast %broadcast_in_dim3A_287 : vector<16xf32> to vector<1x16xf32>
        tpu.vector_store %arg10[%swap3A_854, %swap3A_855], %swap3A_858 {strides = array<i32>} : memref<1x2048xf32, #tpu.memory_space<vmem>>, vector<1x16xf32>,
        %mul3A_859 = arith.constant 8 : i32
        %mul3A_860 = arith.muli %scan3A_785, %mul3A_859 : i32
        %add3A_861 = arith.constant 6 : i32
        %add3A_862 = arith.addi %mul3A_860, %add3A_861 : i32
        %mul3A_863 = arith.constant 16 : i32
        %mul3A_864 = arith.muli %add3A_862, %mul3A_863 : i32
        %swap3A_865 = arith.constant 0 : i32
        %swap3A_866 = arith.index_cast %swap3A_865 : i32 to index
        %swap3A_867 = arith.index_cast %mul3A_864 : i32 to index
        %swap3A_868 = tpu.vector_load %arg10[%swap3A_866, %swap3A_867] {strides = array<i32>} : memref<1x2048xf32, #tpu.memory_space<vmem>>, vector<1x16xf32>,
        %swap3A_869 = vector.shape_cast %swap3A_868 : vector<1x16xf32> to vector<16xf32>
        %swap3A_870 = vector.shape_cast %broadcast_in_dim3A_287 : vector<16xf32> to vector<1x16xf32>
        tpu.vector_store %arg10[%swap3A_866, %swap3A_867], %swap3A_870 {strides = array<i32>} : memref<1x2048xf32, #tpu.memory_space<vmem>>, vector<1x16xf32>,
        %mul3A_871 = arith.constant 8 : i32
        %mul3A_872 = arith.muli %scan3A_785, %mul3A_871 : i32
        %add3A_873 = arith.constant 7 : i32
        %add3A_874 = arith.addi %mul3A_872, %add3A_873 : i32
        %mul3A_875 = arith.constant 16 : i32
        %mul3A_876 = arith.muli %add3A_874, %mul3A_875 : i32
        %swap3A_877 = arith.constant 0 : i32
        %swap3A_878 = arith.index_cast %swap3A_877 : i32 to index
        %swap3A_879 = arith.index_cast %mul3A_876 : i32 to index
        %swap3A_880 = tpu.vector_load %arg10[%swap3A_878, %swap3A_879] {strides = array<i32>} : memref<1x2048xf32, #tpu.memory_space<vmem>>, vector<1x16xf32>,
        %swap3A_881 = vector.shape_cast %swap3A_880 : vector<1x16xf32> to vector<16xf32>
        %swap3A_882 = vector.shape_cast %broadcast_in_dim3A_287 : vector<16xf32> to vector<1x16xf32>
        tpu.vector_store %arg10[%swap3A_878, %swap3A_879], %swap3A_882 {strides = array<i32>} : memref<1x2048xf32, #tpu.memory_space<vmem>>, vector<1x16xf32>,
        %scan3A_883 = arith.constant 0 : i32
        scf.yield %scan3A_883 : i32
      }
      %scan3A_784 = arith.constant 16 : i32
    } else {
    }
    %slice3A_311 = vector.extract_strided_slice %get3A_285 {offsets = [2], sizes = [1], strides = [1]} : vector<16xi32> to vector<1xi32>
    %squeeze3A_312 = vector.extract %slice3A_311[0] : i32 from vector<1xi32>
    %ne3A_313 = arith.constant 0 : i32
    %ne3A_314 = arith.cmpi ne, %squeeze3A_312, %ne3A_313 : i32
    %convert_element_type3A_315 = arith.extui %ne3A_314 : i1 to i32
    %cond3A_316 = arith.constant 0 : i32
    %cond3A_317 = arith.cmpi ne, %convert_element_type3A_315, %cond3A_316 : i32
    scf.if %cond3A_317 {
      %dma_start3A_779 = arith.constant 32 : i32
      %dma_start3A_780 = tpu.memref_slice %arg8[%dma_start3A_779] : memref<256xi32, #tpu.memory_space<vmem>> -> memref<1xi32, #tpu.memory_space<vmem>>
      %dma_start3A_781 = arith.constant 0 : i32
      %dma_start3A_782 = arith.constant 0 : i32
      %dma_start3A_783 = tpu.memref_slice %arg2[%dma_start3A_781, %dma_start3A_782] : memref<16384x2048xf32, #tpu.memory_space<hbm>> -> memref<16384x2048xf32, #tpu.memory_space<hbm>>
      tpu.enqueue_indirect_dma source(%dma_start3A_783 : memref<16384x2048xf32, #tpu.memory_space<hbm>>) target(%arg11 : memref<1x2048xf32, #tpu.memory_space<vmem>>) offsets(%dma_start3A_780 : memref<1xi32, #tpu.memory_space<vmem>>) semaphore(%arg27 : memref<!tpu.dma_semaphore, #tpu.memory_space<semaphore_mem>>)
    } else {
    }
    %slice3A_318 = vector.extract_strided_slice %get3A_285 {offsets = [2], sizes = [1], strides = [1]} : vector<16xi32> to vector<1xi32>
    %squeeze3A_319 = vector.extract %slice3A_318[0] : i32 from vector<1xi32>
    %eq3A_320 = arith.constant 0 : i32
    %eq3A_321 = arith.cmpi eq, %squeeze3A_319, %eq3A_320 : i32
    %convert_element_type3A_322 = arith.extui %eq3A_321 : i1 to i32
    %cond3A_323 = arith.constant 0 : i32
    %cond3A_324 = arith.cmpi ne, %convert_element_type3A_322, %cond3A_323 : i32
    scf.if %cond3A_324 {
      %scan3A = arith.constant 0 : i32
      %scan3A_779 = arith.constant 0 : i32
      %scan3A_780 = arith.constant 16 : i32
      %scan3A_781 = arith.addi %scan3A_779, %scan3A_780 : i32
      %scan3A_782 = arith.constant 1 : i32
      %scan3A_783 = scf.for %scan3A_785 = %scan3A_779 to %scan3A_781 step %scan3A_782 iter_args(%scan3A_786 = %scan3A) -> (i32)  : i32 {
        %mul3A_787 = arith.constant 8 : i32
        %mul3A_788 = arith.muli %scan3A_785, %mul3A_787 : i32
        %add3A_789 = arith.constant 0 : i32
        %add3A_790 = arith.addi %mul3A_788, %add3A_789 : i32
        %mul3A_791 = arith.constant 16 : i32
        %mul3A_792 = arith.muli %add3A_790, %mul3A_791 : i32
        %swap3A_793 = arith.constant 0 : i32
        %swap3A_794 = arith.index_cast %swap3A_793 : i32 to index
        %swap3A_795 = arith.index_cast %mul3A_792 : i32 to index
        %swap3A_796 = tpu.vector_load %arg11[%swap3A_794, %swap3A_795] {strides = array<i32>} : memref<1x2048xf32, #tpu.memory_space<vmem>>, vector<1x16xf32>,
        %swap3A_797 = vector.shape_cast %swap3A_796 : vector<1x16xf32> to vector<16xf32>
        %swap3A_798 = vector.shape_cast %broadcast_in_dim3A_287 : vector<16xf32> to vector<1x16xf32>
        tpu.vector_store %arg11[%swap3A_794, %swap3A_795], %swap3A_798 {strides = array<i32>} : memref<1x2048xf32, #tpu.memory_space<vmem>>, vector<1x16xf32>,
        %mul3A_799 = arith.constant 8 : i32
        %mul3A_800 = arith.muli %scan3A_785, %mul3A_799 : i32
        %add3A_801 = arith.constant 1 : i32
        %add3A_802 = arith.addi %mul3A_800, %add3A_801 : i32
        %mul3A_803 = arith.constant 16 : i32
        %mul3A_804 = arith.muli %add3A_802, %mul3A_803 : i32
        %swap3A_805 = arith.constant 0 : i32
        %swap3A_806 = arith.index_cast %swap3A_805 : i32 to index
        %swap3A_807 = arith.index_cast %mul3A_804 : i32 to index
        %swap3A_808 = tpu.vector_load %arg11[%swap3A_806, %swap3A_807] {strides = array<i32>} : memref<1x2048xf32, #tpu.memory_space<vmem>>, vector<1x16xf32>,
        %swap3A_809 = vector.shape_cast %swap3A_808 : vector<1x16xf32> to vector<16xf32>
        %swap3A_810 = vector.shape_cast %broadcast_in_dim3A_287 : vector<16xf32> to vector<1x16xf32>
        tpu.vector_store %arg11[%swap3A_806, %swap3A_807], %swap3A_810 {strides = array<i32>} : memref<1x2048xf32, #tpu.memory_space<vmem>>, vector<1x16xf32>,
        %mul3A_811 = arith.constant 8 : i32
        %mul3A_812 = arith.muli %scan3A_785, %mul3A_811 : i32
        %add3A_813 = arith.constant 2 : i32
        %add3A_814 = arith.addi %mul3A_812, %add3A_813 : i32
        %mul3A_815 = arith.constant 16 : i32
        %mul3A_816 = arith.muli %add3A_814, %mul3A_815 : i32
        %swap3A_817 = arith.constant 0 : i32
        %swap3A_818 = arith.index_cast %swap3A_817 : i32 to index
        %swap3A_819 = arith.index_cast %mul3A_816 : i32 to index
        %swap3A_820 = tpu.vector_load %arg11[%swap3A_818, %swap3A_819] {strides = array<i32>} : memref<1x2048xf32, #tpu.memory_space<vmem>>, vector<1x16xf32>,
        %swap3A_821 = vector.shape_cast %swap3A_820 : vector<1x16xf32> to vector<16xf32>
        %swap3A_822 = vector.shape_cast %broadcast_in_dim3A_287 : vector<16xf32> to vector<1x16xf32>
        tpu.vector_store %arg11[%swap3A_818, %swap3A_819], %swap3A_822 {strides = array<i32>} : memref<1x2048xf32, #tpu.memory_space<vmem>>, vector<1x16xf32>,
        %mul3A_823 = arith.constant 8 : i32
        %mul3A_824 = arith.muli %scan3A_785, %mul3A_823 : i32
        %add3A_825 = arith.constant 3 : i32
        %add3A_826 = arith.addi %mul3A_824, %add3A_825 : i32
        %mul3A_827 = arith.constant 16 : i32
        %mul3A_828 = arith.muli %add3A_826, %mul3A_827 : i32
        %swap3A_829 = arith.constant 0 : i32
        %swap3A_830 = arith.index_cast %swap3A_829 : i32 to index
        %swap3A_831 = arith.index_cast %mul3A_828 : i32 to index
        %swap3A_832 = tpu.vector_load %arg11[%swap3A_830, %swap3A_831] {strides = array<i32>} : memref<1x2048xf32, #tpu.memory_space<vmem>>, vector<1x16xf32>,
        %swap3A_833 = vector.shape_cast %swap3A_832 : vector<1x16xf32> to vector<16xf32>
        %swap3A_834 = vector.shape_cast %broadcast_in_dim3A_287 : vector<16xf32> to vector<1x16xf32>
        tpu.vector_store %arg11[%swap3A_830, %swap3A_831], %swap3A_834 {strides = array<i32>} : memref<1x2048xf32, #tpu.memory_space<vmem>>, vector<1x16xf32>,
        %mul3A_835 = arith.constant 8 : i32
        %mul3A_836 = arith.muli %scan3A_785, %mul3A_835 : i32
        %add3A_837 = arith.constant 4 : i32
        %add3A_838 = arith.addi %mul3A_836, %add3A_837 : i32
        %mul3A_839 = arith.constant 16 : i32
        %mul3A_840 = arith.muli %add3A_838, %mul3A_839 : i32
        %swap3A_841 = arith.constant 0 : i32
        %swap3A_842 = arith.index_cast %swap3A_841 : i32 to index
        %swap3A_843 = arith.index_cast %mul3A_840 : i32 to index
        %swap3A_844 = tpu.vector_load %arg11[%swap3A_842, %swap3A_843] {strides = array<i32>} : memref<1x2048xf32, #tpu.memory_space<vmem>>, vector<1x16xf32>,
        %swap3A_845 = vector.shape_cast %swap3A_844 : vector<1x16xf32> to vector<16xf32>
        %swap3A_846 = vector.shape_cast %broadcast_in_dim3A_287 : vector<16xf32> to vector<1x16xf32>
        tpu.vector_store %arg11[%swap3A_842, %swap3A_843], %swap3A_846 {strides = array<i32>} : memref<1x2048xf32, #tpu.memory_space<vmem>>, vector<1x16xf32>,
        %mul3A_847 = arith.constant 8 : i32
        %mul3A_848 = arith.muli %scan3A_785, %mul3A_847 : i32
        %add3A_849 = arith.constant 5 : i32
        %add3A_850 = arith.addi %mul3A_848, %add3A_849 : i32
        %mul3A_851 = arith.constant 16 : i32
        %mul3A_852 = arith.muli %add3A_850, %mul3A_851 : i32
        %swap3A_853 = arith.constant 0 : i32
        %swap3A_854 = arith.index_cast %swap3A_853 : i32 to index
        %swap3A_855 = arith.index_cast %mul3A_852 : i32 to index
        %swap3A_856 = tpu.vector_load %arg11[%swap3A_854, %swap3A_855] {strides = array<i32>} : memref<1x2048xf32, #tpu.memory_space<vmem>>, vector<1x16xf32>,
        %swap3A_857 = vector.shape_cast %swap3A_856 : vector<1x16xf32> to vector<16xf32>
        %swap3A_858 = vector.shape_cast %broadcast_in_dim3A_287 : vector<16xf32> to vector<1x16xf32>
        tpu.vector_store %arg11[%swap3A_854, %swap3A_855], %swap3A_858 {strides = array<i32>} : memref<1x2048xf32, #tpu.memory_space<vmem>>, vector<1x16xf32>,
        %mul3A_859 = arith.constant 8 : i32
        %mul3A_860 = arith.muli %scan3A_785, %mul3A_859 : i32
        %add3A_861 = arith.constant 6 : i32
        %add3A_862 = arith.addi %mul3A_860, %add3A_861 : i32
        %mul3A_863 = arith.constant 16 : i32
        %mul3A_864 = arith.muli %add3A_862, %mul3A_863 : i32
        %swap3A_865 = arith.constant 0 : i32
        %swap3A_866 = arith.index_cast %swap3A_865 : i32 to index
        %swap3A_867 = arith.index_cast %mul3A_864 : i32 to index
        %swap3A_868 = tpu.vector_load %arg11[%swap3A_866, %swap3A_867] {strides = array<i32>} : memref<1x2048xf32, #tpu.memory_space<vmem>>, vector<1x16xf32>,
        %swap3A_869 = vector.shape_cast %swap3A_868 : vector<1x16xf32> to vector<16xf32>
        %swap3A_870 = vector.shape_cast %broadcast_in_dim3A_287 : vector<16xf32> to vector<1x16xf32>
        tpu.vector_store %arg11[%swap3A_866, %swap3A_867], %swap3A_870 {strides = array<i32>} : memref<1x2048xf32, #tpu.memory_space<vmem>>, vector<1x16xf32>,
        %mul3A_871 = arith.constant 8 : i32
        %mul3A_872 = arith.muli %scan3A_785, %mul3A_871 : i32
        %add3A_873 = arith.constant 7 : i32
        %add3A_874 = arith.addi %mul3A_872, %add3A_873 : i32
        %mul3A_875 = arith.constant 16 : i32
        %mul3A_876 = arith.muli %add3A_874, %mul3A_875 : i32
        %swap3A_877 = arith.constant 0 : i32
        %swap3A_878 = arith.index_cast %swap3A_877 : i32 to index
        %swap3A_879 = arith.index_cast %mul3A_876 : i32 to index
        %swap3A_880 = tpu.vector_load %arg11[%swap3A_878, %swap3A_879] {strides = array<i32>} : memref<1x2048xf32, #tpu.memory_space<vmem>>, vector<1x16xf32>,
        %swap3A_881 = vector.shape_cast %swap3A_880 : vector<1x16xf32> to vector<16xf32>
        %swap3A_882 = vector.shape_cast %broadcast_in_dim3A_287 : vector<16xf32> to vector<1x16xf32>
        tpu.vector_store %arg11[%swap3A_878, %swap3A_879], %swap3A_882 {strides = array<i32>} : memref<1x2048xf32, #tpu.memory_space<vmem>>, vector<1x16xf32>,
        %scan3A_883 = arith.constant 0 : i32
        scf.yield %scan3A_883 : i32
      }
      %scan3A_784 = arith.constant 16 : i32
    } else {
    }
    %slice3A_325 = vector.extract_strided_slice %get3A_285 {offsets = [3], sizes = [1], strides = [1]} : vector<16xi32> to vector<1xi32>
    %squeeze3A_326 = vector.extract %slice3A_325[0] : i32 from vector<1xi32>
    %ne3A_327 = arith.constant 0 : i32
    %ne3A_328 = arith.cmpi ne, %squeeze3A_326, %ne3A_327 : i32
    %convert_element_type3A_329 = arith.extui %ne3A_328 : i1 to i32
    %cond3A_330 = arith.constant 0 : i32
    %cond3A_331 = arith.cmpi ne, %convert_element_type3A_329, %cond3A_330 : i32
    scf.if %cond3A_331 {
      %dma_start3A_779 = arith.constant 48 : i32
      %dma_start3A_780 = tpu.memref_slice %arg8[%dma_start3A_779] : memref<256xi32, #tpu.memory_space<vmem>> -> memref<1xi32, #tpu.memory_space<vmem>>
      %dma_start3A_781 = arith.constant 0 : i32
      %dma_start3A_782 = arith.constant 0 : i32
      %dma_start3A_783 = tpu.memref_slice %arg2[%dma_start3A_781, %dma_start3A_782] : memref<16384x2048xf32, #tpu.memory_space<hbm>> -> memref<16384x2048xf32, #tpu.memory_space<hbm>>
      tpu.enqueue_indirect_dma source(%dma_start3A_783 : memref<16384x2048xf32, #tpu.memory_space<hbm>>) target(%arg12 : memref<1x2048xf32, #tpu.memory_space<vmem>>) offsets(%dma_start3A_780 : memref<1xi32, #tpu.memory_space<vmem>>) semaphore(%arg27 : memref<!tpu.dma_semaphore, #tpu.memory_space<semaphore_mem>>)
    } else {
    }
    %slice3A_332 = vector.extract_strided_slice %get3A_285 {offsets = [3], sizes = [1], strides = [1]} : vector<16xi32> to vector<1xi32>
    %squeeze3A_333 = vector.extract %slice3A_332[0] : i32 from vector<1xi32>
    %eq3A_334 = arith.constant 0 : i32
    %eq3A_335 = arith.cmpi eq, %squeeze3A_333, %eq3A_334 : i32
    %convert_element_type3A_336 = arith.extui %eq3A_335 : i1 to i32
    %cond3A_337 = arith.constant 0 : i32
    %cond3A_338 = arith.cmpi ne, %convert_element_type3A_336, %cond3A_337 : i32
    scf.if %cond3A_338 {
      %scan3A = arith.constant 0 : i32
      %scan3A_779 = arith.constant 0 : i32
      %scan3A_780 = arith.constant 16 : i32
      %scan3A_781 = arith.addi %scan3A_779, %scan3A_780 : i32
      %scan3A_782 = arith.constant 1 : i32
      %scan3A_783 = scf.for %scan3A_785 = %scan3A_779 to %scan3A_781 step %scan3A_782 iter_args(%scan3A_786 = %scan3A) -> (i32)  : i32 {
        %mul3A_787 = arith.constant 8 : i32
        %mul3A_788 = arith.muli %scan3A_785, %mul3A_787 : i32
        %add3A_789 = arith.constant 0 : i32
        %add3A_790 = arith.addi %mul3A_788, %add3A_789 : i32
        %mul3A_791 = arith.constant 16 : i32
        %mul3A_792 = arith.muli %add3A_790, %mul3A_791 : i32
        %swap3A_793 = arith.constant 0 : i32
        %swap3A_794 = arith.index_cast %swap3A_793 : i32 to index
        %swap3A_795 = arith.index_cast %mul3A_792 : i32 to index
        %swap3A_796 = tpu.vector_load %arg12[%swap3A_794, %swap3A_795] {strides = array<i32>} : memref<1x2048xf32, #tpu.memory_space<vmem>>, vector<1x16xf32>,
        %swap3A_797 = vector.shape_cast %swap3A_796 : vector<1x16xf32> to vector<16xf32>
        %swap3A_798 = vector.shape_cast %broadcast_in_dim3A_287 : vector<16xf32> to vector<1x16xf32>
        tpu.vector_store %arg12[%swap3A_794, %swap3A_795], %swap3A_798 {strides = array<i32>} : memref<1x2048xf32, #tpu.memory_space<vmem>>, vector<1x16xf32>,
        %mul3A_799 = arith.constant 8 : i32
        %mul3A_800 = arith.muli %scan3A_785, %mul3A_799 : i32
        %add3A_801 = arith.constant 1 : i32
        %add3A_802 = arith.addi %mul3A_800, %add3A_801 : i32
        %mul3A_803 = arith.constant 16 : i32
        %mul3A_804 = arith.muli %add3A_802, %mul3A_803 : i32
        %swap3A_805 = arith.constant 0 : i32
        %swap3A_806 = arith.index_cast %swap3A_805 : i32 to index
        %swap3A_807 = arith.index_cast %mul3A_804 : i32 to index
        %swap3A_808 = tpu.vector_load %arg12[%swap3A_806, %swap3A_807] {strides = array<i32>} : memref<1x2048xf32, #tpu.memory_space<vmem>>, vector<1x16xf32>,
        %swap3A_809 = vector.shape_cast %swap3A_808 : vector<1x16xf32> to vector<16xf32>
        %swap3A_810 = vector.shape_cast %broadcast_in_dim3A_287 : vector<16xf32> to vector<1x16xf32>
        tpu.vector_store %arg12[%swap3A_806, %swap3A_807], %swap3A_810 {strides = array<i32>} : memref<1x2048xf32, #tpu.memory_space<vmem>>, vector<1x16xf32>,
        %mul3A_811 = arith.constant 8 : i32
        %mul3A_812 = arith.muli %scan3A_785, %mul3A_811 : i32
        %add3A_813 = arith.constant 2 : i32
        %add3A_814 = arith.addi %mul3A_812, %add3A_813 : i32
        %mul3A_815 = arith.constant 16 : i32
        %mul3A_816 = arith.muli %add3A_814, %mul3A_815 : i32
        %swap3A_817 = arith.constant 0 : i32
        %swap3A_818 = arith.index_cast %swap3A_817 : i32 to index
        %swap3A_819 = arith.index_cast %mul3A_816 : i32 to index
        %swap3A_820 = tpu.vector_load %arg12[%swap3A_818, %swap3A_819] {strides = array<i32>} : memref<1x2048xf32, #tpu.memory_space<vmem>>, vector<1x16xf32>,
        %swap3A_821 = vector.shape_cast %swap3A_820 : vector<1x16xf32> to vector<16xf32>
        %swap3A_822 = vector.shape_cast %broadcast_in_dim3A_287 : vector<16xf32> to vector<1x16xf32>
        tpu.vector_store %arg12[%swap3A_818, %swap3A_819], %swap3A_822 {strides = array<i32>} : memref<1x2048xf32, #tpu.memory_space<vmem>>, vector<1x16xf32>,
        %mul3A_823 = arith.constant 8 : i32
        %mul3A_824 = arith.muli %scan3A_785, %mul3A_823 : i32
        %add3A_825 = arith.constant 3 : i32
        %add3A_826 = arith.addi %mul3A_824, %add3A_825 : i32
        %mul3A_827 = arith.constant 16 : i32
        %mul3A_828 = arith.muli %add3A_826, %mul3A_827 : i32
        %swap3A_829 = arith.constant 0 : i32
        %swap3A_830 = arith.index_cast %swap3A_829 : i32 to index
        %swap3A_831 = arith.index_cast %mul3A_828 : i32 to index
        %swap3A_832 = tpu.vector_load %arg12[%swap3A_830, %swap3A_831] {strides = array<i32>} : memref<1x2048xf32, #tpu.memory_space<vmem>>, vector<1x16xf32>,
        %swap3A_833 = vector.shape_cast %swap3A_832 : vector<1x16xf32> to vector<16xf32>
        %swap3A_834 = vector.shape_cast %broadcast_in_dim3A_287 : vector<16xf32> to vector<1x16xf32>
        tpu.vector_store %arg12[%swap3A_830, %swap3A_831], %swap3A_834 {strides = array<i32>} : memref<1x2048xf32, #tpu.memory_space<vmem>>, vector<1x16xf32>,
        %mul3A_835 = arith.constant 8 : i32
        %mul3A_836 = arith.muli %scan3A_785, %mul3A_835 : i32
        %add3A_837 = arith.constant 4 : i32
        %add3A_838 = arith.addi %mul3A_836, %add3A_837 : i32
        %mul3A_839 = arith.constant 16 : i32
        %mul3A_840 = arith.muli %add3A_838, %mul3A_839 : i32
        %swap3A_841 = arith.constant 0 : i32
        %swap3A_842 = arith.index_cast %swap3A_841 : i32 to index
        %swap3A_843 = arith.index_cast %mul3A_840 : i32 to index
        %swap3A_844 = tpu.vector_load %arg12[%swap3A_842, %swap3A_843] {strides = array<i32>} : memref<1x2048xf32, #tpu.memory_space<vmem>>, vector<1x16xf32>,
        %swap3A_845 = vector.shape_cast %swap3A_844 : vector<1x16xf32> to vector<16xf32>
        %swap3A_846 = vector.shape_cast %broadcast_in_dim3A_287 : vector<16xf32> to vector<1x16xf32>
        tpu.vector_store %arg12[%swap3A_842, %swap3A_843], %swap3A_846 {strides = array<i32>} : memref<1x2048xf32, #tpu.memory_space<vmem>>, vector<1x16xf32>,
        %mul3A_847 = arith.constant 8 : i32
        %mul3A_848 = arith.muli %scan3A_785, %mul3A_847 : i32
        %add3A_849 = arith.constant 5 : i32
        %add3A_850 = arith.addi %mul3A_848, %add3A_849 : i32
        %mul3A_851 = arith.constant 16 : i32
        %mul3A_852 = arith.muli %add3A_850, %mul3A_851 : i32
        %swap3A_853 = arith.constant 0 : i32
        %swap3A_854 = arith.index_cast %swap3A_853 : i32 to index
        %swap3A_855 = arith.index_cast %mul3A_852 : i32 to index
        %swap3A_856 = tpu.vector_load %arg12[%swap3A_854, %swap3A_855] {strides = array<i32>} : memref<1x2048xf32, #tpu.memory_space<vmem>>, vector<1x16xf32>,
        %swap3A_857 = vector.shape_cast %swap3A_856 : vector<1x16xf32> to vector<16xf32>
        %swap3A_858 = vector.shape_cast %broadcast_in_dim3A_287 : vector<16xf32> to vector<1x16xf32>
        tpu.vector_store %arg12[%swap3A_854, %swap3A_855], %swap3A_858 {strides = array<i32>} : memref<1x2048xf32, #tpu.memory_space<vmem>>, vector<1x16xf32>,
        %mul3A_859 = arith.constant 8 : i32
        %mul3A_860 = arith.muli %scan3A_785, %mul3A_859 : i32
        %add3A_861 = arith.constant 6 : i32
        %add3A_862 = arith.addi %mul3A_860, %add3A_861 : i32
        %mul3A_863 = arith.constant 16 : i32
        %mul3A_864 = arith.muli %add3A_862, %mul3A_863 : i32
        %swap3A_865 = arith.constant 0 : i32
        %swap3A_866 = arith.index_cast %swap3A_865 : i32 to index
        %swap3A_867 = arith.index_cast %mul3A_864 : i32 to index
        %swap3A_868 = tpu.vector_load %arg12[%swap3A_866, %swap3A_867] {strides = array<i32>} : memref<1x2048xf32, #tpu.memory_space<vmem>>, vector<1x16xf32>,
        %swap3A_869 = vector.shape_cast %swap3A_868 : vector<1x16xf32> to vector<16xf32>
        %swap3A_870 = vector.shape_cast %broadcast_in_dim3A_287 : vector<16xf32> to vector<1x16xf32>
        tpu.vector_store %arg12[%swap3A_866, %swap3A_867], %swap3A_870 {strides = array<i32>} : memref<1x2048xf32, #tpu.memory_space<vmem>>, vector<1x16xf32>,
        %mul3A_871 = arith.constant 8 : i32
        %mul3A_872 = arith.muli %scan3A_785, %mul3A_871 : i32
        %add3A_873 = arith.constant 7 : i32
        %add3A_874 = arith.addi %mul3A_872, %add3A_873 : i32
        %mul3A_875 = arith.constant 16 : i32
        %mul3A_876 = arith.muli %add3A_874, %mul3A_875 : i32
        %swap3A_877 = arith.constant 0 : i32
        %swap3A_878 = arith.index_cast %swap3A_877 : i32 to index
        %swap3A_879 = arith.index_cast %mul3A_876 : i32 to index
        %swap3A_880 = tpu.vector_load %arg12[%swap3A_878, %swap3A_879] {strides = array<i32>} : memref<1x2048xf32, #tpu.memory_space<vmem>>, vector<1x16xf32>,
        %swap3A_881 = vector.shape_cast %swap3A_880 : vector<1x16xf32> to vector<16xf32>
        %swap3A_882 = vector.shape_cast %broadcast_in_dim3A_287 : vector<16xf32> to vector<1x16xf32>
        tpu.vector_store %arg12[%swap3A_878, %swap3A_879], %swap3A_882 {strides = array<i32>} : memref<1x2048xf32, #tpu.memory_space<vmem>>, vector<1x16xf32>,
        %scan3A_883 = arith.constant 0 : i32
        scf.yield %scan3A_883 : i32
      }
      %scan3A_784 = arith.constant 16 : i32
    } else {
    }
    %slice3A_339 = vector.extract_strided_slice %get3A_285 {offsets = [4], sizes = [1], strides = [1]} : vector<16xi32> to vector<1xi32>
    %squeeze3A_340 = vector.extract %slice3A_339[0] : i32 from vector<1xi32>
    %ne3A_341 = arith.constant 0 : i32
    %ne3A_342 = arith.cmpi ne, %squeeze3A_340, %ne3A_341 : i32
    %convert_element_type3A_343 = arith.extui %ne3A_342 : i1 to i32
    %cond3A_344 = arith.constant 0 : i32
    %cond3A_345 = arith.cmpi ne, %convert_element_type3A_343, %cond3A_344 : i32
    scf.if %cond3A_345 {
      %dma_start3A_779 = arith.constant 64 : i32
      %dma_start3A_780 = tpu.memref_slice %arg8[%dma_start3A_779] : memref<256xi32, #tpu.memory_space<vmem>> -> memref<1xi32, #tpu.memory_space<vmem>>
      %dma_start3A_781 = arith.constant 0 : i32
      %dma_start3A_782 = arith.constant 0 : i32
      %dma_start3A_783 = tpu.memref_slice %arg2[%dma_start3A_781, %dma_start3A_782] : memref<16384x2048xf32, #tpu.memory_space<hbm>> -> memref<16384x2048xf32, #tpu.memory_space<hbm>>
      tpu.enqueue_indirect_dma source(%dma_start3A_783 : memref<16384x2048xf32, #tpu.memory_space<hbm>>) target(%arg13 : memref<1x2048xf32, #tpu.memory_space<vmem>>) offsets(%dma_start3A_780 : memref<1xi32, #tpu.memory_space<vmem>>) semaphore(%arg27 : memref<!tpu.dma_semaphore, #tpu.memory_space<semaphore_mem>>)
    } else {
    }
    %slice3A_346 = vector.extract_strided_slice %get3A_285 {offsets = [4], sizes = [1], strides = [1]} : vector<16xi32> to vector<1xi32>
    %squeeze3A_347 = vector.extract %slice3A_346[0] : i32 from vector<1xi32>
    %eq3A_348 = arith.constant 0 : i32
    %eq3A_349 = arith.cmpi eq, %squeeze3A_347, %eq3A_348 : i32
    %convert_element_type3A_350 = arith.extui %eq3A_349 : i1 to i32
    %cond3A_351 = arith.constant 0 : i32
    %cond3A_352 = arith.cmpi ne, %convert_element_type3A_350, %cond3A_351 : i32
    scf.if %cond3A_352 {
      %scan3A = arith.constant 0 : i32
      %scan3A_779 = arith.constant 0 : i32
      %scan3A_780 = arith.constant 16 : i32
      %scan3A_781 = arith.addi %scan3A_779, %scan3A_780 : i32
      %scan3A_782 = arith.constant 1 : i32
      %scan3A_783 = scf.for %scan3A_785 = %scan3A_779 to %scan3A_781 step %scan3A_782 iter_args(%scan3A_786 = %scan3A) -> (i32)  : i32 {
        %mul3A_787 = arith.constant 8 : i32
        %mul3A_788 = arith.muli %scan3A_785, %mul3A_787 : i32
        %add3A_789 = arith.constant 0 : i32
        %add3A_790 = arith.addi %mul3A_788, %add3A_789 : i32
        %mul3A_791 = arith.constant 16 : i32
        %mul3A_792 = arith.muli %add3A_790, %mul3A_791 : i32
        %swap3A_793 = arith.constant 0 : i32
        %swap3A_794 = arith.index_cast %swap3A_793 : i32 to index
        %swap3A_795 = arith.index_cast %mul3A_792 : i32 to index
        %swap3A_796 = tpu.vector_load %arg13[%swap3A_794, %swap3A_795] {strides = array<i32>} : memref<1x2048xf32, #tpu.memory_space<vmem>>, vector<1x16xf32>,
        %swap3A_797 = vector.shape_cast %swap3A_796 : vector<1x16xf32> to vector<16xf32>
        %swap3A_798 = vector.shape_cast %broadcast_in_dim3A_287 : vector<16xf32> to vector<1x16xf32>
        tpu.vector_store %arg13[%swap3A_794, %swap3A_795], %swap3A_798 {strides = array<i32>} : memref<1x2048xf32, #tpu.memory_space<vmem>>, vector<1x16xf32>,
        %mul3A_799 = arith.constant 8 : i32
        %mul3A_800 = arith.muli %scan3A_785, %mul3A_799 : i32
        %add3A_801 = arith.constant 1 : i32
        %add3A_802 = arith.addi %mul3A_800, %add3A_801 : i32
        %mul3A_803 = arith.constant 16 : i32
        %mul3A_804 = arith.muli %add3A_802, %mul3A_803 : i32
        %swap3A_805 = arith.constant 0 : i32
        %swap3A_806 = arith.index_cast %swap3A_805 : i32 to index
        %swap3A_807 = arith.index_cast %mul3A_804 : i32 to index
        %swap3A_808 = tpu.vector_load %arg13[%swap3A_806, %swap3A_807] {strides = array<i32>} : memref<1x2048xf32, #tpu.memory_space<vmem>>, vector<1x16xf32>,
        %swap3A_809 = vector.shape_cast %swap3A_808 : vector<1x16xf32> to vector<16xf32>
        %swap3A_810 = vector.shape_cast %broadcast_in_dim3A_287 : vector<16xf32> to vector<1x16xf32>
        tpu.vector_store %arg13[%swap3A_806, %swap3A_807], %swap3A_810 {strides = array<i32>} : memref<1x2048xf32, #tpu.memory_space<vmem>>, vector<1x16xf32>,
        %mul3A_811 = arith.constant 8 : i32
        %mul3A_812 = arith.muli %scan3A_785, %mul3A_811 : i32
        %add3A_813 = arith.constant 2 : i32
        %add3A_814 = arith.addi %mul3A_812, %add3A_813 : i32
        %mul3A_815 = arith.constant 16 : i32
        %mul3A_816 = arith.muli %add3A_814, %mul3A_815 : i32
        %swap3A_817 = arith.constant 0 : i32
        %swap3A_818 = arith.index_cast %swap3A_817 : i32 to index
        %swap3A_819 = arith.index_cast %mul3A_816 : i32 to index
        %swap3A_820 = tpu.vector_load %arg13[%swap3A_818, %swap3A_819] {strides = array<i32>} : memref<1x2048xf32, #tpu.memory_space<vmem>>, vector<1x16xf32>,
        %swap3A_821 = vector.shape_cast %swap3A_820 : vector<1x16xf32> to vector<16xf32>
        %swap3A_822 = vector.shape_cast %broadcast_in_dim3A_287 : vector<16xf32> to vector<1x16xf32>
        tpu.vector_store %arg13[%swap3A_818, %swap3A_819], %swap3A_822 {strides = array<i32>} : memref<1x2048xf32, #tpu.memory_space<vmem>>, vector<1x16xf32>,
        %mul3A_823 = arith.constant 8 : i32
        %mul3A_824 = arith.muli %scan3A_785, %mul3A_823 : i32
        %add3A_825 = arith.constant 3 : i32
        %add3A_826 = arith.addi %mul3A_824, %add3A_825 : i32
        %mul3A_827 = arith.constant 16 : i32
        %mul3A_828 = arith.muli %add3A_826, %mul3A_827 : i32
        %swap3A_829 = arith.constant 0 : i32
        %swap3A_830 = arith.index_cast %swap3A_829 : i32 to index
        %swap3A_831 = arith.index_cast %mul3A_828 : i32 to index
        %swap3A_832 = tpu.vector_load %arg13[%swap3A_830, %swap3A_831] {strides = array<i32>} : memref<1x2048xf32, #tpu.memory_space<vmem>>, vector<1x16xf32>,
        %swap3A_833 = vector.shape_cast %swap3A_832 : vector<1x16xf32> to vector<16xf32>
        %swap3A_834 = vector.shape_cast %broadcast_in_dim3A_287 : vector<16xf32> to vector<1x16xf32>
        tpu.vector_store %arg13[%swap3A_830, %swap3A_831], %swap3A_834 {strides = array<i32>} : memref<1x2048xf32, #tpu.memory_space<vmem>>, vector<1x16xf32>,
        %mul3A_835 = arith.constant 8 : i32
        %mul3A_836 = arith.muli %scan3A_785, %mul3A_835 : i32
        %add3A_837 = arith.constant 4 : i32
        %add3A_838 = arith.addi %mul3A_836, %add3A_837 : i32
        %mul3A_839 = arith.constant 16 : i32
        %mul3A_840 = arith.muli %add3A_838, %mul3A_839 : i32
        %swap3A_841 = arith.constant 0 : i32
        %swap3A_842 = arith.index_cast %swap3A_841 : i32 to index
        %swap3A_843 = arith.index_cast %mul3A_840 : i32 to index
        %swap3A_844 = tpu.vector_load %arg13[%swap3A_842, %swap3A_843] {strides = array<i32>} : memref<1x2048xf32, #tpu.memory_space<vmem>>, vector<1x16xf32>,
        %swap3A_845 = vector.shape_cast %swap3A_844 : vector<1x16xf32> to vector<16xf32>
        %swap3A_846 = vector.shape_cast %broadcast_in_dim3A_287 : vector<16xf32> to vector<1x16xf32>
        tpu.vector_store %arg13[%swap3A_842, %swap3A_843], %swap3A_846 {strides = array<i32>} : memref<1x2048xf32, #tpu.memory_space<vmem>>, vector<1x16xf32>,
        %mul3A_847 = arith.constant 8 : i32
        %mul3A_848 = arith.muli %scan3A_785, %mul3A_847 : i32
        %add3A_849 = arith.constant 5 : i32
        %add3A_850 = arith.addi %mul3A_848, %add3A_849 : i32
        %mul3A_851 = arith.constant 16 : i32
        %mul3A_852 = arith.muli %add3A_850, %mul3A_851 : i32
        %swap3A_853 = arith.constant 0 : i32
        %swap3A_854 = arith.index_cast %swap3A_853 : i32 to index
        %swap3A_855 = arith.index_cast %mul3A_852 : i32 to index
        %swap3A_856 = tpu.vector_load %arg13[%swap3A_854, %swap3A_855] {strides = array<i32>} : memref<1x2048xf32, #tpu.memory_space<vmem>>, vector<1x16xf32>,
        %swap3A_857 = vector.shape_cast %swap3A_856 : vector<1x16xf32> to vector<16xf32>
        %swap3A_858 = vector.shape_cast %broadcast_in_dim3A_287 : vector<16xf32> to vector<1x16xf32>
        tpu.vector_store %arg13[%swap3A_854, %swap3A_855], %swap3A_858 {strides = array<i32>} : memref<1x2048xf32, #tpu.memory_space<vmem>>, vector<1x16xf32>,
        %mul3A_859 = arith.constant 8 : i32
        %mul3A_860 = arith.muli %scan3A_785, %mul3A_859 : i32
        %add3A_861 = arith.constant 6 : i32
        %add3A_862 = arith.addi %mul3A_860, %add3A_861 : i32
        %mul3A_863 = arith.constant 16 : i32
        %mul3A_864 = arith.muli %add3A_862, %mul3A_863 : i32
        %swap3A_865 = arith.constant 0 : i32
        %swap3A_866 = arith.index_cast %swap3A_865 : i32 to index
        %swap3A_867 = arith.index_cast %mul3A_864 : i32 to index
        %swap3A_868 = tpu.vector_load %arg13[%swap3A_866, %swap3A_867] {strides = array<i32>} : memref<1x2048xf32, #tpu.memory_space<vmem>>, vector<1x16xf32>,
        %swap3A_869 = vector.shape_cast %swap3A_868 : vector<1x16xf32> to vector<16xf32>
        %swap3A_870 = vector.shape_cast %broadcast_in_dim3A_287 : vector<16xf32> to vector<1x16xf32>
        tpu.vector_store %arg13[%swap3A_866, %swap3A_867], %swap3A_870 {strides = array<i32>} : memref<1x2048xf32, #tpu.memory_space<vmem>>, vector<1x16xf32>,
        %mul3A_871 = arith.constant 8 : i32
        %mul3A_872 = arith.muli %scan3A_785, %mul3A_871 : i32
        %add3A_873 = arith.constant 7 : i32
        %add3A_874 = arith.addi %mul3A_872, %add3A_873 : i32
        %mul3A_875 = arith.constant 16 : i32
        %mul3A_876 = arith.muli %add3A_874, %mul3A_875 : i32
        %swap3A_877 = arith.constant 0 : i32
        %swap3A_878 = arith.index_cast %swap3A_877 : i32 to index
        %swap3A_879 = arith.index_cast %mul3A_876 : i32 to index
        %swap3A_880 = tpu.vector_load %arg13[%swap3A_878, %swap3A_879] {strides = array<i32>} : memref<1x2048xf32, #tpu.memory_space<vmem>>, vector<1x16xf32>,
        %swap3A_881 = vector.shape_cast %swap3A_880 : vector<1x16xf32> to vector<16xf32>
        %swap3A_882 = vector.shape_cast %broadcast_in_dim3A_287 : vector<16xf32> to vector<1x16xf32>
        tpu.vector_store %arg13[%swap3A_878, %swap3A_879], %swap3A_882 {strides = array<i32>} : memref<1x2048xf32, #tpu.memory_space<vmem>>, vector<1x16xf32>,
        %scan3A_883 = arith.constant 0 : i32
        scf.yield %scan3A_883 : i32
      }
      %scan3A_784 = arith.constant 16 : i32
    } else {
    }
    %slice3A_353 = vector.extract_strided_slice %get3A_285 {offsets = [5], sizes = [1], strides = [1]} : vector<16xi32> to vector<1xi32>
    %squeeze3A_354 = vector.extract %slice3A_353[0] : i32 from vector<1xi32>
    %ne3A_355 = arith.constant 0 : i32
    %ne3A_356 = arith.cmpi ne, %squeeze3A_354, %ne3A_355 : i32
    %convert_element_type3A_357 = arith.extui %ne3A_356 : i1 to i32
    %cond3A_358 = arith.constant 0 : i32
    %cond3A_359 = arith.cmpi ne, %convert_element_type3A_357, %cond3A_358 : i32
    scf.if %cond3A_359 {
      %dma_start3A_779 = arith.constant 80 : i32
      %dma_start3A_780 = tpu.memref_slice %arg8[%dma_start3A_779] : memref<256xi32, #tpu.memory_space<vmem>> -> memref<1xi32, #tpu.memory_space<vmem>>
      %dma_start3A_781 = arith.constant 0 : i32
      %dma_start3A_782 = arith.constant 0 : i32
      %dma_start3A_783 = tpu.memref_slice %arg2[%dma_start3A_781, %dma_start3A_782] : memref<16384x2048xf32, #tpu.memory_space<hbm>> -> memref<16384x2048xf32, #tpu.memory_space<hbm>>
      tpu.enqueue_indirect_dma source(%dma_start3A_783 : memref<16384x2048xf32, #tpu.memory_space<hbm>>) target(%arg14 : memref<1x2048xf32, #tpu.memory_space<vmem>>) offsets(%dma_start3A_780 : memref<1xi32, #tpu.memory_space<vmem>>) semaphore(%arg27 : memref<!tpu.dma_semaphore, #tpu.memory_space<semaphore_mem>>)
    } else {
    }
    %slice3A_360 = vector.extract_strided_slice %get3A_285 {offsets = [5], sizes = [1], strides = [1]} : vector<16xi32> to vector<1xi32>
    %squeeze3A_361 = vector.extract %slice3A_360[0] : i32 from vector<1xi32>
    %eq3A_362 = arith.constant 0 : i32
    %eq3A_363 = arith.cmpi eq, %squeeze3A_361, %eq3A_362 : i32
    %convert_element_type3A_364 = arith.extui %eq3A_363 : i1 to i32
    %cond3A_365 = arith.constant 0 : i32
    %cond3A_366 = arith.cmpi ne, %convert_element_type3A_364, %cond3A_365 : i32
    scf.if %cond3A_366 {
      %scan3A = arith.constant 0 : i32
      %scan3A_779 = arith.constant 0 : i32
      %scan3A_780 = arith.constant 16 : i32
      %scan3A_781 = arith.addi %scan3A_779, %scan3A_780 : i32
      %scan3A_782 = arith.constant 1 : i32
      %scan3A_783 = scf.for %scan3A_785 = %scan3A_779 to %scan3A_781 step %scan3A_782 iter_args(%scan3A_786 = %scan3A) -> (i32)  : i32 {
        %mul3A_787 = arith.constant 8 : i32
        %mul3A_788 = arith.muli %scan3A_785, %mul3A_787 : i32
        %add3A_789 = arith.constant 0 : i32
        %add3A_790 = arith.addi %mul3A_788, %add3A_789 : i32
        %mul3A_791 = arith.constant 16 : i32
        %mul3A_792 = arith.muli %add3A_790, %mul3A_791 : i32
        %swap3A_793 = arith.constant 0 : i32
        %swap3A_794 = arith.index_cast %swap3A_793 : i32 to index
        %swap3A_795 = arith.index_cast %mul3A_792 : i32 to index
        %swap3A_796 = tpu.vector_load %arg14[%swap3A_794, %swap3A_795] {strides = array<i32>} : memref<1x2048xf32, #tpu.memory_space<vmem>>, vector<1x16xf32>,
        %swap3A_797 = vector.shape_cast %swap3A_796 : vector<1x16xf32> to vector<16xf32>
        %swap3A_798 = vector.shape_cast %broadcast_in_dim3A_287 : vector<16xf32> to vector<1x16xf32>
        tpu.vector_store %arg14[%swap3A_794, %swap3A_795], %swap3A_798 {strides = array<i32>} : memref<1x2048xf32, #tpu.memory_space<vmem>>, vector<1x16xf32>,
        %mul3A_799 = arith.constant 8 : i32
        %mul3A_800 = arith.muli %scan3A_785, %mul3A_799 : i32
        %add3A_801 = arith.constant 1 : i32
        %add3A_802 = arith.addi %mul3A_800, %add3A_801 : i32
        %mul3A_803 = arith.constant 16 : i32
        %mul3A_804 = arith.muli %add3A_802, %mul3A_803 : i32
        %swap3A_805 = arith.constant 0 : i32
        %swap3A_806 = arith.index_cast %swap3A_805 : i32 to index
        %swap3A_807 = arith.index_cast %mul3A_804 : i32 to index
        %swap3A_808 = tpu.vector_load %arg14[%swap3A_806, %swap3A_807] {strides = array<i32>} : memref<1x2048xf32, #tpu.memory_space<vmem>>, vector<1x16xf32>,
        %swap3A_809 = vector.shape_cast %swap3A_808 : vector<1x16xf32> to vector<16xf32>
        %swap3A_810 = vector.shape_cast %broadcast_in_dim3A_287 : vector<16xf32> to vector<1x16xf32>
        tpu.vector_store %arg14[%swap3A_806, %swap3A_807], %swap3A_810 {strides = array<i32>} : memref<1x2048xf32, #tpu.memory_space<vmem>>, vector<1x16xf32>,
        %mul3A_811 = arith.constant 8 : i32
        %mul3A_812 = arith.muli %scan3A_785, %mul3A_811 : i32
        %add3A_813 = arith.constant 2 : i32
        %add3A_814 = arith.addi %mul3A_812, %add3A_813 : i32
        %mul3A_815 = arith.constant 16 : i32
        %mul3A_816 = arith.muli %add3A_814, %mul3A_815 : i32
        %swap3A_817 = arith.constant 0 : i32
        %swap3A_818 = arith.index_cast %swap3A_817 : i32 to index
        %swap3A_819 = arith.index_cast %mul3A_816 : i32 to index
        %swap3A_820 = tpu.vector_load %arg14[%swap3A_818, %swap3A_819] {strides = array<i32>} : memref<1x2048xf32, #tpu.memory_space<vmem>>, vector<1x16xf32>,
        %swap3A_821 = vector.shape_cast %swap3A_820 : vector<1x16xf32> to vector<16xf32>
        %swap3A_822 = vector.shape_cast %broadcast_in_dim3A_287 : vector<16xf32> to vector<1x16xf32>
        tpu.vector_store %arg14[%swap3A_818, %swap3A_819], %swap3A_822 {strides = array<i32>} : memref<1x2048xf32, #tpu.memory_space<vmem>>, vector<1x16xf32>,
        %mul3A_823 = arith.constant 8 : i32
        %mul3A_824 = arith.muli %scan3A_785, %mul3A_823 : i32
        %add3A_825 = arith.constant 3 : i32
        %add3A_826 = arith.addi %mul3A_824, %add3A_825 : i32
        %mul3A_827 = arith.constant 16 : i32
        %mul3A_828 = arith.muli %add3A_826, %mul3A_827 : i32
        %swap3A_829 = arith.constant 0 : i32
        %swap3A_830 = arith.index_cast %swap3A_829 : i32 to index
        %swap3A_831 = arith.index_cast %mul3A_828 : i32 to index
        %swap3A_832 = tpu.vector_load %arg14[%swap3A_830, %swap3A_831] {strides = array<i32>} : memref<1x2048xf32, #tpu.memory_space<vmem>>, vector<1x16xf32>,
        %swap3A_833 = vector.shape_cast %swap3A_832 : vector<1x16xf32> to vector<16xf32>
        %swap3A_834 = vector.shape_cast %broadcast_in_dim3A_287 : vector<16xf32> to vector<1x16xf32>
        tpu.vector_store %arg14[%swap3A_830, %swap3A_831], %swap3A_834 {strides = array<i32>} : memref<1x2048xf32, #tpu.memory_space<vmem>>, vector<1x16xf32>,
        %mul3A_835 = arith.constant 8 : i32
        %mul3A_836 = arith.muli %scan3A_785, %mul3A_835 : i32
        %add3A_837 = arith.constant 4 : i32
        %add3A_838 = arith.addi %mul3A_836, %add3A_837 : i32
        %mul3A_839 = arith.constant 16 : i32
        %mul3A_840 = arith.muli %add3A_838, %mul3A_839 : i32
        %swap3A_841 = arith.constant 0 : i32
        %swap3A_842 = arith.index_cast %swap3A_841 : i32 to index
        %swap3A_843 = arith.index_cast %mul3A_840 : i32 to index
        %swap3A_844 = tpu.vector_load %arg14[%swap3A_842, %swap3A_843] {strides = array<i32>} : memref<1x2048xf32, #tpu.memory_space<vmem>>, vector<1x16xf32>,
        %swap3A_845 = vector.shape_cast %swap3A_844 : vector<1x16xf32> to vector<16xf32>
        %swap3A_846 = vector.shape_cast %broadcast_in_dim3A_287 : vector<16xf32> to vector<1x16xf32>
        tpu.vector_store %arg14[%swap3A_842, %swap3A_843], %swap3A_846 {strides = array<i32>} : memref<1x2048xf32, #tpu.memory_space<vmem>>, vector<1x16xf32>,
        %mul3A_847 = arith.constant 8 : i32
        %mul3A_848 = arith.muli %scan3A_785, %mul3A_847 : i32
        %add3A_849 = arith.constant 5 : i32
        %add3A_850 = arith.addi %mul3A_848, %add3A_849 : i32
        %mul3A_851 = arith.constant 16 : i32
        %mul3A_852 = arith.muli %add3A_850, %mul3A_851 : i32
        %swap3A_853 = arith.constant 0 : i32
        %swap3A_854 = arith.index_cast %swap3A_853 : i32 to index
        %swap3A_855 = arith.index_cast %mul3A_852 : i32 to index
        %swap3A_856 = tpu.vector_load %arg14[%swap3A_854, %swap3A_855] {strides = array<i32>} : memref<1x2048xf32, #tpu.memory_space<vmem>>, vector<1x16xf32>,
        %swap3A_857 = vector.shape_cast %swap3A_856 : vector<1x16xf32> to vector<16xf32>
        %swap3A_858 = vector.shape_cast %broadcast_in_dim3A_287 : vector<16xf32> to vector<1x16xf32>
        tpu.vector_store %arg14[%swap3A_854, %swap3A_855], %swap3A_858 {strides = array<i32>} : memref<1x2048xf32, #tpu.memory_space<vmem>>, vector<1x16xf32>,
        %mul3A_859 = arith.constant 8 : i32
        %mul3A_860 = arith.muli %scan3A_785, %mul3A_859 : i32
        %add3A_861 = arith.constant 6 : i32
        %add3A_862 = arith.addi %mul3A_860, %add3A_861 : i32
        %mul3A_863 = arith.constant 16 : i32
        %mul3A_864 = arith.muli %add3A_862, %mul3A_863 : i32
        %swap3A_865 = arith.constant 0 : i32
        %swap3A_866 = arith.index_cast %swap3A_865 : i32 to index
        %swap3A_867 = arith.index_cast %mul3A_864 : i32 to index
        %swap3A_868 = tpu.vector_load %arg14[%swap3A_866, %swap3A_867] {strides = array<i32>} : memref<1x2048xf32, #tpu.memory_space<vmem>>, vector<1x16xf32>,
        %swap3A_869 = vector.shape_cast %swap3A_868 : vector<1x16xf32> to vector<16xf32>
        %swap3A_870 = vector.shape_cast %broadcast_in_dim3A_287 : vector<16xf32> to vector<1x16xf32>
        tpu.vector_store %arg14[%swap3A_866, %swap3A_867], %swap3A_870 {strides = array<i32>} : memref<1x2048xf32, #tpu.memory_space<vmem>>, vector<1x16xf32>,
        %mul3A_871 = arith.constant 8 : i32
        %mul3A_872 = arith.muli %scan3A_785, %mul3A_871 : i32
        %add3A_873 = arith.constant 7 : i32
        %add3A_874 = arith.addi %mul3A_872, %add3A_873 : i32
        %mul3A_875 = arith.constant 16 : i32
        %mul3A_876 = arith.muli %add3A_874, %mul3A_875 : i32
        %swap3A_877 = arith.constant 0 : i32
        %swap3A_878 = arith.index_cast %swap3A_877 : i32 to index
        %swap3A_879 = arith.index_cast %mul3A_876 : i32 to index
        %swap3A_880 = tpu.vector_load %arg14[%swap3A_878, %swap3A_879] {strides = array<i32>} : memref<1x2048xf32, #tpu.memory_space<vmem>>, vector<1x16xf32>,
        %swap3A_881 = vector.shape_cast %swap3A_880 : vector<1x16xf32> to vector<16xf32>
        %swap3A_882 = vector.shape_cast %broadcast_in_dim3A_287 : vector<16xf32> to vector<1x16xf32>
        tpu.vector_store %arg14[%swap3A_878, %swap3A_879], %swap3A_882 {strides = array<i32>} : memref<1x2048xf32, #tpu.memory_space<vmem>>, vector<1x16xf32>,
        %scan3A_883 = arith.constant 0 : i32
        scf.yield %scan3A_883 : i32
      }
      %scan3A_784 = arith.constant 16 : i32
    } else {
    }
    %slice3A_367 = vector.extract_strided_slice %get3A_285 {offsets = [6], sizes = [1], strides = [1]} : vector<16xi32> to vector<1xi32>
    %squeeze3A_368 = vector.extract %slice3A_367[0] : i32 from vector<1xi32>
    %ne3A_369 = arith.constant 0 : i32
    %ne3A_370 = arith.cmpi ne, %squeeze3A_368, %ne3A_369 : i32
    %convert_element_type3A_371 = arith.extui %ne3A_370 : i1 to i32
    %cond3A_372 = arith.constant 0 : i32
    %cond3A_373 = arith.cmpi ne, %convert_element_type3A_371, %cond3A_372 : i32
    scf.if %cond3A_373 {
      %dma_start3A_779 = arith.constant 96 : i32
      %dma_start3A_780 = tpu.memref_slice %arg8[%dma_start3A_779] : memref<256xi32, #tpu.memory_space<vmem>> -> memref<1xi32, #tpu.memory_space<vmem>>
      %dma_start3A_781 = arith.constant 0 : i32
      %dma_start3A_782 = arith.constant 0 : i32
      %dma_start3A_783 = tpu.memref_slice %arg2[%dma_start3A_781, %dma_start3A_782] : memref<16384x2048xf32, #tpu.memory_space<hbm>> -> memref<16384x2048xf32, #tpu.memory_space<hbm>>
      tpu.enqueue_indirect_dma source(%dma_start3A_783 : memref<16384x2048xf32, #tpu.memory_space<hbm>>) target(%arg15 : memref<1x2048xf32, #tpu.memory_space<vmem>>) offsets(%dma_start3A_780 : memref<1xi32, #tpu.memory_space<vmem>>) semaphore(%arg27 : memref<!tpu.dma_semaphore, #tpu.memory_space<semaphore_mem>>)
    } else {
    }
    %slice3A_374 = vector.extract_strided_slice %get3A_285 {offsets = [6], sizes = [1], strides = [1]} : vector<16xi32> to vector<1xi32>
    %squeeze3A_375 = vector.extract %slice3A_374[0] : i32 from vector<1xi32>
    %eq3A_376 = arith.constant 0 : i32
    %eq3A_377 = arith.cmpi eq, %squeeze3A_375, %eq3A_376 : i32
    %convert_element_type3A_378 = arith.extui %eq3A_377 : i1 to i32
    %cond3A_379 = arith.constant 0 : i32
    %cond3A_380 = arith.cmpi ne, %convert_element_type3A_378, %cond3A_379 : i32
    scf.if %cond3A_380 {
      %scan3A = arith.constant 0 : i32
      %scan3A_779 = arith.constant 0 : i32
      %scan3A_780 = arith.constant 16 : i32
      %scan3A_781 = arith.addi %scan3A_779, %scan3A_780 : i32
      %scan3A_782 = arith.constant 1 : i32
      %scan3A_783 = scf.for %scan3A_785 = %scan3A_779 to %scan3A_781 step %scan3A_782 iter_args(%scan3A_786 = %scan3A) -> (i32)  : i32 {
        %mul3A_787 = arith.constant 8 : i32
        %mul3A_788 = arith.muli %scan3A_785, %mul3A_787 : i32
        %add3A_789 = arith.constant 0 : i32
        %add3A_790 = arith.addi %mul3A_788, %add3A_789 : i32
        %mul3A_791 = arith.constant 16 : i32
        %mul3A_792 = arith.muli %add3A_790, %mul3A_791 : i32
        %swap3A_793 = arith.constant 0 : i32
        %swap3A_794 = arith.index_cast %swap3A_793 : i32 to index
        %swap3A_795 = arith.index_cast %mul3A_792 : i32 to index
        %swap3A_796 = tpu.vector_load %arg15[%swap3A_794, %swap3A_795] {strides = array<i32>} : memref<1x2048xf32, #tpu.memory_space<vmem>>, vector<1x16xf32>,
        %swap3A_797 = vector.shape_cast %swap3A_796 : vector<1x16xf32> to vector<16xf32>
        %swap3A_798 = vector.shape_cast %broadcast_in_dim3A_287 : vector<16xf32> to vector<1x16xf32>
        tpu.vector_store %arg15[%swap3A_794, %swap3A_795], %swap3A_798 {strides = array<i32>} : memref<1x2048xf32, #tpu.memory_space<vmem>>, vector<1x16xf32>,
        %mul3A_799 = arith.constant 8 : i32
        %mul3A_800 = arith.muli %scan3A_785, %mul3A_799 : i32
        %add3A_801 = arith.constant 1 : i32
        %add3A_802 = arith.addi %mul3A_800, %add3A_801 : i32
        %mul3A_803 = arith.constant 16 : i32
        %mul3A_804 = arith.muli %add3A_802, %mul3A_803 : i32
        %swap3A_805 = arith.constant 0 : i32
        %swap3A_806 = arith.index_cast %swap3A_805 : i32 to index
        %swap3A_807 = arith.index_cast %mul3A_804 : i32 to index
        %swap3A_808 = tpu.vector_load %arg15[%swap3A_806, %swap3A_807] {strides = array<i32>} : memref<1x2048xf32, #tpu.memory_space<vmem>>, vector<1x16xf32>,
        %swap3A_809 = vector.shape_cast %swap3A_808 : vector<1x16xf32> to vector<16xf32>
        %swap3A_810 = vector.shape_cast %broadcast_in_dim3A_287 : vector<16xf32> to vector<1x16xf32>
        tpu.vector_store %arg15[%swap3A_806, %swap3A_807], %swap3A_810 {strides = array<i32>} : memref<1x2048xf32, #tpu.memory_space<vmem>>, vector<1x16xf32>,
        %mul3A_811 = arith.constant 8 : i32
        %mul3A_812 = arith.muli %scan3A_785, %mul3A_811 : i32
        %add3A_813 = arith.constant 2 : i32
        %add3A_814 = arith.addi %mul3A_812, %add3A_813 : i32
        %mul3A_815 = arith.constant 16 : i32
        %mul3A_816 = arith.muli %add3A_814, %mul3A_815 : i32
        %swap3A_817 = arith.constant 0 : i32
        %swap3A_818 = arith.index_cast %swap3A_817 : i32 to index
        %swap3A_819 = arith.index_cast %mul3A_816 : i32 to index
        %swap3A_820 = tpu.vector_load %arg15[%swap3A_818, %swap3A_819] {strides = array<i32>} : memref<1x2048xf32, #tpu.memory_space<vmem>>, vector<1x16xf32>,
        %swap3A_821 = vector.shape_cast %swap3A_820 : vector<1x16xf32> to vector<16xf32>
        %swap3A_822 = vector.shape_cast %broadcast_in_dim3A_287 : vector<16xf32> to vector<1x16xf32>
        tpu.vector_store %arg15[%swap3A_818, %swap3A_819], %swap3A_822 {strides = array<i32>} : memref<1x2048xf32, #tpu.memory_space<vmem>>, vector<1x16xf32>,
        %mul3A_823 = arith.constant 8 : i32
        %mul3A_824 = arith.muli %scan3A_785, %mul3A_823 : i32
        %add3A_825 = arith.constant 3 : i32
        %add3A_826 = arith.addi %mul3A_824, %add3A_825 : i32
        %mul3A_827 = arith.constant 16 : i32
        %mul3A_828 = arith.muli %add3A_826, %mul3A_827 : i32
        %swap3A_829 = arith.constant 0 : i32
        %swap3A_830 = arith.index_cast %swap3A_829 : i32 to index
        %swap3A_831 = arith.index_cast %mul3A_828 : i32 to index
        %swap3A_832 = tpu.vector_load %arg15[%swap3A_830, %swap3A_831] {strides = array<i32>} : memref<1x2048xf32, #tpu.memory_space<vmem>>, vector<1x16xf32>,
        %swap3A_833 = vector.shape_cast %swap3A_832 : vector<1x16xf32> to vector<16xf32>
        %swap3A_834 = vector.shape_cast %broadcast_in_dim3A_287 : vector<16xf32> to vector<1x16xf32>
        tpu.vector_store %arg15[%swap3A_830, %swap3A_831], %swap3A_834 {strides = array<i32>} : memref<1x2048xf32, #tpu.memory_space<vmem>>, vector<1x16xf32>,
        %mul3A_835 = arith.constant 8 : i32
        %mul3A_836 = arith.muli %scan3A_785, %mul3A_835 : i32
        %add3A_837 = arith.constant 4 : i32
        %add3A_838 = arith.addi %mul3A_836, %add3A_837 : i32
        %mul3A_839 = arith.constant 16 : i32
        %mul3A_840 = arith.muli %add3A_838, %mul3A_839 : i32
        %swap3A_841 = arith.constant 0 : i32
        %swap3A_842 = arith.index_cast %swap3A_841 : i32 to index
        %swap3A_843 = arith.index_cast %mul3A_840 : i32 to index
        %swap3A_844 = tpu.vector_load %arg15[%swap3A_842, %swap3A_843] {strides = array<i32>} : memref<1x2048xf32, #tpu.memory_space<vmem>>, vector<1x16xf32>,
        %swap3A_845 = vector.shape_cast %swap3A_844 : vector<1x16xf32> to vector<16xf32>
        %swap3A_846 = vector.shape_cast %broadcast_in_dim3A_287 : vector<16xf32> to vector<1x16xf32>
        tpu.vector_store %arg15[%swap3A_842, %swap3A_843], %swap3A_846 {strides = array<i32>} : memref<1x2048xf32, #tpu.memory_space<vmem>>, vector<1x16xf32>,
        %mul3A_847 = arith.constant 8 : i32
        %mul3A_848 = arith.muli %scan3A_785, %mul3A_847 : i32
        %add3A_849 = arith.constant 5 : i32
        %add3A_850 = arith.addi %mul3A_848, %add3A_849 : i32
        %mul3A_851 = arith.constant 16 : i32
        %mul3A_852 = arith.muli %add3A_850, %mul3A_851 : i32
        %swap3A_853 = arith.constant 0 : i32
        %swap3A_854 = arith.index_cast %swap3A_853 : i32 to index
        %swap3A_855 = arith.index_cast %mul3A_852 : i32 to index
        %swap3A_856 = tpu.vector_load %arg15[%swap3A_854, %swap3A_855] {strides = array<i32>} : memref<1x2048xf32, #tpu.memory_space<vmem>>, vector<1x16xf32>,
        %swap3A_857 = vector.shape_cast %swap3A_856 : vector<1x16xf32> to vector<16xf32>
        %swap3A_858 = vector.shape_cast %broadcast_in_dim3A_287 : vector<16xf32> to vector<1x16xf32>
        tpu.vector_store %arg15[%swap3A_854, %swap3A_855], %swap3A_858 {strides = array<i32>} : memref<1x2048xf32, #tpu.memory_space<vmem>>, vector<1x16xf32>,
        %mul3A_859 = arith.constant 8 : i32
        %mul3A_860 = arith.muli %scan3A_785, %mul3A_859 : i32
        %add3A_861 = arith.constant 6 : i32
        %add3A_862 = arith.addi %mul3A_860, %add3A_861 : i32
        %mul3A_863 = arith.constant 16 : i32
        %mul3A_864 = arith.muli %add3A_862, %mul3A_863 : i32
        %swap3A_865 = arith.constant 0 : i32
        %swap3A_866 = arith.index_cast %swap3A_865 : i32 to index
        %swap3A_867 = arith.index_cast %mul3A_864 : i32 to index
        %swap3A_868 = tpu.vector_load %arg15[%swap3A_866, %swap3A_867] {strides = array<i32>} : memref<1x2048xf32, #tpu.memory_space<vmem>>, vector<1x16xf32>,
        %swap3A_869 = vector.shape_cast %swap3A_868 : vector<1x16xf32> to vector<16xf32>
        %swap3A_870 = vector.shape_cast %broadcast_in_dim3A_287 : vector<16xf32> to vector<1x16xf32>
        tpu.vector_store %arg15[%swap3A_866, %swap3A_867], %swap3A_870 {strides = array<i32>} : memref<1x2048xf32, #tpu.memory_space<vmem>>, vector<1x16xf32>,
        %mul3A_871 = arith.constant 8 : i32
        %mul3A_872 = arith.muli %scan3A_785, %mul3A_871 : i32
        %add3A_873 = arith.constant 7 : i32
        %add3A_874 = arith.addi %mul3A_872, %add3A_873 : i32
        %mul3A_875 = arith.constant 16 : i32
        %mul3A_876 = arith.muli %add3A_874, %mul3A_875 : i32
        %swap3A_877 = arith.constant 0 : i32
        %swap3A_878 = arith.index_cast %swap3A_877 : i32 to index
        %swap3A_879 = arith.index_cast %mul3A_876 : i32 to index
        %swap3A_880 = tpu.vector_load %arg15[%swap3A_878, %swap3A_879] {strides = array<i32>} : memref<1x2048xf32, #tpu.memory_space<vmem>>, vector<1x16xf32>,
        %swap3A_881 = vector.shape_cast %swap3A_880 : vector<1x16xf32> to vector<16xf32>
        %swap3A_882 = vector.shape_cast %broadcast_in_dim3A_287 : vector<16xf32> to vector<1x16xf32>
        tpu.vector_store %arg15[%swap3A_878, %swap3A_879], %swap3A_882 {strides = array<i32>} : memref<1x2048xf32, #tpu.memory_space<vmem>>, vector<1x16xf32>,
        %scan3A_883 = arith.constant 0 : i32
        scf.yield %scan3A_883 : i32
      }
      %scan3A_784 = arith.constant 16 : i32
    } else {
    }
    %slice3A_381 = vector.extract_strided_slice %get3A_285 {offsets = [7], sizes = [1], strides = [1]} : vector<16xi32> to vector<1xi32>
    %squeeze3A_382 = vector.extract %slice3A_381[0] : i32 from vector<1xi32>
    %ne3A_383 = arith.constant 0 : i32
    %ne3A_384 = arith.cmpi ne, %squeeze3A_382, %ne3A_383 : i32
    %convert_element_type3A_385 = arith.extui %ne3A_384 : i1 to i32
    %cond3A_386 = arith.constant 0 : i32
    %cond3A_387 = arith.cmpi ne, %convert_element_type3A_385, %cond3A_386 : i32
    scf.if %cond3A_387 {
      %dma_start3A_779 = arith.constant 112 : i32
      %dma_start3A_780 = tpu.memref_slice %arg8[%dma_start3A_779] : memref<256xi32, #tpu.memory_space<vmem>> -> memref<1xi32, #tpu.memory_space<vmem>>
      %dma_start3A_781 = arith.constant 0 : i32
      %dma_start3A_782 = arith.constant 0 : i32
      %dma_start3A_783 = tpu.memref_slice %arg2[%dma_start3A_781, %dma_start3A_782] : memref<16384x2048xf32, #tpu.memory_space<hbm>> -> memref<16384x2048xf32, #tpu.memory_space<hbm>>
      tpu.enqueue_indirect_dma source(%dma_start3A_783 : memref<16384x2048xf32, #tpu.memory_space<hbm>>) target(%arg16 : memref<1x2048xf32, #tpu.memory_space<vmem>>) offsets(%dma_start3A_780 : memref<1xi32, #tpu.memory_space<vmem>>) semaphore(%arg27 : memref<!tpu.dma_semaphore, #tpu.memory_space<semaphore_mem>>)
    } else {
    }
    %slice3A_388 = vector.extract_strided_slice %get3A_285 {offsets = [7], sizes = [1], strides = [1]} : vector<16xi32> to vector<1xi32>
    %squeeze3A_389 = vector.extract %slice3A_388[0] : i32 from vector<1xi32>
    %eq3A_390 = arith.constant 0 : i32
    %eq3A_391 = arith.cmpi eq, %squeeze3A_389, %eq3A_390 : i32
    %convert_element_type3A_392 = arith.extui %eq3A_391 : i1 to i32
    %cond3A_393 = arith.constant 0 : i32
    %cond3A_394 = arith.cmpi ne, %convert_element_type3A_392, %cond3A_393 : i32
    scf.if %cond3A_394 {
      %scan3A = arith.constant 0 : i32
      %scan3A_779 = arith.constant 0 : i32
      %scan3A_780 = arith.constant 16 : i32
      %scan3A_781 = arith.addi %scan3A_779, %scan3A_780 : i32
      %scan3A_782 = arith.constant 1 : i32
      %scan3A_783 = scf.for %scan3A_785 = %scan3A_779 to %scan3A_781 step %scan3A_782 iter_args(%scan3A_786 = %scan3A) -> (i32)  : i32 {
        %mul3A_787 = arith.constant 8 : i32
        %mul3A_788 = arith.muli %scan3A_785, %mul3A_787 : i32
        %add3A_789 = arith.constant 0 : i32
        %add3A_790 = arith.addi %mul3A_788, %add3A_789 : i32
        %mul3A_791 = arith.constant 16 : i32
        %mul3A_792 = arith.muli %add3A_790, %mul3A_791 : i32
        %swap3A_793 = arith.constant 0 : i32
        %swap3A_794 = arith.index_cast %swap3A_793 : i32 to index
        %swap3A_795 = arith.index_cast %mul3A_792 : i32 to index
        %swap3A_796 = tpu.vector_load %arg16[%swap3A_794, %swap3A_795] {strides = array<i32>} : memref<1x2048xf32, #tpu.memory_space<vmem>>, vector<1x16xf32>,
        %swap3A_797 = vector.shape_cast %swap3A_796 : vector<1x16xf32> to vector<16xf32>
        %swap3A_798 = vector.shape_cast %broadcast_in_dim3A_287 : vector<16xf32> to vector<1x16xf32>
        tpu.vector_store %arg16[%swap3A_794, %swap3A_795], %swap3A_798 {strides = array<i32>} : memref<1x2048xf32, #tpu.memory_space<vmem>>, vector<1x16xf32>,
        %mul3A_799 = arith.constant 8 : i32
        %mul3A_800 = arith.muli %scan3A_785, %mul3A_799 : i32
        %add3A_801 = arith.constant 1 : i32
        %add3A_802 = arith.addi %mul3A_800, %add3A_801 : i32
        %mul3A_803 = arith.constant 16 : i32
        %mul3A_804 = arith.muli %add3A_802, %mul3A_803 : i32
        %swap3A_805 = arith.constant 0 : i32
        %swap3A_806 = arith.index_cast %swap3A_805 : i32 to index
        %swap3A_807 = arith.index_cast %mul3A_804 : i32 to index
        %swap3A_808 = tpu.vector_load %arg16[%swap3A_806, %swap3A_807] {strides = array<i32>} : memref<1x2048xf32, #tpu.memory_space<vmem>>, vector<1x16xf32>,
        %swap3A_809 = vector.shape_cast %swap3A_808 : vector<1x16xf32> to vector<16xf32>
        %swap3A_810 = vector.shape_cast %broadcast_in_dim3A_287 : vector<16xf32> to vector<1x16xf32>
        tpu.vector_store %arg16[%swap3A_806, %swap3A_807], %swap3A_810 {strides = array<i32>} : memref<1x2048xf32, #tpu.memory_space<vmem>>, vector<1x16xf32>,
        %mul3A_811 = arith.constant 8 : i32
        %mul3A_812 = arith.muli %scan3A_785, %mul3A_811 : i32
        %add3A_813 = arith.constant 2 : i32
        %add3A_814 = arith.addi %mul3A_812, %add3A_813 : i32
        %mul3A_815 = arith.constant 16 : i32
        %mul3A_816 = arith.muli %add3A_814, %mul3A_815 : i32
        %swap3A_817 = arith.constant 0 : i32
        %swap3A_818 = arith.index_cast %swap3A_817 : i32 to index
        %swap3A_819 = arith.index_cast %mul3A_816 : i32 to index
        %swap3A_820 = tpu.vector_load %arg16[%swap3A_818, %swap3A_819] {strides = array<i32>} : memref<1x2048xf32, #tpu.memory_space<vmem>>, vector<1x16xf32>,
        %swap3A_821 = vector.shape_cast %swap3A_820 : vector<1x16xf32> to vector<16xf32>
        %swap3A_822 = vector.shape_cast %broadcast_in_dim3A_287 : vector<16xf32> to vector<1x16xf32>
        tpu.vector_store %arg16[%swap3A_818, %swap3A_819], %swap3A_822 {strides = array<i32>} : memref<1x2048xf32, #tpu.memory_space<vmem>>, vector<1x16xf32>,
        %mul3A_823 = arith.constant 8 : i32
        %mul3A_824 = arith.muli %scan3A_785, %mul3A_823 : i32
        %add3A_825 = arith.constant 3 : i32
        %add3A_826 = arith.addi %mul3A_824, %add3A_825 : i32
        %mul3A_827 = arith.constant 16 : i32
        %mul3A_828 = arith.muli %add3A_826, %mul3A_827 : i32
        %swap3A_829 = arith.constant 0 : i32
        %swap3A_830 = arith.index_cast %swap3A_829 : i32 to index
        %swap3A_831 = arith.index_cast %mul3A_828 : i32 to index
        %swap3A_832 = tpu.vector_load %arg16[%swap3A_830, %swap3A_831] {strides = array<i32>} : memref<1x2048xf32, #tpu.memory_space<vmem>>, vector<1x16xf32>,
        %swap3A_833 = vector.shape_cast %swap3A_832 : vector<1x16xf32> to vector<16xf32>
        %swap3A_834 = vector.shape_cast %broadcast_in_dim3A_287 : vector<16xf32> to vector<1x16xf32>
        tpu.vector_store %arg16[%swap3A_830, %swap3A_831], %swap3A_834 {strides = array<i32>} : memref<1x2048xf32, #tpu.memory_space<vmem>>, vector<1x16xf32>,
        %mul3A_835 = arith.constant 8 : i32
        %mul3A_836 = arith.muli %scan3A_785, %mul3A_835 : i32
        %add3A_837 = arith.constant 4 : i32
        %add3A_838 = arith.addi %mul3A_836, %add3A_837 : i32
        %mul3A_839 = arith.constant 16 : i32
        %mul3A_840 = arith.muli %add3A_838, %mul3A_839 : i32
        %swap3A_841 = arith.constant 0 : i32
        %swap3A_842 = arith.index_cast %swap3A_841 : i32 to index
        %swap3A_843 = arith.index_cast %mul3A_840 : i32 to index
        %swap3A_844 = tpu.vector_load %arg16[%swap3A_842, %swap3A_843] {strides = array<i32>} : memref<1x2048xf32, #tpu.memory_space<vmem>>, vector<1x16xf32>,
        %swap3A_845 = vector.shape_cast %swap3A_844 : vector<1x16xf32> to vector<16xf32>
        %swap3A_846 = vector.shape_cast %broadcast_in_dim3A_287 : vector<16xf32> to vector<1x16xf32>
        tpu.vector_store %arg16[%swap3A_842, %swap3A_843], %swap3A_846 {strides = array<i32>} : memref<1x2048xf32, #tpu.memory_space<vmem>>, vector<1x16xf32>,
        %mul3A_847 = arith.constant 8 : i32
        %mul3A_848 = arith.muli %scan3A_785, %mul3A_847 : i32
        %add3A_849 = arith.constant 5 : i32
        %add3A_850 = arith.addi %mul3A_848, %add3A_849 : i32
        %mul3A_851 = arith.constant 16 : i32
        %mul3A_852 = arith.muli %add3A_850, %mul3A_851 : i32
        %swap3A_853 = arith.constant 0 : i32
        %swap3A_854 = arith.index_cast %swap3A_853 : i32 to index
        %swap3A_855 = arith.index_cast %mul3A_852 : i32 to index
        %swap3A_856 = tpu.vector_load %arg16[%swap3A_854, %swap3A_855] {strides = array<i32>} : memref<1x2048xf32, #tpu.memory_space<vmem>>, vector<1x16xf32>,
        %swap3A_857 = vector.shape_cast %swap3A_856 : vector<1x16xf32> to vector<16xf32>
        %swap3A_858 = vector.shape_cast %broadcast_in_dim3A_287 : vector<16xf32> to vector<1x16xf32>
        tpu.vector_store %arg16[%swap3A_854, %swap3A_855], %swap3A_858 {strides = array<i32>} : memref<1x2048xf32, #tpu.memory_space<vmem>>, vector<1x16xf32>,
        %mul3A_859 = arith.constant 8 : i32
        %mul3A_860 = arith.muli %scan3A_785, %mul3A_859 : i32
        %add3A_861 = arith.constant 6 : i32
        %add3A_862 = arith.addi %mul3A_860, %add3A_861 : i32
        %mul3A_863 = arith.constant 16 : i32
        %mul3A_864 = arith.muli %add3A_862, %mul3A_863 : i32
        %swap3A_865 = arith.constant 0 : i32
        %swap3A_866 = arith.index_cast %swap3A_865 : i32 to index
        %swap3A_867 = arith.index_cast %mul3A_864 : i32 to index
        %swap3A_868 = tpu.vector_load %arg16[%swap3A_866, %swap3A_867] {strides = array<i32>} : memref<1x2048xf32, #tpu.memory_space<vmem>>, vector<1x16xf32>,
        %swap3A_869 = vector.shape_cast %swap3A_868 : vector<1x16xf32> to vector<16xf32>
        %swap3A_870 = vector.shape_cast %broadcast_in_dim3A_287 : vector<16xf32> to vector<1x16xf32>
        tpu.vector_store %arg16[%swap3A_866, %swap3A_867], %swap3A_870 {strides = array<i32>} : memref<1x2048xf32, #tpu.memory_space<vmem>>, vector<1x16xf32>,
        %mul3A_871 = arith.constant 8 : i32
        %mul3A_872 = arith.muli %scan3A_785, %mul3A_871 : i32
        %add3A_873 = arith.constant 7 : i32
        %add3A_874 = arith.addi %mul3A_872, %add3A_873 : i32
        %mul3A_875 = arith.constant 16 : i32
        %mul3A_876 = arith.muli %add3A_874, %mul3A_875 : i32
        %swap3A_877 = arith.constant 0 : i32
        %swap3A_878 = arith.index_cast %swap3A_877 : i32 to index
        %swap3A_879 = arith.index_cast %mul3A_876 : i32 to index
        %swap3A_880 = tpu.vector_load %arg16[%swap3A_878, %swap3A_879] {strides = array<i32>} : memref<1x2048xf32, #tpu.memory_space<vmem>>, vector<1x16xf32>,
        %swap3A_881 = vector.shape_cast %swap3A_880 : vector<1x16xf32> to vector<16xf32>
        %swap3A_882 = vector.shape_cast %broadcast_in_dim3A_287 : vector<16xf32> to vector<1x16xf32>
        tpu.vector_store %arg16[%swap3A_878, %swap3A_879], %swap3A_882 {strides = array<i32>} : memref<1x2048xf32, #tpu.memory_space<vmem>>, vector<1x16xf32>,
        %scan3A_883 = arith.constant 0 : i32
        scf.yield %scan3A_883 : i32
      }
      %scan3A_784 = arith.constant 16 : i32
    } else {
    }
    %slice3A_395 = vector.extract_strided_slice %get3A_285 {offsets = [8], sizes = [1], strides = [1]} : vector<16xi32> to vector<1xi32>
    %squeeze3A_396 = vector.extract %slice3A_395[0] : i32 from vector<1xi32>
    %ne3A_397 = arith.constant 0 : i32
    %ne3A_398 = arith.cmpi ne, %squeeze3A_396, %ne3A_397 : i32
    %convert_element_type3A_399 = arith.extui %ne3A_398 : i1 to i32
    %cond3A_400 = arith.constant 0 : i32
    %cond3A_401 = arith.cmpi ne, %convert_element_type3A_399, %cond3A_400 : i32
    scf.if %cond3A_401 {
      %dma_start3A_779 = arith.constant 128 : i32
      %dma_start3A_780 = tpu.memref_slice %arg8[%dma_start3A_779] : memref<256xi32, #tpu.memory_space<vmem>> -> memref<1xi32, #tpu.memory_space<vmem>>
      %dma_start3A_781 = arith.constant 0 : i32
      %dma_start3A_782 = arith.constant 0 : i32
      %dma_start3A_783 = tpu.memref_slice %arg2[%dma_start3A_781, %dma_start3A_782] : memref<16384x2048xf32, #tpu.memory_space<hbm>> -> memref<16384x2048xf32, #tpu.memory_space<hbm>>
      tpu.enqueue_indirect_dma source(%dma_start3A_783 : memref<16384x2048xf32, #tpu.memory_space<hbm>>) target(%arg17 : memref<1x2048xf32, #tpu.memory_space<vmem>>) offsets(%dma_start3A_780 : memref<1xi32, #tpu.memory_space<vmem>>) semaphore(%arg28 : memref<!tpu.dma_semaphore, #tpu.memory_space<semaphore_mem>>)
    } else {
    }
    %slice3A_402 = vector.extract_strided_slice %get3A_285 {offsets = [8], sizes = [1], strides = [1]} : vector<16xi32> to vector<1xi32>
    %squeeze3A_403 = vector.extract %slice3A_402[0] : i32 from vector<1xi32>
    %eq3A_404 = arith.constant 0 : i32
    %eq3A_405 = arith.cmpi eq, %squeeze3A_403, %eq3A_404 : i32
    %convert_element_type3A_406 = arith.extui %eq3A_405 : i1 to i32
    %cond3A_407 = arith.constant 0 : i32
    %cond3A_408 = arith.cmpi ne, %convert_element_type3A_406, %cond3A_407 : i32
    scf.if %cond3A_408 {
      %scan3A = arith.constant 0 : i32
      %scan3A_779 = arith.constant 0 : i32
      %scan3A_780 = arith.constant 16 : i32
      %scan3A_781 = arith.addi %scan3A_779, %scan3A_780 : i32
      %scan3A_782 = arith.constant 1 : i32
      %scan3A_783 = scf.for %scan3A_785 = %scan3A_779 to %scan3A_781 step %scan3A_782 iter_args(%scan3A_786 = %scan3A) -> (i32)  : i32 {
        %mul3A_787 = arith.constant 8 : i32
        %mul3A_788 = arith.muli %scan3A_785, %mul3A_787 : i32
        %add3A_789 = arith.constant 0 : i32
        %add3A_790 = arith.addi %mul3A_788, %add3A_789 : i32
        %mul3A_791 = arith.constant 16 : i32
        %mul3A_792 = arith.muli %add3A_790, %mul3A_791 : i32
        %swap3A_793 = arith.constant 0 : i32
        %swap3A_794 = arith.index_cast %swap3A_793 : i32 to index
        %swap3A_795 = arith.index_cast %mul3A_792 : i32 to index
        %swap3A_796 = tpu.vector_load %arg17[%swap3A_794, %swap3A_795] {strides = array<i32>} : memref<1x2048xf32, #tpu.memory_space<vmem>>, vector<1x16xf32>,
        %swap3A_797 = vector.shape_cast %swap3A_796 : vector<1x16xf32> to vector<16xf32>
        %swap3A_798 = vector.shape_cast %broadcast_in_dim3A_287 : vector<16xf32> to vector<1x16xf32>
        tpu.vector_store %arg17[%swap3A_794, %swap3A_795], %swap3A_798 {strides = array<i32>} : memref<1x2048xf32, #tpu.memory_space<vmem>>, vector<1x16xf32>,
        %mul3A_799 = arith.constant 8 : i32
        %mul3A_800 = arith.muli %scan3A_785, %mul3A_799 : i32
        %add3A_801 = arith.constant 1 : i32
        %add3A_802 = arith.addi %mul3A_800, %add3A_801 : i32
        %mul3A_803 = arith.constant 16 : i32
        %mul3A_804 = arith.muli %add3A_802, %mul3A_803 : i32
        %swap3A_805 = arith.constant 0 : i32
        %swap3A_806 = arith.index_cast %swap3A_805 : i32 to index
        %swap3A_807 = arith.index_cast %mul3A_804 : i32 to index
        %swap3A_808 = tpu.vector_load %arg17[%swap3A_806, %swap3A_807] {strides = array<i32>} : memref<1x2048xf32, #tpu.memory_space<vmem>>, vector<1x16xf32>,
        %swap3A_809 = vector.shape_cast %swap3A_808 : vector<1x16xf32> to vector<16xf32>
        %swap3A_810 = vector.shape_cast %broadcast_in_dim3A_287 : vector<16xf32> to vector<1x16xf32>
        tpu.vector_store %arg17[%swap3A_806, %swap3A_807], %swap3A_810 {strides = array<i32>} : memref<1x2048xf32, #tpu.memory_space<vmem>>, vector<1x16xf32>,
        %mul3A_811 = arith.constant 8 : i32
        %mul3A_812 = arith.muli %scan3A_785, %mul3A_811 : i32
        %add3A_813 = arith.constant 2 : i32
        %add3A_814 = arith.addi %mul3A_812, %add3A_813 : i32
        %mul3A_815 = arith.constant 16 : i32
        %mul3A_816 = arith.muli %add3A_814, %mul3A_815 : i32
        %swap3A_817 = arith.constant 0 : i32
        %swap3A_818 = arith.index_cast %swap3A_817 : i32 to index
        %swap3A_819 = arith.index_cast %mul3A_816 : i32 to index
        %swap3A_820 = tpu.vector_load %arg17[%swap3A_818, %swap3A_819] {strides = array<i32>} : memref<1x2048xf32, #tpu.memory_space<vmem>>, vector<1x16xf32>,
        %swap3A_821 = vector.shape_cast %swap3A_820 : vector<1x16xf32> to vector<16xf32>
        %swap3A_822 = vector.shape_cast %broadcast_in_dim3A_287 : vector<16xf32> to vector<1x16xf32>
        tpu.vector_store %arg17[%swap3A_818, %swap3A_819], %swap3A_822 {strides = array<i32>} : memref<1x2048xf32, #tpu.memory_space<vmem>>, vector<1x16xf32>,
        %mul3A_823 = arith.constant 8 : i32
        %mul3A_824 = arith.muli %scan3A_785, %mul3A_823 : i32
        %add3A_825 = arith.constant 3 : i32
        %add3A_826 = arith.addi %mul3A_824, %add3A_825 : i32
        %mul3A_827 = arith.constant 16 : i32
        %mul3A_828 = arith.muli %add3A_826, %mul3A_827 : i32
        %swap3A_829 = arith.constant 0 : i32
        %swap3A_830 = arith.index_cast %swap3A_829 : i32 to index
        %swap3A_831 = arith.index_cast %mul3A_828 : i32 to index
        %swap3A_832 = tpu.vector_load %arg17[%swap3A_830, %swap3A_831] {strides = array<i32>} : memref<1x2048xf32, #tpu.memory_space<vmem>>, vector<1x16xf32>,
        %swap3A_833 = vector.shape_cast %swap3A_832 : vector<1x16xf32> to vector<16xf32>
        %swap3A_834 = vector.shape_cast %broadcast_in_dim3A_287 : vector<16xf32> to vector<1x16xf32>
        tpu.vector_store %arg17[%swap3A_830, %swap3A_831], %swap3A_834 {strides = array<i32>} : memref<1x2048xf32, #tpu.memory_space<vmem>>, vector<1x16xf32>,
        %mul3A_835 = arith.constant 8 : i32
        %mul3A_836 = arith.muli %scan3A_785, %mul3A_835 : i32
        %add3A_837 = arith.constant 4 : i32
        %add3A_838 = arith.addi %mul3A_836, %add3A_837 : i32
        %mul3A_839 = arith.constant 16 : i32
        %mul3A_840 = arith.muli %add3A_838, %mul3A_839 : i32
        %swap3A_841 = arith.constant 0 : i32
        %swap3A_842 = arith.index_cast %swap3A_841 : i32 to index
        %swap3A_843 = arith.index_cast %mul3A_840 : i32 to index
        %swap3A_844 = tpu.vector_load %arg17[%swap3A_842, %swap3A_843] {strides = array<i32>} : memref<1x2048xf32, #tpu.memory_space<vmem>>, vector<1x16xf32>,
        %swap3A_845 = vector.shape_cast %swap3A_844 : vector<1x16xf32> to vector<16xf32>
        %swap3A_846 = vector.shape_cast %broadcast_in_dim3A_287 : vector<16xf32> to vector<1x16xf32>
        tpu.vector_store %arg17[%swap3A_842, %swap3A_843], %swap3A_846 {strides = array<i32>} : memref<1x2048xf32, #tpu.memory_space<vmem>>, vector<1x16xf32>,
        %mul3A_847 = arith.constant 8 : i32
        %mul3A_848 = arith.muli %scan3A_785, %mul3A_847 : i32
        %add3A_849 = arith.constant 5 : i32
        %add3A_850 = arith.addi %mul3A_848, %add3A_849 : i32
        %mul3A_851 = arith.constant 16 : i32
        %mul3A_852 = arith.muli %add3A_850, %mul3A_851 : i32
        %swap3A_853 = arith.constant 0 : i32
        %swap3A_854 = arith.index_cast %swap3A_853 : i32 to index
        %swap3A_855 = arith.index_cast %mul3A_852 : i32 to index
        %swap3A_856 = tpu.vector_load %arg17[%swap3A_854, %swap3A_855] {strides = array<i32>} : memref<1x2048xf32, #tpu.memory_space<vmem>>, vector<1x16xf32>,
        %swap3A_857 = vector.shape_cast %swap3A_856 : vector<1x16xf32> to vector<16xf32>
        %swap3A_858 = vector.shape_cast %broadcast_in_dim3A_287 : vector<16xf32> to vector<1x16xf32>
        tpu.vector_store %arg17[%swap3A_854, %swap3A_855], %swap3A_858 {strides = array<i32>} : memref<1x2048xf32, #tpu.memory_space<vmem>>, vector<1x16xf32>,
        %mul3A_859 = arith.constant 8 : i32
        %mul3A_860 = arith.muli %scan3A_785, %mul3A_859 : i32
        %add3A_861 = arith.constant 6 : i32
        %add3A_862 = arith.addi %mul3A_860, %add3A_861 : i32
        %mul3A_863 = arith.constant 16 : i32
        %mul3A_864 = arith.muli %add3A_862, %mul3A_863 : i32
        %swap3A_865 = arith.constant 0 : i32
        %swap3A_866 = arith.index_cast %swap3A_865 : i32 to index
        %swap3A_867 = arith.index_cast %mul3A_864 : i32 to index
        %swap3A_868 = tpu.vector_load %arg17[%swap3A_866, %swap3A_867] {strides = array<i32>} : memref<1x2048xf32, #tpu.memory_space<vmem>>, vector<1x16xf32>,
        %swap3A_869 = vector.shape_cast %swap3A_868 : vector<1x16xf32> to vector<16xf32>
        %swap3A_870 = vector.shape_cast %broadcast_in_dim3A_287 : vector<16xf32> to vector<1x16xf32>
        tpu.vector_store %arg17[%swap3A_866, %swap3A_867], %swap3A_870 {strides = array<i32>} : memref<1x2048xf32, #tpu.memory_space<vmem>>, vector<1x16xf32>,
        %mul3A_871 = arith.constant 8 : i32
        %mul3A_872 = arith.muli %scan3A_785, %mul3A_871 : i32
        %add3A_873 = arith.constant 7 : i32
        %add3A_874 = arith.addi %mul3A_872, %add3A_873 : i32
        %mul3A_875 = arith.constant 16 : i32
        %mul3A_876 = arith.muli %add3A_874, %mul3A_875 : i32
        %swap3A_877 = arith.constant 0 : i32
        %swap3A_878 = arith.index_cast %swap3A_877 : i32 to index
        %swap3A_879 = arith.index_cast %mul3A_876 : i32 to index
        %swap3A_880 = tpu.vector_load %arg17[%swap3A_878, %swap3A_879] {strides = array<i32>} : memref<1x2048xf32, #tpu.memory_space<vmem>>, vector<1x16xf32>,
        %swap3A_881 = vector.shape_cast %swap3A_880 : vector<1x16xf32> to vector<16xf32>
        %swap3A_882 = vector.shape_cast %broadcast_in_dim3A_287 : vector<16xf32> to vector<1x16xf32>
        tpu.vector_store %arg17[%swap3A_878, %swap3A_879], %swap3A_882 {strides = array<i32>} : memref<1x2048xf32, #tpu.memory_space<vmem>>, vector<1x16xf32>,
        %scan3A_883 = arith.constant 0 : i32
        scf.yield %scan3A_883 : i32
      }
      %scan3A_784 = arith.constant 16 : i32
    } else {
    }
    %slice3A_409 = vector.extract_strided_slice %get3A_285 {offsets = [9], sizes = [1], strides = [1]} : vector<16xi32> to vector<1xi32>
    %squeeze3A_410 = vector.extract %slice3A_409[0] : i32 from vector<1xi32>
    %ne3A_411 = arith.constant 0 : i32
    %ne3A_412 = arith.cmpi ne, %squeeze3A_410, %ne3A_411 : i32
    %convert_element_type3A_413 = arith.extui %ne3A_412 : i1 to i32
    %cond3A_414 = arith.constant 0 : i32
    %cond3A_415 = arith.cmpi ne, %convert_element_type3A_413, %cond3A_414 : i32
    scf.if %cond3A_415 {
      %dma_start3A_779 = arith.constant 144 : i32
      %dma_start3A_780 = tpu.memref_slice %arg8[%dma_start3A_779] : memref<256xi32, #tpu.memory_space<vmem>> -> memref<1xi32, #tpu.memory_space<vmem>>
      %dma_start3A_781 = arith.constant 0 : i32
      %dma_start3A_782 = arith.constant 0 : i32
      %dma_start3A_783 = tpu.memref_slice %arg2[%dma_start3A_781, %dma_start3A_782] : memref<16384x2048xf32, #tpu.memory_space<hbm>> -> memref<16384x2048xf32, #tpu.memory_space<hbm>>
      tpu.enqueue_indirect_dma source(%dma_start3A_783 : memref<16384x2048xf32, #tpu.memory_space<hbm>>) target(%arg18 : memref<1x2048xf32, #tpu.memory_space<vmem>>) offsets(%dma_start3A_780 : memref<1xi32, #tpu.memory_space<vmem>>) semaphore(%arg28 : memref<!tpu.dma_semaphore, #tpu.memory_space<semaphore_mem>>)
    } else {
    }
    %slice3A_416 = vector.extract_strided_slice %get3A_285 {offsets = [9], sizes = [1], strides = [1]} : vector<16xi32> to vector<1xi32>
    %squeeze3A_417 = vector.extract %slice3A_416[0] : i32 from vector<1xi32>
    %eq3A_418 = arith.constant 0 : i32
    %eq3A_419 = arith.cmpi eq, %squeeze3A_417, %eq3A_418 : i32
    %convert_element_type3A_420 = arith.extui %eq3A_419 : i1 to i32
    %cond3A_421 = arith.constant 0 : i32
    %cond3A_422 = arith.cmpi ne, %convert_element_type3A_420, %cond3A_421 : i32
    scf.if %cond3A_422 {
      %scan3A = arith.constant 0 : i32
      %scan3A_779 = arith.constant 0 : i32
      %scan3A_780 = arith.constant 16 : i32
      %scan3A_781 = arith.addi %scan3A_779, %scan3A_780 : i32
      %scan3A_782 = arith.constant 1 : i32
      %scan3A_783 = scf.for %scan3A_785 = %scan3A_779 to %scan3A_781 step %scan3A_782 iter_args(%scan3A_786 = %scan3A) -> (i32)  : i32 {
        %mul3A_787 = arith.constant 8 : i32
        %mul3A_788 = arith.muli %scan3A_785, %mul3A_787 : i32
        %add3A_789 = arith.constant 0 : i32
        %add3A_790 = arith.addi %mul3A_788, %add3A_789 : i32
        %mul3A_791 = arith.constant 16 : i32
        %mul3A_792 = arith.muli %add3A_790, %mul3A_791 : i32
        %swap3A_793 = arith.constant 0 : i32
        %swap3A_794 = arith.index_cast %swap3A_793 : i32 to index
        %swap3A_795 = arith.index_cast %mul3A_792 : i32 to index
        %swap3A_796 = tpu.vector_load %arg18[%swap3A_794, %swap3A_795] {strides = array<i32>} : memref<1x2048xf32, #tpu.memory_space<vmem>>, vector<1x16xf32>,
        %swap3A_797 = vector.shape_cast %swap3A_796 : vector<1x16xf32> to vector<16xf32>
        %swap3A_798 = vector.shape_cast %broadcast_in_dim3A_287 : vector<16xf32> to vector<1x16xf32>
        tpu.vector_store %arg18[%swap3A_794, %swap3A_795], %swap3A_798 {strides = array<i32>} : memref<1x2048xf32, #tpu.memory_space<vmem>>, vector<1x16xf32>,
        %mul3A_799 = arith.constant 8 : i32
        %mul3A_800 = arith.muli %scan3A_785, %mul3A_799 : i32
        %add3A_801 = arith.constant 1 : i32
        %add3A_802 = arith.addi %mul3A_800, %add3A_801 : i32
        %mul3A_803 = arith.constant 16 : i32
        %mul3A_804 = arith.muli %add3A_802, %mul3A_803 : i32
        %swap3A_805 = arith.constant 0 : i32
        %swap3A_806 = arith.index_cast %swap3A_805 : i32 to index
        %swap3A_807 = arith.index_cast %mul3A_804 : i32 to index
        %swap3A_808 = tpu.vector_load %arg18[%swap3A_806, %swap3A_807] {strides = array<i32>} : memref<1x2048xf32, #tpu.memory_space<vmem>>, vector<1x16xf32>,
        %swap3A_809 = vector.shape_cast %swap3A_808 : vector<1x16xf32> to vector<16xf32>
        %swap3A_810 = vector.shape_cast %broadcast_in_dim3A_287 : vector<16xf32> to vector<1x16xf32>
        tpu.vector_store %arg18[%swap3A_806, %swap3A_807], %swap3A_810 {strides = array<i32>} : memref<1x2048xf32, #tpu.memory_space<vmem>>, vector<1x16xf32>,
        %mul3A_811 = arith.constant 8 : i32
        %mul3A_812 = arith.muli %scan3A_785, %mul3A_811 : i32
        %add3A_813 = arith.constant 2 : i32
        %add3A_814 = arith.addi %mul3A_812, %add3A_813 : i32
        %mul3A_815 = arith.constant 16 : i32
        %mul3A_816 = arith.muli %add3A_814, %mul3A_815 : i32
        %swap3A_817 = arith.constant 0 : i32
        %swap3A_818 = arith.index_cast %swap3A_817 : i32 to index
        %swap3A_819 = arith.index_cast %mul3A_816 : i32 to index
        %swap3A_820 = tpu.vector_load %arg18[%swap3A_818, %swap3A_819] {strides = array<i32>} : memref<1x2048xf32, #tpu.memory_space<vmem>>, vector<1x16xf32>,
        %swap3A_821 = vector.shape_cast %swap3A_820 : vector<1x16xf32> to vector<16xf32>
        %swap3A_822 = vector.shape_cast %broadcast_in_dim3A_287 : vector<16xf32> to vector<1x16xf32>
        tpu.vector_store %arg18[%swap3A_818, %swap3A_819], %swap3A_822 {strides = array<i32>} : memref<1x2048xf32, #tpu.memory_space<vmem>>, vector<1x16xf32>,
        %mul3A_823 = arith.constant 8 : i32
        %mul3A_824 = arith.muli %scan3A_785, %mul3A_823 : i32
        %add3A_825 = arith.constant 3 : i32
        %add3A_826 = arith.addi %mul3A_824, %add3A_825 : i32
        %mul3A_827 = arith.constant 16 : i32
        %mul3A_828 = arith.muli %add3A_826, %mul3A_827 : i32
        %swap3A_829 = arith.constant 0 : i32
        %swap3A_830 = arith.index_cast %swap3A_829 : i32 to index
        %swap3A_831 = arith.index_cast %mul3A_828 : i32 to index
        %swap3A_832 = tpu.vector_load %arg18[%swap3A_830, %swap3A_831] {strides = array<i32>} : memref<1x2048xf32, #tpu.memory_space<vmem>>, vector<1x16xf32>,
        %swap3A_833 = vector.shape_cast %swap3A_832 : vector<1x16xf32> to vector<16xf32>
        %swap3A_834 = vector.shape_cast %broadcast_in_dim3A_287 : vector<16xf32> to vector<1x16xf32>
        tpu.vector_store %arg18[%swap3A_830, %swap3A_831], %swap3A_834 {strides = array<i32>} : memref<1x2048xf32, #tpu.memory_space<vmem>>, vector<1x16xf32>,
        %mul3A_835 = arith.constant 8 : i32
        %mul3A_836 = arith.muli %scan3A_785, %mul3A_835 : i32
        %add3A_837 = arith.constant 4 : i32
        %add3A_838 = arith.addi %mul3A_836, %add3A_837 : i32
        %mul3A_839 = arith.constant 16 : i32
        %mul3A_840 = arith.muli %add3A_838, %mul3A_839 : i32
        %swap3A_841 = arith.constant 0 : i32
        %swap3A_842 = arith.index_cast %swap3A_841 : i32 to index
        %swap3A_843 = arith.index_cast %mul3A_840 : i32 to index
        %swap3A_844 = tpu.vector_load %arg18[%swap3A_842, %swap3A_843] {strides = array<i32>} : memref<1x2048xf32, #tpu.memory_space<vmem>>, vector<1x16xf32>,
        %swap3A_845 = vector.shape_cast %swap3A_844 : vector<1x16xf32> to vector<16xf32>
        %swap3A_846 = vector.shape_cast %broadcast_in_dim3A_287 : vector<16xf32> to vector<1x16xf32>
        tpu.vector_store %arg18[%swap3A_842, %swap3A_843], %swap3A_846 {strides = array<i32>} : memref<1x2048xf32, #tpu.memory_space<vmem>>, vector<1x16xf32>,
        %mul3A_847 = arith.constant 8 : i32
        %mul3A_848 = arith.muli %scan3A_785, %mul3A_847 : i32
        %add3A_849 = arith.constant 5 : i32
        %add3A_850 = arith.addi %mul3A_848, %add3A_849 : i32
        %mul3A_851 = arith.constant 16 : i32
        %mul3A_852 = arith.muli %add3A_850, %mul3A_851 : i32
        %swap3A_853 = arith.constant 0 : i32
        %swap3A_854 = arith.index_cast %swap3A_853 : i32 to index
        %swap3A_855 = arith.index_cast %mul3A_852 : i32 to index
        %swap3A_856 = tpu.vector_load %arg18[%swap3A_854, %swap3A_855] {strides = array<i32>} : memref<1x2048xf32, #tpu.memory_space<vmem>>, vector<1x16xf32>,
        %swap3A_857 = vector.shape_cast %swap3A_856 : vector<1x16xf32> to vector<16xf32>
        %swap3A_858 = vector.shape_cast %broadcast_in_dim3A_287 : vector<16xf32> to vector<1x16xf32>
        tpu.vector_store %arg18[%swap3A_854, %swap3A_855], %swap3A_858 {strides = array<i32>} : memref<1x2048xf32, #tpu.memory_space<vmem>>, vector<1x16xf32>,
        %mul3A_859 = arith.constant 8 : i32
        %mul3A_860 = arith.muli %scan3A_785, %mul3A_859 : i32
        %add3A_861 = arith.constant 6 : i32
        %add3A_862 = arith.addi %mul3A_860, %add3A_861 : i32
        %mul3A_863 = arith.constant 16 : i32
        %mul3A_864 = arith.muli %add3A_862, %mul3A_863 : i32
        %swap3A_865 = arith.constant 0 : i32
        %swap3A_866 = arith.index_cast %swap3A_865 : i32 to index
        %swap3A_867 = arith.index_cast %mul3A_864 : i32 to index
        %swap3A_868 = tpu.vector_load %arg18[%swap3A_866, %swap3A_867] {strides = array<i32>} : memref<1x2048xf32, #tpu.memory_space<vmem>>, vector<1x16xf32>,
        %swap3A_869 = vector.shape_cast %swap3A_868 : vector<1x16xf32> to vector<16xf32>
        %swap3A_870 = vector.shape_cast %broadcast_in_dim3A_287 : vector<16xf32> to vector<1x16xf32>
        tpu.vector_store %arg18[%swap3A_866, %swap3A_867], %swap3A_870 {strides = array<i32>} : memref<1x2048xf32, #tpu.memory_space<vmem>>, vector<1x16xf32>,
        %mul3A_871 = arith.constant 8 : i32
        %mul3A_872 = arith.muli %scan3A_785, %mul3A_871 : i32
        %add3A_873 = arith.constant 7 : i32
        %add3A_874 = arith.addi %mul3A_872, %add3A_873 : i32
        %mul3A_875 = arith.constant 16 : i32
        %mul3A_876 = arith.muli %add3A_874, %mul3A_875 : i32
        %swap3A_877 = arith.constant 0 : i32
        %swap3A_878 = arith.index_cast %swap3A_877 : i32 to index
        %swap3A_879 = arith.index_cast %mul3A_876 : i32 to index
        %swap3A_880 = tpu.vector_load %arg18[%swap3A_878, %swap3A_879] {strides = array<i32>} : memref<1x2048xf32, #tpu.memory_space<vmem>>, vector<1x16xf32>,
        %swap3A_881 = vector.shape_cast %swap3A_880 : vector<1x16xf32> to vector<16xf32>
        %swap3A_882 = vector.shape_cast %broadcast_in_dim3A_287 : vector<16xf32> to vector<1x16xf32>
        tpu.vector_store %arg18[%swap3A_878, %swap3A_879], %swap3A_882 {strides = array<i32>} : memref<1x2048xf32, #tpu.memory_space<vmem>>, vector<1x16xf32>,
        %scan3A_883 = arith.constant 0 : i32
        scf.yield %scan3A_883 : i32
      }
      %scan3A_784 = arith.constant 16 : i32
    } else {
    }
    %slice3A_423 = vector.extract_strided_slice %get3A_285 {offsets = [10], sizes = [1], strides = [1]} : vector<16xi32> to vector<1xi32>
    %squeeze3A_424 = vector.extract %slice3A_423[0] : i32 from vector<1xi32>
    %ne3A_425 = arith.constant 0 : i32
    %ne3A_426 = arith.cmpi ne, %squeeze3A_424, %ne3A_425 : i32
    %convert_element_type3A_427 = arith.extui %ne3A_426 : i1 to i32
    %cond3A_428 = arith.constant 0 : i32
    %cond3A_429 = arith.cmpi ne, %convert_element_type3A_427, %cond3A_428 : i32
    scf.if %cond3A_429 {
      %dma_start3A_779 = arith.constant 160 : i32
      %dma_start3A_780 = tpu.memref_slice %arg8[%dma_start3A_779] : memref<256xi32, #tpu.memory_space<vmem>> -> memref<1xi32, #tpu.memory_space<vmem>>
      %dma_start3A_781 = arith.constant 0 : i32
      %dma_start3A_782 = arith.constant 0 : i32
      %dma_start3A_783 = tpu.memref_slice %arg2[%dma_start3A_781, %dma_start3A_782] : memref<16384x2048xf32, #tpu.memory_space<hbm>> -> memref<16384x2048xf32, #tpu.memory_space<hbm>>
      tpu.enqueue_indirect_dma source(%dma_start3A_783 : memref<16384x2048xf32, #tpu.memory_space<hbm>>) target(%arg19 : memref<1x2048xf32, #tpu.memory_space<vmem>>) offsets(%dma_start3A_780 : memref<1xi32, #tpu.memory_space<vmem>>) semaphore(%arg28 : memref<!tpu.dma_semaphore, #tpu.memory_space<semaphore_mem>>)
    } else {
    }
    %slice3A_430 = vector.extract_strided_slice %get3A_285 {offsets = [10], sizes = [1], strides = [1]} : vector<16xi32> to vector<1xi32>
    %squeeze3A_431 = vector.extract %slice3A_430[0] : i32 from vector<1xi32>
    %eq3A_432 = arith.constant 0 : i32
    %eq3A_433 = arith.cmpi eq, %squeeze3A_431, %eq3A_432 : i32
    %convert_element_type3A_434 = arith.extui %eq3A_433 : i1 to i32
    %cond3A_435 = arith.constant 0 : i32
    %cond3A_436 = arith.cmpi ne, %convert_element_type3A_434, %cond3A_435 : i32
    scf.if %cond3A_436 {
      %scan3A = arith.constant 0 : i32
      %scan3A_779 = arith.constant 0 : i32
      %scan3A_780 = arith.constant 16 : i32
      %scan3A_781 = arith.addi %scan3A_779, %scan3A_780 : i32
      %scan3A_782 = arith.constant 1 : i32
      %scan3A_783 = scf.for %scan3A_785 = %scan3A_779 to %scan3A_781 step %scan3A_782 iter_args(%scan3A_786 = %scan3A) -> (i32)  : i32 {
        %mul3A_787 = arith.constant 8 : i32
        %mul3A_788 = arith.muli %scan3A_785, %mul3A_787 : i32
        %add3A_789 = arith.constant 0 : i32
        %add3A_790 = arith.addi %mul3A_788, %add3A_789 : i32
        %mul3A_791 = arith.constant 16 : i32
        %mul3A_792 = arith.muli %add3A_790, %mul3A_791 : i32
        %swap3A_793 = arith.constant 0 : i32
        %swap3A_794 = arith.index_cast %swap3A_793 : i32 to index
        %swap3A_795 = arith.index_cast %mul3A_792 : i32 to index
        %swap3A_796 = tpu.vector_load %arg19[%swap3A_794, %swap3A_795] {strides = array<i32>} : memref<1x2048xf32, #tpu.memory_space<vmem>>, vector<1x16xf32>,
        %swap3A_797 = vector.shape_cast %swap3A_796 : vector<1x16xf32> to vector<16xf32>
        %swap3A_798 = vector.shape_cast %broadcast_in_dim3A_287 : vector<16xf32> to vector<1x16xf32>
        tpu.vector_store %arg19[%swap3A_794, %swap3A_795], %swap3A_798 {strides = array<i32>} : memref<1x2048xf32, #tpu.memory_space<vmem>>, vector<1x16xf32>,
        %mul3A_799 = arith.constant 8 : i32
        %mul3A_800 = arith.muli %scan3A_785, %mul3A_799 : i32
        %add3A_801 = arith.constant 1 : i32
        %add3A_802 = arith.addi %mul3A_800, %add3A_801 : i32
        %mul3A_803 = arith.constant 16 : i32
        %mul3A_804 = arith.muli %add3A_802, %mul3A_803 : i32
        %swap3A_805 = arith.constant 0 : i32
        %swap3A_806 = arith.index_cast %swap3A_805 : i32 to index
        %swap3A_807 = arith.index_cast %mul3A_804 : i32 to index
        %swap3A_808 = tpu.vector_load %arg19[%swap3A_806, %swap3A_807] {strides = array<i32>} : memref<1x2048xf32, #tpu.memory_space<vmem>>, vector<1x16xf32>,
        %swap3A_809 = vector.shape_cast %swap3A_808 : vector<1x16xf32> to vector<16xf32>
        %swap3A_810 = vector.shape_cast %broadcast_in_dim3A_287 : vector<16xf32> to vector<1x16xf32>
        tpu.vector_store %arg19[%swap3A_806, %swap3A_807], %swap3A_810 {strides = array<i32>} : memref<1x2048xf32, #tpu.memory_space<vmem>>, vector<1x16xf32>,
        %mul3A_811 = arith.constant 8 : i32
        %mul3A_812 = arith.muli %scan3A_785, %mul3A_811 : i32
        %add3A_813 = arith.constant 2 : i32
        %add3A_814 = arith.addi %mul3A_812, %add3A_813 : i32
        %mul3A_815 = arith.constant 16 : i32
        %mul3A_816 = arith.muli %add3A_814, %mul3A_815 : i32
        %swap3A_817 = arith.constant 0 : i32
        %swap3A_818 = arith.index_cast %swap3A_817 : i32 to index
        %swap3A_819 = arith.index_cast %mul3A_816 : i32 to index
        %swap3A_820 = tpu.vector_load %arg19[%swap3A_818, %swap3A_819] {strides = array<i32>} : memref<1x2048xf32, #tpu.memory_space<vmem>>, vector<1x16xf32>,
        %swap3A_821 = vector.shape_cast %swap3A_820 : vector<1x16xf32> to vector<16xf32>
        %swap3A_822 = vector.shape_cast %broadcast_in_dim3A_287 : vector<16xf32> to vector<1x16xf32>
        tpu.vector_store %arg19[%swap3A_818, %swap3A_819], %swap3A_822 {strides = array<i32>} : memref<1x2048xf32, #tpu.memory_space<vmem>>, vector<1x16xf32>,
        %mul3A_823 = arith.constant 8 : i32
        %mul3A_824 = arith.muli %scan3A_785, %mul3A_823 : i32
        %add3A_825 = arith.constant 3 : i32
        %add3A_826 = arith.addi %mul3A_824, %add3A_825 : i32
        %mul3A_827 = arith.constant 16 : i32
        %mul3A_828 = arith.muli %add3A_826, %mul3A_827 : i32
        %swap3A_829 = arith.constant 0 : i32
        %swap3A_830 = arith.index_cast %swap3A_829 : i32 to index
        %swap3A_831 = arith.index_cast %mul3A_828 : i32 to index
        %swap3A_832 = tpu.vector_load %arg19[%swap3A_830, %swap3A_831] {strides = array<i32>} : memref<1x2048xf32, #tpu.memory_space<vmem>>, vector<1x16xf32>,
        %swap3A_833 = vector.shape_cast %swap3A_832 : vector<1x16xf32> to vector<16xf32>
        %swap3A_834 = vector.shape_cast %broadcast_in_dim3A_287 : vector<16xf32> to vector<1x16xf32>
        tpu.vector_store %arg19[%swap3A_830, %swap3A_831], %swap3A_834 {strides = array<i32>} : memref<1x2048xf32, #tpu.memory_space<vmem>>, vector<1x16xf32>,
        %mul3A_835 = arith.constant 8 : i32
        %mul3A_836 = arith.muli %scan3A_785, %mul3A_835 : i32
        %add3A_837 = arith.constant 4 : i32
        %add3A_838 = arith.addi %mul3A_836, %add3A_837 : i32
        %mul3A_839 = arith.constant 16 : i32
        %mul3A_840 = arith.muli %add3A_838, %mul3A_839 : i32
        %swap3A_841 = arith.constant 0 : i32
        %swap3A_842 = arith.index_cast %swap3A_841 : i32 to index
        %swap3A_843 = arith.index_cast %mul3A_840 : i32 to index
        %swap3A_844 = tpu.vector_load %arg19[%swap3A_842, %swap3A_843] {strides = array<i32>} : memref<1x2048xf32, #tpu.memory_space<vmem>>, vector<1x16xf32>,
        %swap3A_845 = vector.shape_cast %swap3A_844 : vector<1x16xf32> to vector<16xf32>
        %swap3A_846 = vector.shape_cast %broadcast_in_dim3A_287 : vector<16xf32> to vector<1x16xf32>
        tpu.vector_store %arg19[%swap3A_842, %swap3A_843], %swap3A_846 {strides = array<i32>} : memref<1x2048xf32, #tpu.memory_space<vmem>>, vector<1x16xf32>,
        %mul3A_847 = arith.constant 8 : i32
        %mul3A_848 = arith.muli %scan3A_785, %mul3A_847 : i32
        %add3A_849 = arith.constant 5 : i32
        %add3A_850 = arith.addi %mul3A_848, %add3A_849 : i32
        %mul3A_851 = arith.constant 16 : i32
        %mul3A_852 = arith.muli %add3A_850, %mul3A_851 : i32
        %swap3A_853 = arith.constant 0 : i32
        %swap3A_854 = arith.index_cast %swap3A_853 : i32 to index
        %swap3A_855 = arith.index_cast %mul3A_852 : i32 to index
        %swap3A_856 = tpu.vector_load %arg19[%swap3A_854, %swap3A_855] {strides = array<i32>} : memref<1x2048xf32, #tpu.memory_space<vmem>>, vector<1x16xf32>,
        %swap3A_857 = vector.shape_cast %swap3A_856 : vector<1x16xf32> to vector<16xf32>
        %swap3A_858 = vector.shape_cast %broadcast_in_dim3A_287 : vector<16xf32> to vector<1x16xf32>
        tpu.vector_store %arg19[%swap3A_854, %swap3A_855], %swap3A_858 {strides = array<i32>} : memref<1x2048xf32, #tpu.memory_space<vmem>>, vector<1x16xf32>,
        %mul3A_859 = arith.constant 8 : i32
        %mul3A_860 = arith.muli %scan3A_785, %mul3A_859 : i32
        %add3A_861 = arith.constant 6 : i32
        %add3A_862 = arith.addi %mul3A_860, %add3A_861 : i32
        %mul3A_863 = arith.constant 16 : i32
        %mul3A_864 = arith.muli %add3A_862, %mul3A_863 : i32
        %swap3A_865 = arith.constant 0 : i32
        %swap3A_866 = arith.index_cast %swap3A_865 : i32 to index
        %swap3A_867 = arith.index_cast %mul3A_864 : i32 to index
        %swap3A_868 = tpu.vector_load %arg19[%swap3A_866, %swap3A_867] {strides = array<i32>} : memref<1x2048xf32, #tpu.memory_space<vmem>>, vector<1x16xf32>,
        %swap3A_869 = vector.shape_cast %swap3A_868 : vector<1x16xf32> to vector<16xf32>
        %swap3A_870 = vector.shape_cast %broadcast_in_dim3A_287 : vector<16xf32> to vector<1x16xf32>
        tpu.vector_store %arg19[%swap3A_866, %swap3A_867], %swap3A_870 {strides = array<i32>} : memref<1x2048xf32, #tpu.memory_space<vmem>>, vector<1x16xf32>,
        %mul3A_871 = arith.constant 8 : i32
        %mul3A_872 = arith.muli %scan3A_785, %mul3A_871 : i32
        %add3A_873 = arith.constant 7 : i32
        %add3A_874 = arith.addi %mul3A_872, %add3A_873 : i32
        %mul3A_875 = arith.constant 16 : i32
        %mul3A_876 = arith.muli %add3A_874, %mul3A_875 : i32
        %swap3A_877 = arith.constant 0 : i32
        %swap3A_878 = arith.index_cast %swap3A_877 : i32 to index
        %swap3A_879 = arith.index_cast %mul3A_876 : i32 to index
        %swap3A_880 = tpu.vector_load %arg19[%swap3A_878, %swap3A_879] {strides = array<i32>} : memref<1x2048xf32, #tpu.memory_space<vmem>>, vector<1x16xf32>,
        %swap3A_881 = vector.shape_cast %swap3A_880 : vector<1x16xf32> to vector<16xf32>
        %swap3A_882 = vector.shape_cast %broadcast_in_dim3A_287 : vector<16xf32> to vector<1x16xf32>
        tpu.vector_store %arg19[%swap3A_878, %swap3A_879], %swap3A_882 {strides = array<i32>} : memref<1x2048xf32, #tpu.memory_space<vmem>>, vector<1x16xf32>,
        %scan3A_883 = arith.constant 0 : i32
        scf.yield %scan3A_883 : i32
      }
      %scan3A_784 = arith.constant 16 : i32
    } else {
    }
    %slice3A_437 = vector.extract_strided_slice %get3A_285 {offsets = [11], sizes = [1], strides = [1]} : vector<16xi32> to vector<1xi32>
    %squeeze3A_438 = vector.extract %slice3A_437[0] : i32 from vector<1xi32>
    %ne3A_439 = arith.constant 0 : i32
    %ne3A_440 = arith.cmpi ne, %squeeze3A_438, %ne3A_439 : i32
    %convert_element_type3A_441 = arith.extui %ne3A_440 : i1 to i32
    %cond3A_442 = arith.constant 0 : i32
    %cond3A_443 = arith.cmpi ne, %convert_element_type3A_441, %cond3A_442 : i32
    scf.if %cond3A_443 {
      %dma_start3A_779 = arith.constant 176 : i32
      %dma_start3A_780 = tpu.memref_slice %arg8[%dma_start3A_779] : memref<256xi32, #tpu.memory_space<vmem>> -> memref<1xi32, #tpu.memory_space<vmem>>
      %dma_start3A_781 = arith.constant 0 : i32
      %dma_start3A_782 = arith.constant 0 : i32
      %dma_start3A_783 = tpu.memref_slice %arg2[%dma_start3A_781, %dma_start3A_782] : memref<16384x2048xf32, #tpu.memory_space<hbm>> -> memref<16384x2048xf32, #tpu.memory_space<hbm>>
      tpu.enqueue_indirect_dma source(%dma_start3A_783 : memref<16384x2048xf32, #tpu.memory_space<hbm>>) target(%arg20 : memref<1x2048xf32, #tpu.memory_space<vmem>>) offsets(%dma_start3A_780 : memref<1xi32, #tpu.memory_space<vmem>>) semaphore(%arg28 : memref<!tpu.dma_semaphore, #tpu.memory_space<semaphore_mem>>)
    } else {
    }
    %slice3A_444 = vector.extract_strided_slice %get3A_285 {offsets = [11], sizes = [1], strides = [1]} : vector<16xi32> to vector<1xi32>
    %squeeze3A_445 = vector.extract %slice3A_444[0] : i32 from vector<1xi32>
    %eq3A_446 = arith.constant 0 : i32
    %eq3A_447 = arith.cmpi eq, %squeeze3A_445, %eq3A_446 : i32
    %convert_element_type3A_448 = arith.extui %eq3A_447 : i1 to i32
    %cond3A_449 = arith.constant 0 : i32
    %cond3A_450 = arith.cmpi ne, %convert_element_type3A_448, %cond3A_449 : i32
    scf.if %cond3A_450 {
      %scan3A = arith.constant 0 : i32
      %scan3A_779 = arith.constant 0 : i32
      %scan3A_780 = arith.constant 16 : i32
      %scan3A_781 = arith.addi %scan3A_779, %scan3A_780 : i32
      %scan3A_782 = arith.constant 1 : i32
      %scan3A_783 = scf.for %scan3A_785 = %scan3A_779 to %scan3A_781 step %scan3A_782 iter_args(%scan3A_786 = %scan3A) -> (i32)  : i32 {
        %mul3A_787 = arith.constant 8 : i32
        %mul3A_788 = arith.muli %scan3A_785, %mul3A_787 : i32
        %add3A_789 = arith.constant 0 : i32
        %add3A_790 = arith.addi %mul3A_788, %add3A_789 : i32
        %mul3A_791 = arith.constant 16 : i32
        %mul3A_792 = arith.muli %add3A_790, %mul3A_791 : i32
        %swap3A_793 = arith.constant 0 : i32
        %swap3A_794 = arith.index_cast %swap3A_793 : i32 to index
        %swap3A_795 = arith.index_cast %mul3A_792 : i32 to index
        %swap3A_796 = tpu.vector_load %arg20[%swap3A_794, %swap3A_795] {strides = array<i32>} : memref<1x2048xf32, #tpu.memory_space<vmem>>, vector<1x16xf32>,
        %swap3A_797 = vector.shape_cast %swap3A_796 : vector<1x16xf32> to vector<16xf32>
        %swap3A_798 = vector.shape_cast %broadcast_in_dim3A_287 : vector<16xf32> to vector<1x16xf32>
        tpu.vector_store %arg20[%swap3A_794, %swap3A_795], %swap3A_798 {strides = array<i32>} : memref<1x2048xf32, #tpu.memory_space<vmem>>, vector<1x16xf32>,
        %mul3A_799 = arith.constant 8 : i32
        %mul3A_800 = arith.muli %scan3A_785, %mul3A_799 : i32
        %add3A_801 = arith.constant 1 : i32
        %add3A_802 = arith.addi %mul3A_800, %add3A_801 : i32
        %mul3A_803 = arith.constant 16 : i32
        %mul3A_804 = arith.muli %add3A_802, %mul3A_803 : i32
        %swap3A_805 = arith.constant 0 : i32
        %swap3A_806 = arith.index_cast %swap3A_805 : i32 to index
        %swap3A_807 = arith.index_cast %mul3A_804 : i32 to index
        %swap3A_808 = tpu.vector_load %arg20[%swap3A_806, %swap3A_807] {strides = array<i32>} : memref<1x2048xf32, #tpu.memory_space<vmem>>, vector<1x16xf32>,
        %swap3A_809 = vector.shape_cast %swap3A_808 : vector<1x16xf32> to vector<16xf32>
        %swap3A_810 = vector.shape_cast %broadcast_in_dim3A_287 : vector<16xf32> to vector<1x16xf32>
        tpu.vector_store %arg20[%swap3A_806, %swap3A_807], %swap3A_810 {strides = array<i32>} : memref<1x2048xf32, #tpu.memory_space<vmem>>, vector<1x16xf32>,
        %mul3A_811 = arith.constant 8 : i32
        %mul3A_812 = arith.muli %scan3A_785, %mul3A_811 : i32
        %add3A_813 = arith.constant 2 : i32
        %add3A_814 = arith.addi %mul3A_812, %add3A_813 : i32
        %mul3A_815 = arith.constant 16 : i32
        %mul3A_816 = arith.muli %add3A_814, %mul3A_815 : i32
        %swap3A_817 = arith.constant 0 : i32
        %swap3A_818 = arith.index_cast %swap3A_817 : i32 to index
        %swap3A_819 = arith.index_cast %mul3A_816 : i32 to index
        %swap3A_820 = tpu.vector_load %arg20[%swap3A_818, %swap3A_819] {strides = array<i32>} : memref<1x2048xf32, #tpu.memory_space<vmem>>, vector<1x16xf32>,
        %swap3A_821 = vector.shape_cast %swap3A_820 : vector<1x16xf32> to vector<16xf32>
        %swap3A_822 = vector.shape_cast %broadcast_in_dim3A_287 : vector<16xf32> to vector<1x16xf32>
        tpu.vector_store %arg20[%swap3A_818, %swap3A_819], %swap3A_822 {strides = array<i32>} : memref<1x2048xf32, #tpu.memory_space<vmem>>, vector<1x16xf32>,
        %mul3A_823 = arith.constant 8 : i32
        %mul3A_824 = arith.muli %scan3A_785, %mul3A_823 : i32
        %add3A_825 = arith.constant 3 : i32
        %add3A_826 = arith.addi %mul3A_824, %add3A_825 : i32
        %mul3A_827 = arith.constant 16 : i32
        %mul3A_828 = arith.muli %add3A_826, %mul3A_827 : i32
        %swap3A_829 = arith.constant 0 : i32
        %swap3A_830 = arith.index_cast %swap3A_829 : i32 to index
        %swap3A_831 = arith.index_cast %mul3A_828 : i32 to index
        %swap3A_832 = tpu.vector_load %arg20[%swap3A_830, %swap3A_831] {strides = array<i32>} : memref<1x2048xf32, #tpu.memory_space<vmem>>, vector<1x16xf32>,
        %swap3A_833 = vector.shape_cast %swap3A_832 : vector<1x16xf32> to vector<16xf32>
        %swap3A_834 = vector.shape_cast %broadcast_in_dim3A_287 : vector<16xf32> to vector<1x16xf32>
        tpu.vector_store %arg20[%swap3A_830, %swap3A_831], %swap3A_834 {strides = array<i32>} : memref<1x2048xf32, #tpu.memory_space<vmem>>, vector<1x16xf32>,
        %mul3A_835 = arith.constant 8 : i32
        %mul3A_836 = arith.muli %scan3A_785, %mul3A_835 : i32
        %add3A_837 = arith.constant 4 : i32
        %add3A_838 = arith.addi %mul3A_836, %add3A_837 : i32
        %mul3A_839 = arith.constant 16 : i32
        %mul3A_840 = arith.muli %add3A_838, %mul3A_839 : i32
        %swap3A_841 = arith.constant 0 : i32
        %swap3A_842 = arith.index_cast %swap3A_841 : i32 to index
        %swap3A_843 = arith.index_cast %mul3A_840 : i32 to index
        %swap3A_844 = tpu.vector_load %arg20[%swap3A_842, %swap3A_843] {strides = array<i32>} : memref<1x2048xf32, #tpu.memory_space<vmem>>, vector<1x16xf32>,
        %swap3A_845 = vector.shape_cast %swap3A_844 : vector<1x16xf32> to vector<16xf32>
        %swap3A_846 = vector.shape_cast %broadcast_in_dim3A_287 : vector<16xf32> to vector<1x16xf32>
        tpu.vector_store %arg20[%swap3A_842, %swap3A_843], %swap3A_846 {strides = array<i32>} : memref<1x2048xf32, #tpu.memory_space<vmem>>, vector<1x16xf32>,
        %mul3A_847 = arith.constant 8 : i32
        %mul3A_848 = arith.muli %scan3A_785, %mul3A_847 : i32
        %add3A_849 = arith.constant 5 : i32
        %add3A_850 = arith.addi %mul3A_848, %add3A_849 : i32
        %mul3A_851 = arith.constant 16 : i32
        %mul3A_852 = arith.muli %add3A_850, %mul3A_851 : i32
        %swap3A_853 = arith.constant 0 : i32
        %swap3A_854 = arith.index_cast %swap3A_853 : i32 to index
        %swap3A_855 = arith.index_cast %mul3A_852 : i32 to index
        %swap3A_856 = tpu.vector_load %arg20[%swap3A_854, %swap3A_855] {strides = array<i32>} : memref<1x2048xf32, #tpu.memory_space<vmem>>, vector<1x16xf32>,
        %swap3A_857 = vector.shape_cast %swap3A_856 : vector<1x16xf32> to vector<16xf32>
        %swap3A_858 = vector.shape_cast %broadcast_in_dim3A_287 : vector<16xf32> to vector<1x16xf32>
        tpu.vector_store %arg20[%swap3A_854, %swap3A_855], %swap3A_858 {strides = array<i32>} : memref<1x2048xf32, #tpu.memory_space<vmem>>, vector<1x16xf32>,
        %mul3A_859 = arith.constant 8 : i32
        %mul3A_860 = arith.muli %scan3A_785, %mul3A_859 : i32
        %add3A_861 = arith.constant 6 : i32
        %add3A_862 = arith.addi %mul3A_860, %add3A_861 : i32
        %mul3A_863 = arith.constant 16 : i32
        %mul3A_864 = arith.muli %add3A_862, %mul3A_863 : i32
        %swap3A_865 = arith.constant 0 : i32
        %swap3A_866 = arith.index_cast %swap3A_865 : i32 to index
        %swap3A_867 = arith.index_cast %mul3A_864 : i32 to index
        %swap3A_868 = tpu.vector_load %arg20[%swap3A_866, %swap3A_867] {strides = array<i32>} : memref<1x2048xf32, #tpu.memory_space<vmem>>, vector<1x16xf32>,
        %swap3A_869 = vector.shape_cast %swap3A_868 : vector<1x16xf32> to vector<16xf32>
        %swap3A_870 = vector.shape_cast %broadcast_in_dim3A_287 : vector<16xf32> to vector<1x16xf32>
        tpu.vector_store %arg20[%swap3A_866, %swap3A_867], %swap3A_870 {strides = array<i32>} : memref<1x2048xf32, #tpu.memory_space<vmem>>, vector<1x16xf32>,
        %mul3A_871 = arith.constant 8 : i32
        %mul3A_872 = arith.muli %scan3A_785, %mul3A_871 : i32
        %add3A_873 = arith.constant 7 : i32
        %add3A_874 = arith.addi %mul3A_872, %add3A_873 : i32
        %mul3A_875 = arith.constant 16 : i32
        %mul3A_876 = arith.muli %add3A_874, %mul3A_875 : i32
        %swap3A_877 = arith.constant 0 : i32
        %swap3A_878 = arith.index_cast %swap3A_877 : i32 to index
        %swap3A_879 = arith.index_cast %mul3A_876 : i32 to index
        %swap3A_880 = tpu.vector_load %arg20[%swap3A_878, %swap3A_879] {strides = array<i32>} : memref<1x2048xf32, #tpu.memory_space<vmem>>, vector<1x16xf32>,
        %swap3A_881 = vector.shape_cast %swap3A_880 : vector<1x16xf32> to vector<16xf32>
        %swap3A_882 = vector.shape_cast %broadcast_in_dim3A_287 : vector<16xf32> to vector<1x16xf32>
        tpu.vector_store %arg20[%swap3A_878, %swap3A_879], %swap3A_882 {strides = array<i32>} : memref<1x2048xf32, #tpu.memory_space<vmem>>, vector<1x16xf32>,
        %scan3A_883 = arith.constant 0 : i32
        scf.yield %scan3A_883 : i32
      }
      %scan3A_784 = arith.constant 16 : i32
    } else {
    }
    %slice3A_451 = vector.extract_strided_slice %get3A_285 {offsets = [12], sizes = [1], strides = [1]} : vector<16xi32> to vector<1xi32>
    %squeeze3A_452 = vector.extract %slice3A_451[0] : i32 from vector<1xi32>
    %ne3A_453 = arith.constant 0 : i32
    %ne3A_454 = arith.cmpi ne, %squeeze3A_452, %ne3A_453 : i32
    %convert_element_type3A_455 = arith.extui %ne3A_454 : i1 to i32
    %cond3A_456 = arith.constant 0 : i32
    %cond3A_457 = arith.cmpi ne, %convert_element_type3A_455, %cond3A_456 : i32
    scf.if %cond3A_457 {
      %dma_start3A_779 = arith.constant 192 : i32
      %dma_start3A_780 = tpu.memref_slice %arg8[%dma_start3A_779] : memref<256xi32, #tpu.memory_space<vmem>> -> memref<1xi32, #tpu.memory_space<vmem>>
      %dma_start3A_781 = arith.constant 0 : i32
      %dma_start3A_782 = arith.constant 0 : i32
      %dma_start3A_783 = tpu.memref_slice %arg2[%dma_start3A_781, %dma_start3A_782] : memref<16384x2048xf32, #tpu.memory_space<hbm>> -> memref<16384x2048xf32, #tpu.memory_space<hbm>>
      tpu.enqueue_indirect_dma source(%dma_start3A_783 : memref<16384x2048xf32, #tpu.memory_space<hbm>>) target(%arg21 : memref<1x2048xf32, #tpu.memory_space<vmem>>) offsets(%dma_start3A_780 : memref<1xi32, #tpu.memory_space<vmem>>) semaphore(%arg28 : memref<!tpu.dma_semaphore, #tpu.memory_space<semaphore_mem>>)
    } else {
    }
    %slice3A_458 = vector.extract_strided_slice %get3A_285 {offsets = [12], sizes = [1], strides = [1]} : vector<16xi32> to vector<1xi32>
    %squeeze3A_459 = vector.extract %slice3A_458[0] : i32 from vector<1xi32>
    %eq3A_460 = arith.constant 0 : i32
    %eq3A_461 = arith.cmpi eq, %squeeze3A_459, %eq3A_460 : i32
    %convert_element_type3A_462 = arith.extui %eq3A_461 : i1 to i32
    %cond3A_463 = arith.constant 0 : i32
    %cond3A_464 = arith.cmpi ne, %convert_element_type3A_462, %cond3A_463 : i32
    scf.if %cond3A_464 {
      %scan3A = arith.constant 0 : i32
      %scan3A_779 = arith.constant 0 : i32
      %scan3A_780 = arith.constant 16 : i32
      %scan3A_781 = arith.addi %scan3A_779, %scan3A_780 : i32
      %scan3A_782 = arith.constant 1 : i32
      %scan3A_783 = scf.for %scan3A_785 = %scan3A_779 to %scan3A_781 step %scan3A_782 iter_args(%scan3A_786 = %scan3A) -> (i32)  : i32 {
        %mul3A_787 = arith.constant 8 : i32
        %mul3A_788 = arith.muli %scan3A_785, %mul3A_787 : i32
        %add3A_789 = arith.constant 0 : i32
        %add3A_790 = arith.addi %mul3A_788, %add3A_789 : i32
        %mul3A_791 = arith.constant 16 : i32
        %mul3A_792 = arith.muli %add3A_790, %mul3A_791 : i32
        %swap3A_793 = arith.constant 0 : i32
        %swap3A_794 = arith.index_cast %swap3A_793 : i32 to index
        %swap3A_795 = arith.index_cast %mul3A_792 : i32 to index
        %swap3A_796 = tpu.vector_load %arg21[%swap3A_794, %swap3A_795] {strides = array<i32>} : memref<1x2048xf32, #tpu.memory_space<vmem>>, vector<1x16xf32>,
        %swap3A_797 = vector.shape_cast %swap3A_796 : vector<1x16xf32> to vector<16xf32>
        %swap3A_798 = vector.shape_cast %broadcast_in_dim3A_287 : vector<16xf32> to vector<1x16xf32>
        tpu.vector_store %arg21[%swap3A_794, %swap3A_795], %swap3A_798 {strides = array<i32>} : memref<1x2048xf32, #tpu.memory_space<vmem>>, vector<1x16xf32>,
        %mul3A_799 = arith.constant 8 : i32
        %mul3A_800 = arith.muli %scan3A_785, %mul3A_799 : i32
        %add3A_801 = arith.constant 1 : i32
        %add3A_802 = arith.addi %mul3A_800, %add3A_801 : i32
        %mul3A_803 = arith.constant 16 : i32
        %mul3A_804 = arith.muli %add3A_802, %mul3A_803 : i32
        %swap3A_805 = arith.constant 0 : i32
        %swap3A_806 = arith.index_cast %swap3A_805 : i32 to index
        %swap3A_807 = arith.index_cast %mul3A_804 : i32 to index
        %swap3A_808 = tpu.vector_load %arg21[%swap3A_806, %swap3A_807] {strides = array<i32>} : memref<1x2048xf32, #tpu.memory_space<vmem>>, vector<1x16xf32>,
        %swap3A_809 = vector.shape_cast %swap3A_808 : vector<1x16xf32> to vector<16xf32>
        %swap3A_810 = vector.shape_cast %broadcast_in_dim3A_287 : vector<16xf32> to vector<1x16xf32>
        tpu.vector_store %arg21[%swap3A_806, %swap3A_807], %swap3A_810 {strides = array<i32>} : memref<1x2048xf32, #tpu.memory_space<vmem>>, vector<1x16xf32>,
        %mul3A_811 = arith.constant 8 : i32
        %mul3A_812 = arith.muli %scan3A_785, %mul3A_811 : i32
        %add3A_813 = arith.constant 2 : i32
        %add3A_814 = arith.addi %mul3A_812, %add3A_813 : i32
        %mul3A_815 = arith.constant 16 : i32
        %mul3A_816 = arith.muli %add3A_814, %mul3A_815 : i32
        %swap3A_817 = arith.constant 0 : i32
        %swap3A_818 = arith.index_cast %swap3A_817 : i32 to index
        %swap3A_819 = arith.index_cast %mul3A_816 : i32 to index
        %swap3A_820 = tpu.vector_load %arg21[%swap3A_818, %swap3A_819] {strides = array<i32>} : memref<1x2048xf32, #tpu.memory_space<vmem>>, vector<1x16xf32>,
        %swap3A_821 = vector.shape_cast %swap3A_820 : vector<1x16xf32> to vector<16xf32>
        %swap3A_822 = vector.shape_cast %broadcast_in_dim3A_287 : vector<16xf32> to vector<1x16xf32>
        tpu.vector_store %arg21[%swap3A_818, %swap3A_819], %swap3A_822 {strides = array<i32>} : memref<1x2048xf32, #tpu.memory_space<vmem>>, vector<1x16xf32>,
        %mul3A_823 = arith.constant 8 : i32
        %mul3A_824 = arith.muli %scan3A_785, %mul3A_823 : i32
        %add3A_825 = arith.constant 3 : i32
        %add3A_826 = arith.addi %mul3A_824, %add3A_825 : i32
        %mul3A_827 = arith.constant 16 : i32
        %mul3A_828 = arith.muli %add3A_826, %mul3A_827 : i32
        %swap3A_829 = arith.constant 0 : i32
        %swap3A_830 = arith.index_cast %swap3A_829 : i32 to index
        %swap3A_831 = arith.index_cast %mul3A_828 : i32 to index
        %swap3A_832 = tpu.vector_load %arg21[%swap3A_830, %swap3A_831] {strides = array<i32>} : memref<1x2048xf32, #tpu.memory_space<vmem>>, vector<1x16xf32>,
        %swap3A_833 = vector.shape_cast %swap3A_832 : vector<1x16xf32> to vector<16xf32>
        %swap3A_834 = vector.shape_cast %broadcast_in_dim3A_287 : vector<16xf32> to vector<1x16xf32>
        tpu.vector_store %arg21[%swap3A_830, %swap3A_831], %swap3A_834 {strides = array<i32>} : memref<1x2048xf32, #tpu.memory_space<vmem>>, vector<1x16xf32>,
        %mul3A_835 = arith.constant 8 : i32
        %mul3A_836 = arith.muli %scan3A_785, %mul3A_835 : i32
        %add3A_837 = arith.constant 4 : i32
        %add3A_838 = arith.addi %mul3A_836, %add3A_837 : i32
        %mul3A_839 = arith.constant 16 : i32
        %mul3A_840 = arith.muli %add3A_838, %mul3A_839 : i32
        %swap3A_841 = arith.constant 0 : i32
        %swap3A_842 = arith.index_cast %swap3A_841 : i32 to index
        %swap3A_843 = arith.index_cast %mul3A_840 : i32 to index
        %swap3A_844 = tpu.vector_load %arg21[%swap3A_842, %swap3A_843] {strides = array<i32>} : memref<1x2048xf32, #tpu.memory_space<vmem>>, vector<1x16xf32>,
        %swap3A_845 = vector.shape_cast %swap3A_844 : vector<1x16xf32> to vector<16xf32>
        %swap3A_846 = vector.shape_cast %broadcast_in_dim3A_287 : vector<16xf32> to vector<1x16xf32>
        tpu.vector_store %arg21[%swap3A_842, %swap3A_843], %swap3A_846 {strides = array<i32>} : memref<1x2048xf32, #tpu.memory_space<vmem>>, vector<1x16xf32>,
        %mul3A_847 = arith.constant 8 : i32
        %mul3A_848 = arith.muli %scan3A_785, %mul3A_847 : i32
        %add3A_849 = arith.constant 5 : i32
        %add3A_850 = arith.addi %mul3A_848, %add3A_849 : i32
        %mul3A_851 = arith.constant 16 : i32
        %mul3A_852 = arith.muli %add3A_850, %mul3A_851 : i32
        %swap3A_853 = arith.constant 0 : i32
        %swap3A_854 = arith.index_cast %swap3A_853 : i32 to index
        %swap3A_855 = arith.index_cast %mul3A_852 : i32 to index
        %swap3A_856 = tpu.vector_load %arg21[%swap3A_854, %swap3A_855] {strides = array<i32>} : memref<1x2048xf32, #tpu.memory_space<vmem>>, vector<1x16xf32>,
        %swap3A_857 = vector.shape_cast %swap3A_856 : vector<1x16xf32> to vector<16xf32>
        %swap3A_858 = vector.shape_cast %broadcast_in_dim3A_287 : vector<16xf32> to vector<1x16xf32>
        tpu.vector_store %arg21[%swap3A_854, %swap3A_855], %swap3A_858 {strides = array<i32>} : memref<1x2048xf32, #tpu.memory_space<vmem>>, vector<1x16xf32>,
        %mul3A_859 = arith.constant 8 : i32
        %mul3A_860 = arith.muli %scan3A_785, %mul3A_859 : i32
        %add3A_861 = arith.constant 6 : i32
        %add3A_862 = arith.addi %mul3A_860, %add3A_861 : i32
        %mul3A_863 = arith.constant 16 : i32
        %mul3A_864 = arith.muli %add3A_862, %mul3A_863 : i32
        %swap3A_865 = arith.constant 0 : i32
        %swap3A_866 = arith.index_cast %swap3A_865 : i32 to index
        %swap3A_867 = arith.index_cast %mul3A_864 : i32 to index
        %swap3A_868 = tpu.vector_load %arg21[%swap3A_866, %swap3A_867] {strides = array<i32>} : memref<1x2048xf32, #tpu.memory_space<vmem>>, vector<1x16xf32>,
        %swap3A_869 = vector.shape_cast %swap3A_868 : vector<1x16xf32> to vector<16xf32>
        %swap3A_870 = vector.shape_cast %broadcast_in_dim3A_287 : vector<16xf32> to vector<1x16xf32>
        tpu.vector_store %arg21[%swap3A_866, %swap3A_867], %swap3A_870 {strides = array<i32>} : memref<1x2048xf32, #tpu.memory_space<vmem>>, vector<1x16xf32>,
        %mul3A_871 = arith.constant 8 : i32
        %mul3A_872 = arith.muli %scan3A_785, %mul3A_871 : i32
        %add3A_873 = arith.constant 7 : i32
        %add3A_874 = arith.addi %mul3A_872, %add3A_873 : i32
        %mul3A_875 = arith.constant 16 : i32
        %mul3A_876 = arith.muli %add3A_874, %mul3A_875 : i32
        %swap3A_877 = arith.constant 0 : i32
        %swap3A_878 = arith.index_cast %swap3A_877 : i32 to index
        %swap3A_879 = arith.index_cast %mul3A_876 : i32 to index
        %swap3A_880 = tpu.vector_load %arg21[%swap3A_878, %swap3A_879] {strides = array<i32>} : memref<1x2048xf32, #tpu.memory_space<vmem>>, vector<1x16xf32>,
        %swap3A_881 = vector.shape_cast %swap3A_880 : vector<1x16xf32> to vector<16xf32>
        %swap3A_882 = vector.shape_cast %broadcast_in_dim3A_287 : vector<16xf32> to vector<1x16xf32>
        tpu.vector_store %arg21[%swap3A_878, %swap3A_879], %swap3A_882 {strides = array<i32>} : memref<1x2048xf32, #tpu.memory_space<vmem>>, vector<1x16xf32>,
        %scan3A_883 = arith.constant 0 : i32
        scf.yield %scan3A_883 : i32
      }
      %scan3A_784 = arith.constant 16 : i32
    } else {
    }
    %slice3A_465 = vector.extract_strided_slice %get3A_285 {offsets = [13], sizes = [1], strides = [1]} : vector<16xi32> to vector<1xi32>
    %squeeze3A_466 = vector.extract %slice3A_465[0] : i32 from vector<1xi32>
    %ne3A_467 = arith.constant 0 : i32
    %ne3A_468 = arith.cmpi ne, %squeeze3A_466, %ne3A_467 : i32
    %convert_element_type3A_469 = arith.extui %ne3A_468 : i1 to i32
    %cond3A_470 = arith.constant 0 : i32
    %cond3A_471 = arith.cmpi ne, %convert_element_type3A_469, %cond3A_470 : i32
    scf.if %cond3A_471 {
      %dma_start3A_779 = arith.constant 208 : i32
      %dma_start3A_780 = tpu.memref_slice %arg8[%dma_start3A_779] : memref<256xi32, #tpu.memory_space<vmem>> -> memref<1xi32, #tpu.memory_space<vmem>>
      %dma_start3A_781 = arith.constant 0 : i32
      %dma_start3A_782 = arith.constant 0 : i32
      %dma_start3A_783 = tpu.memref_slice %arg2[%dma_start3A_781, %dma_start3A_782] : memref<16384x2048xf32, #tpu.memory_space<hbm>> -> memref<16384x2048xf32, #tpu.memory_space<hbm>>
      tpu.enqueue_indirect_dma source(%dma_start3A_783 : memref<16384x2048xf32, #tpu.memory_space<hbm>>) target(%arg22 : memref<1x2048xf32, #tpu.memory_space<vmem>>) offsets(%dma_start3A_780 : memref<1xi32, #tpu.memory_space<vmem>>) semaphore(%arg28 : memref<!tpu.dma_semaphore, #tpu.memory_space<semaphore_mem>>)
    } else {
    }
    %slice3A_472 = vector.extract_strided_slice %get3A_285 {offsets = [13], sizes = [1], strides = [1]} : vector<16xi32> to vector<1xi32>
    %squeeze3A_473 = vector.extract %slice3A_472[0] : i32 from vector<1xi32>
    %eq3A_474 = arith.constant 0 : i32
    %eq3A_475 = arith.cmpi eq, %squeeze3A_473, %eq3A_474 : i32
    %convert_element_type3A_476 = arith.extui %eq3A_475 : i1 to i32
    %cond3A_477 = arith.constant 0 : i32
    %cond3A_478 = arith.cmpi ne, %convert_element_type3A_476, %cond3A_477 : i32
    scf.if %cond3A_478 {
      %scan3A = arith.constant 0 : i32
      %scan3A_779 = arith.constant 0 : i32
      %scan3A_780 = arith.constant 16 : i32
      %scan3A_781 = arith.addi %scan3A_779, %scan3A_780 : i32
      %scan3A_782 = arith.constant 1 : i32
      %scan3A_783 = scf.for %scan3A_785 = %scan3A_779 to %scan3A_781 step %scan3A_782 iter_args(%scan3A_786 = %scan3A) -> (i32)  : i32 {
        %mul3A_787 = arith.constant 8 : i32
        %mul3A_788 = arith.muli %scan3A_785, %mul3A_787 : i32
        %add3A_789 = arith.constant 0 : i32
        %add3A_790 = arith.addi %mul3A_788, %add3A_789 : i32
        %mul3A_791 = arith.constant 16 : i32
        %mul3A_792 = arith.muli %add3A_790, %mul3A_791 : i32
        %swap3A_793 = arith.constant 0 : i32
        %swap3A_794 = arith.index_cast %swap3A_793 : i32 to index
        %swap3A_795 = arith.index_cast %mul3A_792 : i32 to index
        %swap3A_796 = tpu.vector_load %arg22[%swap3A_794, %swap3A_795] {strides = array<i32>} : memref<1x2048xf32, #tpu.memory_space<vmem>>, vector<1x16xf32>,
        %swap3A_797 = vector.shape_cast %swap3A_796 : vector<1x16xf32> to vector<16xf32>
        %swap3A_798 = vector.shape_cast %broadcast_in_dim3A_287 : vector<16xf32> to vector<1x16xf32>
        tpu.vector_store %arg22[%swap3A_794, %swap3A_795], %swap3A_798 {strides = array<i32>} : memref<1x2048xf32, #tpu.memory_space<vmem>>, vector<1x16xf32>,
        %mul3A_799 = arith.constant 8 : i32
        %mul3A_800 = arith.muli %scan3A_785, %mul3A_799 : i32
        %add3A_801 = arith.constant 1 : i32
        %add3A_802 = arith.addi %mul3A_800, %add3A_801 : i32
        %mul3A_803 = arith.constant 16 : i32
        %mul3A_804 = arith.muli %add3A_802, %mul3A_803 : i32
        %swap3A_805 = arith.constant 0 : i32
        %swap3A_806 = arith.index_cast %swap3A_805 : i32 to index
        %swap3A_807 = arith.index_cast %mul3A_804 : i32 to index
        %swap3A_808 = tpu.vector_load %arg22[%swap3A_806, %swap3A_807] {strides = array<i32>} : memref<1x2048xf32, #tpu.memory_space<vmem>>, vector<1x16xf32>,
        %swap3A_809 = vector.shape_cast %swap3A_808 : vector<1x16xf32> to vector<16xf32>
        %swap3A_810 = vector.shape_cast %broadcast_in_dim3A_287 : vector<16xf32> to vector<1x16xf32>
        tpu.vector_store %arg22[%swap3A_806, %swap3A_807], %swap3A_810 {strides = array<i32>} : memref<1x2048xf32, #tpu.memory_space<vmem>>, vector<1x16xf32>,
        %mul3A_811 = arith.constant 8 : i32
        %mul3A_812 = arith.muli %scan3A_785, %mul3A_811 : i32
        %add3A_813 = arith.constant 2 : i32
        %add3A_814 = arith.addi %mul3A_812, %add3A_813 : i32
        %mul3A_815 = arith.constant 16 : i32
        %mul3A_816 = arith.muli %add3A_814, %mul3A_815 : i32
        %swap3A_817 = arith.constant 0 : i32
        %swap3A_818 = arith.index_cast %swap3A_817 : i32 to index
        %swap3A_819 = arith.index_cast %mul3A_816 : i32 to index
        %swap3A_820 = tpu.vector_load %arg22[%swap3A_818, %swap3A_819] {strides = array<i32>} : memref<1x2048xf32, #tpu.memory_space<vmem>>, vector<1x16xf32>,
        %swap3A_821 = vector.shape_cast %swap3A_820 : vector<1x16xf32> to vector<16xf32>
        %swap3A_822 = vector.shape_cast %broadcast_in_dim3A_287 : vector<16xf32> to vector<1x16xf32>
        tpu.vector_store %arg22[%swap3A_818, %swap3A_819], %swap3A_822 {strides = array<i32>} : memref<1x2048xf32, #tpu.memory_space<vmem>>, vector<1x16xf32>,
        %mul3A_823 = arith.constant 8 : i32
        %mul3A_824 = arith.muli %scan3A_785, %mul3A_823 : i32
        %add3A_825 = arith.constant 3 : i32
        %add3A_826 = arith.addi %mul3A_824, %add3A_825 : i32
        %mul3A_827 = arith.constant 16 : i32
        %mul3A_828 = arith.muli %add3A_826, %mul3A_827 : i32
        %swap3A_829 = arith.constant 0 : i32
        %swap3A_830 = arith.index_cast %swap3A_829 : i32 to index
        %swap3A_831 = arith.index_cast %mul3A_828 : i32 to index
        %swap3A_832 = tpu.vector_load %arg22[%swap3A_830, %swap3A_831] {strides = array<i32>} : memref<1x2048xf32, #tpu.memory_space<vmem>>, vector<1x16xf32>,
        %swap3A_833 = vector.shape_cast %swap3A_832 : vector<1x16xf32> to vector<16xf32>
        %swap3A_834 = vector.shape_cast %broadcast_in_dim3A_287 : vector<16xf32> to vector<1x16xf32>
        tpu.vector_store %arg22[%swap3A_830, %swap3A_831], %swap3A_834 {strides = array<i32>} : memref<1x2048xf32, #tpu.memory_space<vmem>>, vector<1x16xf32>,
        %mul3A_835 = arith.constant 8 : i32
        %mul3A_836 = arith.muli %scan3A_785, %mul3A_835 : i32
        %add3A_837 = arith.constant 4 : i32
        %add3A_838 = arith.addi %mul3A_836, %add3A_837 : i32
        %mul3A_839 = arith.constant 16 : i32
        %mul3A_840 = arith.muli %add3A_838, %mul3A_839 : i32
        %swap3A_841 = arith.constant 0 : i32
        %swap3A_842 = arith.index_cast %swap3A_841 : i32 to index
        %swap3A_843 = arith.index_cast %mul3A_840 : i32 to index
        %swap3A_844 = tpu.vector_load %arg22[%swap3A_842, %swap3A_843] {strides = array<i32>} : memref<1x2048xf32, #tpu.memory_space<vmem>>, vector<1x16xf32>,
        %swap3A_845 = vector.shape_cast %swap3A_844 : vector<1x16xf32> to vector<16xf32>
        %swap3A_846 = vector.shape_cast %broadcast_in_dim3A_287 : vector<16xf32> to vector<1x16xf32>
        tpu.vector_store %arg22[%swap3A_842, %swap3A_843], %swap3A_846 {strides = array<i32>} : memref<1x2048xf32, #tpu.memory_space<vmem>>, vector<1x16xf32>,
        %mul3A_847 = arith.constant 8 : i32
        %mul3A_848 = arith.muli %scan3A_785, %mul3A_847 : i32
        %add3A_849 = arith.constant 5 : i32
        %add3A_850 = arith.addi %mul3A_848, %add3A_849 : i32
        %mul3A_851 = arith.constant 16 : i32
        %mul3A_852 = arith.muli %add3A_850, %mul3A_851 : i32
        %swap3A_853 = arith.constant 0 : i32
        %swap3A_854 = arith.index_cast %swap3A_853 : i32 to index
        %swap3A_855 = arith.index_cast %mul3A_852 : i32 to index
        %swap3A_856 = tpu.vector_load %arg22[%swap3A_854, %swap3A_855] {strides = array<i32>} : memref<1x2048xf32, #tpu.memory_space<vmem>>, vector<1x16xf32>,
        %swap3A_857 = vector.shape_cast %swap3A_856 : vector<1x16xf32> to vector<16xf32>
        %swap3A_858 = vector.shape_cast %broadcast_in_dim3A_287 : vector<16xf32> to vector<1x16xf32>
        tpu.vector_store %arg22[%swap3A_854, %swap3A_855], %swap3A_858 {strides = array<i32>} : memref<1x2048xf32, #tpu.memory_space<vmem>>, vector<1x16xf32>,
        %mul3A_859 = arith.constant 8 : i32
        %mul3A_860 = arith.muli %scan3A_785, %mul3A_859 : i32
        %add3A_861 = arith.constant 6 : i32
        %add3A_862 = arith.addi %mul3A_860, %add3A_861 : i32
        %mul3A_863 = arith.constant 16 : i32
        %mul3A_864 = arith.muli %add3A_862, %mul3A_863 : i32
        %swap3A_865 = arith.constant 0 : i32
        %swap3A_866 = arith.index_cast %swap3A_865 : i32 to index
        %swap3A_867 = arith.index_cast %mul3A_864 : i32 to index
        %swap3A_868 = tpu.vector_load %arg22[%swap3A_866, %swap3A_867] {strides = array<i32>} : memref<1x2048xf32, #tpu.memory_space<vmem>>, vector<1x16xf32>,
        %swap3A_869 = vector.shape_cast %swap3A_868 : vector<1x16xf32> to vector<16xf32>
        %swap3A_870 = vector.shape_cast %broadcast_in_dim3A_287 : vector<16xf32> to vector<1x16xf32>
        tpu.vector_store %arg22[%swap3A_866, %swap3A_867], %swap3A_870 {strides = array<i32>} : memref<1x2048xf32, #tpu.memory_space<vmem>>, vector<1x16xf32>,
        %mul3A_871 = arith.constant 8 : i32
        %mul3A_872 = arith.muli %scan3A_785, %mul3A_871 : i32
        %add3A_873 = arith.constant 7 : i32
        %add3A_874 = arith.addi %mul3A_872, %add3A_873 : i32
        %mul3A_875 = arith.constant 16 : i32
        %mul3A_876 = arith.muli %add3A_874, %mul3A_875 : i32
        %swap3A_877 = arith.constant 0 : i32
        %swap3A_878 = arith.index_cast %swap3A_877 : i32 to index
        %swap3A_879 = arith.index_cast %mul3A_876 : i32 to index
        %swap3A_880 = tpu.vector_load %arg22[%swap3A_878, %swap3A_879] {strides = array<i32>} : memref<1x2048xf32, #tpu.memory_space<vmem>>, vector<1x16xf32>,
        %swap3A_881 = vector.shape_cast %swap3A_880 : vector<1x16xf32> to vector<16xf32>
        %swap3A_882 = vector.shape_cast %broadcast_in_dim3A_287 : vector<16xf32> to vector<1x16xf32>
        tpu.vector_store %arg22[%swap3A_878, %swap3A_879], %swap3A_882 {strides = array<i32>} : memref<1x2048xf32, #tpu.memory_space<vmem>>, vector<1x16xf32>,
        %scan3A_883 = arith.constant 0 : i32
        scf.yield %scan3A_883 : i32
      }
      %scan3A_784 = arith.constant 16 : i32
    } else {
    }
    %slice3A_479 = vector.extract_strided_slice %get3A_285 {offsets = [14], sizes = [1], strides = [1]} : vector<16xi32> to vector<1xi32>
    %squeeze3A_480 = vector.extract %slice3A_479[0] : i32 from vector<1xi32>
    %ne3A_481 = arith.constant 0 : i32
    %ne3A_482 = arith.cmpi ne, %squeeze3A_480, %ne3A_481 : i32
    %convert_element_type3A_483 = arith.extui %ne3A_482 : i1 to i32
    %cond3A_484 = arith.constant 0 : i32
    %cond3A_485 = arith.cmpi ne, %convert_element_type3A_483, %cond3A_484 : i32
    scf.if %cond3A_485 {
      %dma_start3A_779 = arith.constant 224 : i32
      %dma_start3A_780 = tpu.memref_slice %arg8[%dma_start3A_779] : memref<256xi32, #tpu.memory_space<vmem>> -> memref<1xi32, #tpu.memory_space<vmem>>
      %dma_start3A_781 = arith.constant 0 : i32
      %dma_start3A_782 = arith.constant 0 : i32
      %dma_start3A_783 = tpu.memref_slice %arg2[%dma_start3A_781, %dma_start3A_782] : memref<16384x2048xf32, #tpu.memory_space<hbm>> -> memref<16384x2048xf32, #tpu.memory_space<hbm>>
      tpu.enqueue_indirect_dma source(%dma_start3A_783 : memref<16384x2048xf32, #tpu.memory_space<hbm>>) target(%arg23 : memref<1x2048xf32, #tpu.memory_space<vmem>>) offsets(%dma_start3A_780 : memref<1xi32, #tpu.memory_space<vmem>>) semaphore(%arg28 : memref<!tpu.dma_semaphore, #tpu.memory_space<semaphore_mem>>)
    } else {
    }
    %slice3A_486 = vector.extract_strided_slice %get3A_285 {offsets = [14], sizes = [1], strides = [1]} : vector<16xi32> to vector<1xi32>
    %squeeze3A_487 = vector.extract %slice3A_486[0] : i32 from vector<1xi32>
    %eq3A_488 = arith.constant 0 : i32
    %eq3A_489 = arith.cmpi eq, %squeeze3A_487, %eq3A_488 : i32
    %convert_element_type3A_490 = arith.extui %eq3A_489 : i1 to i32
    %cond3A_491 = arith.constant 0 : i32
    %cond3A_492 = arith.cmpi ne, %convert_element_type3A_490, %cond3A_491 : i32
    scf.if %cond3A_492 {
      %scan3A = arith.constant 0 : i32
      %scan3A_779 = arith.constant 0 : i32
      %scan3A_780 = arith.constant 16 : i32
      %scan3A_781 = arith.addi %scan3A_779, %scan3A_780 : i32
      %scan3A_782 = arith.constant 1 : i32
      %scan3A_783 = scf.for %scan3A_785 = %scan3A_779 to %scan3A_781 step %scan3A_782 iter_args(%scan3A_786 = %scan3A) -> (i32)  : i32 {
        %mul3A_787 = arith.constant 8 : i32
        %mul3A_788 = arith.muli %scan3A_785, %mul3A_787 : i32
        %add3A_789 = arith.constant 0 : i32
        %add3A_790 = arith.addi %mul3A_788, %add3A_789 : i32
        %mul3A_791 = arith.constant 16 : i32
        %mul3A_792 = arith.muli %add3A_790, %mul3A_791 : i32
        %swap3A_793 = arith.constant 0 : i32
        %swap3A_794 = arith.index_cast %swap3A_793 : i32 to index
        %swap3A_795 = arith.index_cast %mul3A_792 : i32 to index
        %swap3A_796 = tpu.vector_load %arg23[%swap3A_794, %swap3A_795] {strides = array<i32>} : memref<1x2048xf32, #tpu.memory_space<vmem>>, vector<1x16xf32>,
        %swap3A_797 = vector.shape_cast %swap3A_796 : vector<1x16xf32> to vector<16xf32>
        %swap3A_798 = vector.shape_cast %broadcast_in_dim3A_287 : vector<16xf32> to vector<1x16xf32>
        tpu.vector_store %arg23[%swap3A_794, %swap3A_795], %swap3A_798 {strides = array<i32>} : memref<1x2048xf32, #tpu.memory_space<vmem>>, vector<1x16xf32>,
        %mul3A_799 = arith.constant 8 : i32
        %mul3A_800 = arith.muli %scan3A_785, %mul3A_799 : i32
        %add3A_801 = arith.constant 1 : i32
        %add3A_802 = arith.addi %mul3A_800, %add3A_801 : i32
        %mul3A_803 = arith.constant 16 : i32
        %mul3A_804 = arith.muli %add3A_802, %mul3A_803 : i32
        %swap3A_805 = arith.constant 0 : i32
        %swap3A_806 = arith.index_cast %swap3A_805 : i32 to index
        %swap3A_807 = arith.index_cast %mul3A_804 : i32 to index
        %swap3A_808 = tpu.vector_load %arg23[%swap3A_806, %swap3A_807] {strides = array<i32>} : memref<1x2048xf32, #tpu.memory_space<vmem>>, vector<1x16xf32>,
        %swap3A_809 = vector.shape_cast %swap3A_808 : vector<1x16xf32> to vector<16xf32>
        %swap3A_810 = vector.shape_cast %broadcast_in_dim3A_287 : vector<16xf32> to vector<1x16xf32>
        tpu.vector_store %arg23[%swap3A_806, %swap3A_807], %swap3A_810 {strides = array<i32>} : memref<1x2048xf32, #tpu.memory_space<vmem>>, vector<1x16xf32>,
        %mul3A_811 = arith.constant 8 : i32
        %mul3A_812 = arith.muli %scan3A_785, %mul3A_811 : i32
        %add3A_813 = arith.constant 2 : i32
        %add3A_814 = arith.addi %mul3A_812, %add3A_813 : i32
        %mul3A_815 = arith.constant 16 : i32
        %mul3A_816 = arith.muli %add3A_814, %mul3A_815 : i32
        %swap3A_817 = arith.constant 0 : i32
        %swap3A_818 = arith.index_cast %swap3A_817 : i32 to index
        %swap3A_819 = arith.index_cast %mul3A_816 : i32 to index
        %swap3A_820 = tpu.vector_load %arg23[%swap3A_818, %swap3A_819] {strides = array<i32>} : memref<1x2048xf32, #tpu.memory_space<vmem>>, vector<1x16xf32>,
        %swap3A_821 = vector.shape_cast %swap3A_820 : vector<1x16xf32> to vector<16xf32>
        %swap3A_822 = vector.shape_cast %broadcast_in_dim3A_287 : vector<16xf32> to vector<1x16xf32>
        tpu.vector_store %arg23[%swap3A_818, %swap3A_819], %swap3A_822 {strides = array<i32>} : memref<1x2048xf32, #tpu.memory_space<vmem>>, vector<1x16xf32>,
        %mul3A_823 = arith.constant 8 : i32
        %mul3A_824 = arith.muli %scan3A_785, %mul3A_823 : i32
        %add3A_825 = arith.constant 3 : i32
        %add3A_826 = arith.addi %mul3A_824, %add3A_825 : i32
        %mul3A_827 = arith.constant 16 : i32
        %mul3A_828 = arith.muli %add3A_826, %mul3A_827 : i32
        %swap3A_829 = arith.constant 0 : i32
        %swap3A_830 = arith.index_cast %swap3A_829 : i32 to index
        %swap3A_831 = arith.index_cast %mul3A_828 : i32 to index
        %swap3A_832 = tpu.vector_load %arg23[%swap3A_830, %swap3A_831] {strides = array<i32>} : memref<1x2048xf32, #tpu.memory_space<vmem>>, vector<1x16xf32>,
        %swap3A_833 = vector.shape_cast %swap3A_832 : vector<1x16xf32> to vector<16xf32>
        %swap3A_834 = vector.shape_cast %broadcast_in_dim3A_287 : vector<16xf32> to vector<1x16xf32>
        tpu.vector_store %arg23[%swap3A_830, %swap3A_831], %swap3A_834 {strides = array<i32>} : memref<1x2048xf32, #tpu.memory_space<vmem>>, vector<1x16xf32>,
        %mul3A_835 = arith.constant 8 : i32
        %mul3A_836 = arith.muli %scan3A_785, %mul3A_835 : i32
        %add3A_837 = arith.constant 4 : i32
        %add3A_838 = arith.addi %mul3A_836, %add3A_837 : i32
        %mul3A_839 = arith.constant 16 : i32
        %mul3A_840 = arith.muli %add3A_838, %mul3A_839 : i32
        %swap3A_841 = arith.constant 0 : i32
        %swap3A_842 = arith.index_cast %swap3A_841 : i32 to index
        %swap3A_843 = arith.index_cast %mul3A_840 : i32 to index
        %swap3A_844 = tpu.vector_load %arg23[%swap3A_842, %swap3A_843] {strides = array<i32>} : memref<1x2048xf32, #tpu.memory_space<vmem>>, vector<1x16xf32>,
        %swap3A_845 = vector.shape_cast %swap3A_844 : vector<1x16xf32> to vector<16xf32>
        %swap3A_846 = vector.shape_cast %broadcast_in_dim3A_287 : vector<16xf32> to vector<1x16xf32>
        tpu.vector_store %arg23[%swap3A_842, %swap3A_843], %swap3A_846 {strides = array<i32>} : memref<1x2048xf32, #tpu.memory_space<vmem>>, vector<1x16xf32>,
        %mul3A_847 = arith.constant 8 : i32
        %mul3A_848 = arith.muli %scan3A_785, %mul3A_847 : i32
        %add3A_849 = arith.constant 5 : i32
        %add3A_850 = arith.addi %mul3A_848, %add3A_849 : i32
        %mul3A_851 = arith.constant 16 : i32
        %mul3A_852 = arith.muli %add3A_850, %mul3A_851 : i32
        %swap3A_853 = arith.constant 0 : i32
        %swap3A_854 = arith.index_cast %swap3A_853 : i32 to index
        %swap3A_855 = arith.index_cast %mul3A_852 : i32 to index
        %swap3A_856 = tpu.vector_load %arg23[%swap3A_854, %swap3A_855] {strides = array<i32>} : memref<1x2048xf32, #tpu.memory_space<vmem>>, vector<1x16xf32>,
        %swap3A_857 = vector.shape_cast %swap3A_856 : vector<1x16xf32> to vector<16xf32>
        %swap3A_858 = vector.shape_cast %broadcast_in_dim3A_287 : vector<16xf32> to vector<1x16xf32>
        tpu.vector_store %arg23[%swap3A_854, %swap3A_855], %swap3A_858 {strides = array<i32>} : memref<1x2048xf32, #tpu.memory_space<vmem>>, vector<1x16xf32>,
        %mul3A_859 = arith.constant 8 : i32
        %mul3A_860 = arith.muli %scan3A_785, %mul3A_859 : i32
        %add3A_861 = arith.constant 6 : i32
        %add3A_862 = arith.addi %mul3A_860, %add3A_861 : i32
        %mul3A_863 = arith.constant 16 : i32
        %mul3A_864 = arith.muli %add3A_862, %mul3A_863 : i32
        %swap3A_865 = arith.constant 0 : i32
        %swap3A_866 = arith.index_cast %swap3A_865 : i32 to index
        %swap3A_867 = arith.index_cast %mul3A_864 : i32 to index
        %swap3A_868 = tpu.vector_load %arg23[%swap3A_866, %swap3A_867] {strides = array<i32>} : memref<1x2048xf32, #tpu.memory_space<vmem>>, vector<1x16xf32>,
        %swap3A_869 = vector.shape_cast %swap3A_868 : vector<1x16xf32> to vector<16xf32>
        %swap3A_870 = vector.shape_cast %broadcast_in_dim3A_287 : vector<16xf32> to vector<1x16xf32>
        tpu.vector_store %arg23[%swap3A_866, %swap3A_867], %swap3A_870 {strides = array<i32>} : memref<1x2048xf32, #tpu.memory_space<vmem>>, vector<1x16xf32>,
        %mul3A_871 = arith.constant 8 : i32
        %mul3A_872 = arith.muli %scan3A_785, %mul3A_871 : i32
        %add3A_873 = arith.constant 7 : i32
        %add3A_874 = arith.addi %mul3A_872, %add3A_873 : i32
        %mul3A_875 = arith.constant 16 : i32
        %mul3A_876 = arith.muli %add3A_874, %mul3A_875 : i32
        %swap3A_877 = arith.constant 0 : i32
        %swap3A_878 = arith.index_cast %swap3A_877 : i32 to index
        %swap3A_879 = arith.index_cast %mul3A_876 : i32 to index
        %swap3A_880 = tpu.vector_load %arg23[%swap3A_878, %swap3A_879] {strides = array<i32>} : memref<1x2048xf32, #tpu.memory_space<vmem>>, vector<1x16xf32>,
        %swap3A_881 = vector.shape_cast %swap3A_880 : vector<1x16xf32> to vector<16xf32>
        %swap3A_882 = vector.shape_cast %broadcast_in_dim3A_287 : vector<16xf32> to vector<1x16xf32>
        tpu.vector_store %arg23[%swap3A_878, %swap3A_879], %swap3A_882 {strides = array<i32>} : memref<1x2048xf32, #tpu.memory_space<vmem>>, vector<1x16xf32>,
        %scan3A_883 = arith.constant 0 : i32
        scf.yield %scan3A_883 : i32
      }
      %scan3A_784 = arith.constant 16 : i32
    } else {
    }
    %slice3A_493 = vector.extract_strided_slice %get3A_285 {offsets = [15], sizes = [1], strides = [1]} : vector<16xi32> to vector<1xi32>
    %squeeze3A_494 = vector.extract %slice3A_493[0] : i32 from vector<1xi32>
    %ne3A_495 = arith.constant 0 : i32
    %ne3A_496 = arith.cmpi ne, %squeeze3A_494, %ne3A_495 : i32
    %convert_element_type3A_497 = arith.extui %ne3A_496 : i1 to i32
    %cond3A_498 = arith.constant 0 : i32
    %cond3A_499 = arith.cmpi ne, %convert_element_type3A_497, %cond3A_498 : i32
    scf.if %cond3A_499 {
      %dma_start3A_779 = arith.constant 240 : i32
      %dma_start3A_780 = tpu.memref_slice %arg8[%dma_start3A_779] : memref<256xi32, #tpu.memory_space<vmem>> -> memref<1xi32, #tpu.memory_space<vmem>>
      %dma_start3A_781 = arith.constant 0 : i32
      %dma_start3A_782 = arith.constant 0 : i32
      %dma_start3A_783 = tpu.memref_slice %arg2[%dma_start3A_781, %dma_start3A_782] : memref<16384x2048xf32, #tpu.memory_space<hbm>> -> memref<16384x2048xf32, #tpu.memory_space<hbm>>
      tpu.enqueue_indirect_dma source(%dma_start3A_783 : memref<16384x2048xf32, #tpu.memory_space<hbm>>) target(%arg24 : memref<1x2048xf32, #tpu.memory_space<vmem>>) offsets(%dma_start3A_780 : memref<1xi32, #tpu.memory_space<vmem>>) semaphore(%arg28 : memref<!tpu.dma_semaphore, #tpu.memory_space<semaphore_mem>>)
    } else {
    }
    %slice3A_500 = vector.extract_strided_slice %get3A_285 {offsets = [15], sizes = [1], strides = [1]} : vector<16xi32> to vector<1xi32>
    %squeeze3A_501 = vector.extract %slice3A_500[0] : i32 from vector<1xi32>
    %eq3A_502 = arith.constant 0 : i32
    %eq3A_503 = arith.cmpi eq, %squeeze3A_501, %eq3A_502 : i32
    %convert_element_type3A_504 = arith.extui %eq3A_503 : i1 to i32
    %cond3A_505 = arith.constant 0 : i32
    %cond3A_506 = arith.cmpi ne, %convert_element_type3A_504, %cond3A_505 : i32
    scf.if %cond3A_506 {
      %scan3A = arith.constant 0 : i32
      %scan3A_779 = arith.constant 0 : i32
      %scan3A_780 = arith.constant 16 : i32
      %scan3A_781 = arith.addi %scan3A_779, %scan3A_780 : i32
      %scan3A_782 = arith.constant 1 : i32
      %scan3A_783 = scf.for %scan3A_785 = %scan3A_779 to %scan3A_781 step %scan3A_782 iter_args(%scan3A_786 = %scan3A) -> (i32)  : i32 {
        %mul3A_787 = arith.constant 8 : i32
        %mul3A_788 = arith.muli %scan3A_785, %mul3A_787 : i32
        %add3A_789 = arith.constant 0 : i32
        %add3A_790 = arith.addi %mul3A_788, %add3A_789 : i32
        %mul3A_791 = arith.constant 16 : i32
        %mul3A_792 = arith.muli %add3A_790, %mul3A_791 : i32
        %swap3A_793 = arith.constant 0 : i32
        %swap3A_794 = arith.index_cast %swap3A_793 : i32 to index
        %swap3A_795 = arith.index_cast %mul3A_792 : i32 to index
        %swap3A_796 = tpu.vector_load %arg24[%swap3A_794, %swap3A_795] {strides = array<i32>} : memref<1x2048xf32, #tpu.memory_space<vmem>>, vector<1x16xf32>,
        %swap3A_797 = vector.shape_cast %swap3A_796 : vector<1x16xf32> to vector<16xf32>
        %swap3A_798 = vector.shape_cast %broadcast_in_dim3A_287 : vector<16xf32> to vector<1x16xf32>
        tpu.vector_store %arg24[%swap3A_794, %swap3A_795], %swap3A_798 {strides = array<i32>} : memref<1x2048xf32, #tpu.memory_space<vmem>>, vector<1x16xf32>,
        %mul3A_799 = arith.constant 8 : i32
        %mul3A_800 = arith.muli %scan3A_785, %mul3A_799 : i32
        %add3A_801 = arith.constant 1 : i32
        %add3A_802 = arith.addi %mul3A_800, %add3A_801 : i32
        %mul3A_803 = arith.constant 16 : i32
        %mul3A_804 = arith.muli %add3A_802, %mul3A_803 : i32
        %swap3A_805 = arith.constant 0 : i32
        %swap3A_806 = arith.index_cast %swap3A_805 : i32 to index
        %swap3A_807 = arith.index_cast %mul3A_804 : i32 to index
        %swap3A_808 = tpu.vector_load %arg24[%swap3A_806, %swap3A_807] {strides = array<i32>} : memref<1x2048xf32, #tpu.memory_space<vmem>>, vector<1x16xf32>,
        %swap3A_809 = vector.shape_cast %swap3A_808 : vector<1x16xf32> to vector<16xf32>
        %swap3A_810 = vector.shape_cast %broadcast_in_dim3A_287 : vector<16xf32> to vector<1x16xf32>
        tpu.vector_store %arg24[%swap3A_806, %swap3A_807], %swap3A_810 {strides = array<i32>} : memref<1x2048xf32, #tpu.memory_space<vmem>>, vector<1x16xf32>,
        %mul3A_811 = arith.constant 8 : i32
        %mul3A_812 = arith.muli %scan3A_785, %mul3A_811 : i32
        %add3A_813 = arith.constant 2 : i32
        %add3A_814 = arith.addi %mul3A_812, %add3A_813 : i32
        %mul3A_815 = arith.constant 16 : i32
        %mul3A_816 = arith.muli %add3A_814, %mul3A_815 : i32
        %swap3A_817 = arith.constant 0 : i32
        %swap3A_818 = arith.index_cast %swap3A_817 : i32 to index
        %swap3A_819 = arith.index_cast %mul3A_816 : i32 to index
        %swap3A_820 = tpu.vector_load %arg24[%swap3A_818, %swap3A_819] {strides = array<i32>} : memref<1x2048xf32, #tpu.memory_space<vmem>>, vector<1x16xf32>,
        %swap3A_821 = vector.shape_cast %swap3A_820 : vector<1x16xf32> to vector<16xf32>
        %swap3A_822 = vector.shape_cast %broadcast_in_dim3A_287 : vector<16xf32> to vector<1x16xf32>
        tpu.vector_store %arg24[%swap3A_818, %swap3A_819], %swap3A_822 {strides = array<i32>} : memref<1x2048xf32, #tpu.memory_space<vmem>>, vector<1x16xf32>,
        %mul3A_823 = arith.constant 8 : i32
        %mul3A_824 = arith.muli %scan3A_785, %mul3A_823 : i32
        %add3A_825 = arith.constant 3 : i32
        %add3A_826 = arith.addi %mul3A_824, %add3A_825 : i32
        %mul3A_827 = arith.constant 16 : i32
        %mul3A_828 = arith.muli %add3A_826, %mul3A_827 : i32
        %swap3A_829 = arith.constant 0 : i32
        %swap3A_830 = arith.index_cast %swap3A_829 : i32 to index
        %swap3A_831 = arith.index_cast %mul3A_828 : i32 to index
        %swap3A_832 = tpu.vector_load %arg24[%swap3A_830, %swap3A_831] {strides = array<i32>} : memref<1x2048xf32, #tpu.memory_space<vmem>>, vector<1x16xf32>,
        %swap3A_833 = vector.shape_cast %swap3A_832 : vector<1x16xf32> to vector<16xf32>
        %swap3A_834 = vector.shape_cast %broadcast_in_dim3A_287 : vector<16xf32> to vector<1x16xf32>
        tpu.vector_store %arg24[%swap3A_830, %swap3A_831], %swap3A_834 {strides = array<i32>} : memref<1x2048xf32, #tpu.memory_space<vmem>>, vector<1x16xf32>,
        %mul3A_835 = arith.constant 8 : i32
        %mul3A_836 = arith.muli %scan3A_785, %mul3A_835 : i32
        %add3A_837 = arith.constant 4 : i32
        %add3A_838 = arith.addi %mul3A_836, %add3A_837 : i32
        %mul3A_839 = arith.constant 16 : i32
        %mul3A_840 = arith.muli %add3A_838, %mul3A_839 : i32
        %swap3A_841 = arith.constant 0 : i32
        %swap3A_842 = arith.index_cast %swap3A_841 : i32 to index
        %swap3A_843 = arith.index_cast %mul3A_840 : i32 to index
        %swap3A_844 = tpu.vector_load %arg24[%swap3A_842, %swap3A_843] {strides = array<i32>} : memref<1x2048xf32, #tpu.memory_space<vmem>>, vector<1x16xf32>,
        %swap3A_845 = vector.shape_cast %swap3A_844 : vector<1x16xf32> to vector<16xf32>
        %swap3A_846 = vector.shape_cast %broadcast_in_dim3A_287 : vector<16xf32> to vector<1x16xf32>
        tpu.vector_store %arg24[%swap3A_842, %swap3A_843], %swap3A_846 {strides = array<i32>} : memref<1x2048xf32, #tpu.memory_space<vmem>>, vector<1x16xf32>,
        %mul3A_847 = arith.constant 8 : i32
        %mul3A_848 = arith.muli %scan3A_785, %mul3A_847 : i32
        %add3A_849 = arith.constant 5 : i32
        %add3A_850 = arith.addi %mul3A_848, %add3A_849 : i32
        %mul3A_851 = arith.constant 16 : i32
        %mul3A_852 = arith.muli %add3A_850, %mul3A_851 : i32
        %swap3A_853 = arith.constant 0 : i32
        %swap3A_854 = arith.index_cast %swap3A_853 : i32 to index
        %swap3A_855 = arith.index_cast %mul3A_852 : i32 to index
        %swap3A_856 = tpu.vector_load %arg24[%swap3A_854, %swap3A_855] {strides = array<i32>} : memref<1x2048xf32, #tpu.memory_space<vmem>>, vector<1x16xf32>,
        %swap3A_857 = vector.shape_cast %swap3A_856 : vector<1x16xf32> to vector<16xf32>
        %swap3A_858 = vector.shape_cast %broadcast_in_dim3A_287 : vector<16xf32> to vector<1x16xf32>
        tpu.vector_store %arg24[%swap3A_854, %swap3A_855], %swap3A_858 {strides = array<i32>} : memref<1x2048xf32, #tpu.memory_space<vmem>>, vector<1x16xf32>,
        %mul3A_859 = arith.constant 8 : i32
        %mul3A_860 = arith.muli %scan3A_785, %mul3A_859 : i32
        %add3A_861 = arith.constant 6 : i32
        %add3A_862 = arith.addi %mul3A_860, %add3A_861 : i32
        %mul3A_863 = arith.constant 16 : i32
        %mul3A_864 = arith.muli %add3A_862, %mul3A_863 : i32
        %swap3A_865 = arith.constant 0 : i32
        %swap3A_866 = arith.index_cast %swap3A_865 : i32 to index
        %swap3A_867 = arith.index_cast %mul3A_864 : i32 to index
        %swap3A_868 = tpu.vector_load %arg24[%swap3A_866, %swap3A_867] {strides = array<i32>} : memref<1x2048xf32, #tpu.memory_space<vmem>>, vector<1x16xf32>,
        %swap3A_869 = vector.shape_cast %swap3A_868 : vector<1x16xf32> to vector<16xf32>
        %swap3A_870 = vector.shape_cast %broadcast_in_dim3A_287 : vector<16xf32> to vector<1x16xf32>
        tpu.vector_store %arg24[%swap3A_866, %swap3A_867], %swap3A_870 {strides = array<i32>} : memref<1x2048xf32, #tpu.memory_space<vmem>>, vector<1x16xf32>,
        %mul3A_871 = arith.constant 8 : i32
        %mul3A_872 = arith.muli %scan3A_785, %mul3A_871 : i32
        %add3A_873 = arith.constant 7 : i32
        %add3A_874 = arith.addi %mul3A_872, %add3A_873 : i32
        %mul3A_875 = arith.constant 16 : i32
        %mul3A_876 = arith.muli %add3A_874, %mul3A_875 : i32
        %swap3A_877 = arith.constant 0 : i32
        %swap3A_878 = arith.index_cast %swap3A_877 : i32 to index
        %swap3A_879 = arith.index_cast %mul3A_876 : i32 to index
        %swap3A_880 = tpu.vector_load %arg24[%swap3A_878, %swap3A_879] {strides = array<i32>} : memref<1x2048xf32, #tpu.memory_space<vmem>>, vector<1x16xf32>,
        %swap3A_881 = vector.shape_cast %swap3A_880 : vector<1x16xf32> to vector<16xf32>
        %swap3A_882 = vector.shape_cast %broadcast_in_dim3A_287 : vector<16xf32> to vector<1x16xf32>
        tpu.vector_store %arg24[%swap3A_878, %swap3A_879], %swap3A_882 {strides = array<i32>} : memref<1x2048xf32, #tpu.memory_space<vmem>>, vector<1x16xf32>,
        %scan3A_883 = arith.constant 0 : i32
        scf.yield %scan3A_883 : i32
      }
      %scan3A_784 = arith.constant 16 : i32
    } else {
    }
    %slice3A_507 = vector.extract_strided_slice %get3A_285 {offsets = [0], sizes = [1], strides = [1]} : vector<16xi32> to vector<1xi32>
    %squeeze3A_508 = vector.extract %slice3A_507[0] : i32 from vector<1xi32>
    %ne3A_509 = arith.constant 0 : i32
    %ne3A_510 = arith.cmpi ne, %squeeze3A_508, %ne3A_509 : i32
    %convert_element_type3A_511 = arith.extui %ne3A_510 : i1 to i32
    %cond3A_512 = arith.constant 0 : i32
    %cond3A_513 = arith.cmpi ne, %convert_element_type3A_511, %cond3A_512 : i32
    scf.if %cond3A_513 {
      %dma_wait3A_779 = arith.constant 0 : i32
      %dma_wait3A_780 = arith.constant 0 : i32
      %dma_wait3A_781 = tpu.memref_slice %arg2[%dma_wait3A_779, %dma_wait3A_780] : memref<16384x2048xf32, #tpu.memory_space<hbm>> -> memref<1x2048xf32, #tpu.memory_space<hbm>>
      %dma_wait3A_782 = arith.constant 0 : i32
      %dma_wait3A_783 = arith.constant 0 : i32
      %dma_wait3A_784 = tpu.memref_slice %arg2[%dma_wait3A_782, %dma_wait3A_783] : memref<16384x2048xf32, #tpu.memory_space<hbm>> -> memref<1x2048xf32, #tpu.memory_space<hbm>>
      tpu.wait_dma2 semaphore(%arg27 : memref<!tpu.dma_semaphore, #tpu.memory_space<semaphore_mem>>) src(%dma_wait3A_784 : memref<1x2048xf32, #tpu.memory_space<hbm>>) dst(%arg9 : memref<1x2048xf32, #tpu.memory_space<vmem>>)
    } else {
    }
    %slice3A_514 = vector.extract_strided_slice %get3A_285 {offsets = [1], sizes = [1], strides = [1]} : vector<16xi32> to vector<1xi32>
    %squeeze3A_515 = vector.extract %slice3A_514[0] : i32 from vector<1xi32>
    %ne3A_516 = arith.constant 0 : i32
    %ne3A_517 = arith.cmpi ne, %squeeze3A_515, %ne3A_516 : i32
    %convert_element_type3A_518 = arith.extui %ne3A_517 : i1 to i32
    %cond3A_519 = arith.constant 0 : i32
    %cond3A_520 = arith.cmpi ne, %convert_element_type3A_518, %cond3A_519 : i32
    scf.if %cond3A_520 {
      %dma_wait3A_779 = arith.constant 0 : i32
      %dma_wait3A_780 = arith.constant 0 : i32
      %dma_wait3A_781 = tpu.memref_slice %arg2[%dma_wait3A_779, %dma_wait3A_780] : memref<16384x2048xf32, #tpu.memory_space<hbm>> -> memref<1x2048xf32, #tpu.memory_space<hbm>>
      %dma_wait3A_782 = arith.constant 0 : i32
      %dma_wait3A_783 = arith.constant 0 : i32
      %dma_wait3A_784 = tpu.memref_slice %arg2[%dma_wait3A_782, %dma_wait3A_783] : memref<16384x2048xf32, #tpu.memory_space<hbm>> -> memref<1x2048xf32, #tpu.memory_space<hbm>>
      tpu.wait_dma2 semaphore(%arg27 : memref<!tpu.dma_semaphore, #tpu.memory_space<semaphore_mem>>) src(%dma_wait3A_784 : memref<1x2048xf32, #tpu.memory_space<hbm>>) dst(%arg10 : memref<1x2048xf32, #tpu.memory_space<vmem>>)
    } else {
    }
    %slice3A_521 = vector.extract_strided_slice %get3A_285 {offsets = [2], sizes = [1], strides = [1]} : vector<16xi32> to vector<1xi32>
    %squeeze3A_522 = vector.extract %slice3A_521[0] : i32 from vector<1xi32>
    %ne3A_523 = arith.constant 0 : i32
    %ne3A_524 = arith.cmpi ne, %squeeze3A_522, %ne3A_523 : i32
    %convert_element_type3A_525 = arith.extui %ne3A_524 : i1 to i32
    %cond3A_526 = arith.constant 0 : i32
    %cond3A_527 = arith.cmpi ne, %convert_element_type3A_525, %cond3A_526 : i32
    scf.if %cond3A_527 {
      %dma_wait3A_779 = arith.constant 0 : i32
      %dma_wait3A_780 = arith.constant 0 : i32
      %dma_wait3A_781 = tpu.memref_slice %arg2[%dma_wait3A_779, %dma_wait3A_780] : memref<16384x2048xf32, #tpu.memory_space<hbm>> -> memref<1x2048xf32, #tpu.memory_space<hbm>>
      %dma_wait3A_782 = arith.constant 0 : i32
      %dma_wait3A_783 = arith.constant 0 : i32
      %dma_wait3A_784 = tpu.memref_slice %arg2[%dma_wait3A_782, %dma_wait3A_783] : memref<16384x2048xf32, #tpu.memory_space<hbm>> -> memref<1x2048xf32, #tpu.memory_space<hbm>>
      tpu.wait_dma2 semaphore(%arg27 : memref<!tpu.dma_semaphore, #tpu.memory_space<semaphore_mem>>) src(%dma_wait3A_784 : memref<1x2048xf32, #tpu.memory_space<hbm>>) dst(%arg11 : memref<1x2048xf32, #tpu.memory_space<vmem>>)
    } else {
    }
    %slice3A_528 = vector.extract_strided_slice %get3A_285 {offsets = [3], sizes = [1], strides = [1]} : vector<16xi32> to vector<1xi32>
    %squeeze3A_529 = vector.extract %slice3A_528[0] : i32 from vector<1xi32>
    %ne3A_530 = arith.constant 0 : i32
    %ne3A_531 = arith.cmpi ne, %squeeze3A_529, %ne3A_530 : i32
    %convert_element_type3A_532 = arith.extui %ne3A_531 : i1 to i32
    %cond3A_533 = arith.constant 0 : i32
    %cond3A_534 = arith.cmpi ne, %convert_element_type3A_532, %cond3A_533 : i32
    scf.if %cond3A_534 {
      %dma_wait3A_779 = arith.constant 0 : i32
      %dma_wait3A_780 = arith.constant 0 : i32
      %dma_wait3A_781 = tpu.memref_slice %arg2[%dma_wait3A_779, %dma_wait3A_780] : memref<16384x2048xf32, #tpu.memory_space<hbm>> -> memref<1x2048xf32, #tpu.memory_space<hbm>>
      %dma_wait3A_782 = arith.constant 0 : i32
      %dma_wait3A_783 = arith.constant 0 : i32
      %dma_wait3A_784 = tpu.memref_slice %arg2[%dma_wait3A_782, %dma_wait3A_783] : memref<16384x2048xf32, #tpu.memory_space<hbm>> -> memref<1x2048xf32, #tpu.memory_space<hbm>>
      tpu.wait_dma2 semaphore(%arg27 : memref<!tpu.dma_semaphore, #tpu.memory_space<semaphore_mem>>) src(%dma_wait3A_784 : memref<1x2048xf32, #tpu.memory_space<hbm>>) dst(%arg12 : memref<1x2048xf32, #tpu.memory_space<vmem>>)
    } else {
    }
    %slice3A_535 = vector.extract_strided_slice %get3A_285 {offsets = [4], sizes = [1], strides = [1]} : vector<16xi32> to vector<1xi32>
    %squeeze3A_536 = vector.extract %slice3A_535[0] : i32 from vector<1xi32>
    %ne3A_537 = arith.constant 0 : i32
    %ne3A_538 = arith.cmpi ne, %squeeze3A_536, %ne3A_537 : i32
    %convert_element_type3A_539 = arith.extui %ne3A_538 : i1 to i32
    %cond3A_540 = arith.constant 0 : i32
    %cond3A_541 = arith.cmpi ne, %convert_element_type3A_539, %cond3A_540 : i32
    scf.if %cond3A_541 {
      %dma_wait3A_779 = arith.constant 0 : i32
      %dma_wait3A_780 = arith.constant 0 : i32
      %dma_wait3A_781 = tpu.memref_slice %arg2[%dma_wait3A_779, %dma_wait3A_780] : memref<16384x2048xf32, #tpu.memory_space<hbm>> -> memref<1x2048xf32, #tpu.memory_space<hbm>>
      %dma_wait3A_782 = arith.constant 0 : i32
      %dma_wait3A_783 = arith.constant 0 : i32
      %dma_wait3A_784 = tpu.memref_slice %arg2[%dma_wait3A_782, %dma_wait3A_783] : memref<16384x2048xf32, #tpu.memory_space<hbm>> -> memref<1x2048xf32, #tpu.memory_space<hbm>>
      tpu.wait_dma2 semaphore(%arg27 : memref<!tpu.dma_semaphore, #tpu.memory_space<semaphore_mem>>) src(%dma_wait3A_784 : memref<1x2048xf32, #tpu.memory_space<hbm>>) dst(%arg13 : memref<1x2048xf32, #tpu.memory_space<vmem>>)
    } else {
    }
    %slice3A_542 = vector.extract_strided_slice %get3A_285 {offsets = [5], sizes = [1], strides = [1]} : vector<16xi32> to vector<1xi32>
    %squeeze3A_543 = vector.extract %slice3A_542[0] : i32 from vector<1xi32>
    %ne3A_544 = arith.constant 0 : i32
    %ne3A_545 = arith.cmpi ne, %squeeze3A_543, %ne3A_544 : i32
    %convert_element_type3A_546 = arith.extui %ne3A_545 : i1 to i32
    %cond3A_547 = arith.constant 0 : i32
    %cond3A_548 = arith.cmpi ne, %convert_element_type3A_546, %cond3A_547 : i32
    scf.if %cond3A_548 {
      %dma_wait3A_779 = arith.constant 0 : i32
      %dma_wait3A_780 = arith.constant 0 : i32
      %dma_wait3A_781 = tpu.memref_slice %arg2[%dma_wait3A_779, %dma_wait3A_780] : memref<16384x2048xf32, #tpu.memory_space<hbm>> -> memref<1x2048xf32, #tpu.memory_space<hbm>>
      %dma_wait3A_782 = arith.constant 0 : i32
      %dma_wait3A_783 = arith.constant 0 : i32
      %dma_wait3A_784 = tpu.memref_slice %arg2[%dma_wait3A_782, %dma_wait3A_783] : memref<16384x2048xf32, #tpu.memory_space<hbm>> -> memref<1x2048xf32, #tpu.memory_space<hbm>>
      tpu.wait_dma2 semaphore(%arg27 : memref<!tpu.dma_semaphore, #tpu.memory_space<semaphore_mem>>) src(%dma_wait3A_784 : memref<1x2048xf32, #tpu.memory_space<hbm>>) dst(%arg14 : memref<1x2048xf32, #tpu.memory_space<vmem>>)
    } else {
    }
    %slice3A_549 = vector.extract_strided_slice %get3A_285 {offsets = [6], sizes = [1], strides = [1]} : vector<16xi32> to vector<1xi32>
    %squeeze3A_550 = vector.extract %slice3A_549[0] : i32 from vector<1xi32>
    %ne3A_551 = arith.constant 0 : i32
    %ne3A_552 = arith.cmpi ne, %squeeze3A_550, %ne3A_551 : i32
    %convert_element_type3A_553 = arith.extui %ne3A_552 : i1 to i32
    %cond3A_554 = arith.constant 0 : i32
    %cond3A_555 = arith.cmpi ne, %convert_element_type3A_553, %cond3A_554 : i32
    scf.if %cond3A_555 {
      %dma_wait3A_779 = arith.constant 0 : i32
      %dma_wait3A_780 = arith.constant 0 : i32
      %dma_wait3A_781 = tpu.memref_slice %arg2[%dma_wait3A_779, %dma_wait3A_780] : memref<16384x2048xf32, #tpu.memory_space<hbm>> -> memref<1x2048xf32, #tpu.memory_space<hbm>>
      %dma_wait3A_782 = arith.constant 0 : i32
      %dma_wait3A_783 = arith.constant 0 : i32
      %dma_wait3A_784 = tpu.memref_slice %arg2[%dma_wait3A_782, %dma_wait3A_783] : memref<16384x2048xf32, #tpu.memory_space<hbm>> -> memref<1x2048xf32, #tpu.memory_space<hbm>>
      tpu.wait_dma2 semaphore(%arg27 : memref<!tpu.dma_semaphore, #tpu.memory_space<semaphore_mem>>) src(%dma_wait3A_784 : memref<1x2048xf32, #tpu.memory_space<hbm>>) dst(%arg15 : memref<1x2048xf32, #tpu.memory_space<vmem>>)
    } else {
    }
    %slice3A_556 = vector.extract_strided_slice %get3A_285 {offsets = [7], sizes = [1], strides = [1]} : vector<16xi32> to vector<1xi32>
    %squeeze3A_557 = vector.extract %slice3A_556[0] : i32 from vector<1xi32>
    %ne3A_558 = arith.constant 0 : i32
    %ne3A_559 = arith.cmpi ne, %squeeze3A_557, %ne3A_558 : i32
    %convert_element_type3A_560 = arith.extui %ne3A_559 : i1 to i32
    %cond3A_561 = arith.constant 0 : i32
    %cond3A_562 = arith.cmpi ne, %convert_element_type3A_560, %cond3A_561 : i32
    scf.if %cond3A_562 {
      %dma_wait3A_779 = arith.constant 0 : i32
      %dma_wait3A_780 = arith.constant 0 : i32
      %dma_wait3A_781 = tpu.memref_slice %arg2[%dma_wait3A_779, %dma_wait3A_780] : memref<16384x2048xf32, #tpu.memory_space<hbm>> -> memref<1x2048xf32, #tpu.memory_space<hbm>>
      %dma_wait3A_782 = arith.constant 0 : i32
      %dma_wait3A_783 = arith.constant 0 : i32
      %dma_wait3A_784 = tpu.memref_slice %arg2[%dma_wait3A_782, %dma_wait3A_783] : memref<16384x2048xf32, #tpu.memory_space<hbm>> -> memref<1x2048xf32, #tpu.memory_space<hbm>>
      tpu.wait_dma2 semaphore(%arg27 : memref<!tpu.dma_semaphore, #tpu.memory_space<semaphore_mem>>) src(%dma_wait3A_784 : memref<1x2048xf32, #tpu.memory_space<hbm>>) dst(%arg16 : memref<1x2048xf32, #tpu.memory_space<vmem>>)
    } else {
    }
    %add3A_563 = arith.constant 0 : i32
    %add3A_564 = arith.addi %mul3A_2, %add3A_563 : i32
    %dma_start3A_565 = arith.constant 0 : i32
    %dma_start3A_566 = tpu.memref_slice %arg5[%add3A_564, %dma_start3A_565] : memref<512x2048xf32, #tpu.memory_space<hbm>> -> memref<1x2048xf32, #tpu.memory_space<hbm>>
    %dma_start3A_567 = arith.constant 0 : i32
    %dma_start3A_568 = tpu.memref_slice %arg5[%add3A_564, %dma_start3A_567] : memref<512x2048xf32, #tpu.memory_space<hbm>> -> memref<1x2048xf32, #tpu.memory_space<hbm>>
    tpu.enqueue_dma source(%arg9 : memref<1x2048xf32, #tpu.memory_space<vmem>>) target(%dma_start3A_568 : memref<1x2048xf32, #tpu.memory_space<hbm>>) target_semaphore(%arg29 : memref<!tpu.dma_semaphore, #tpu.memory_space<semaphore_mem>>)
    %add3A_569 = arith.constant 1 : i32
    %add3A_570 = arith.addi %mul3A_2, %add3A_569 : i32
    %dma_start3A_571 = arith.constant 0 : i32
    %dma_start3A_572 = tpu.memref_slice %arg5[%add3A_570, %dma_start3A_571] : memref<512x2048xf32, #tpu.memory_space<hbm>> -> memref<1x2048xf32, #tpu.memory_space<hbm>>
    %dma_start3A_573 = arith.constant 0 : i32
    %dma_start3A_574 = tpu.memref_slice %arg5[%add3A_570, %dma_start3A_573] : memref<512x2048xf32, #tpu.memory_space<hbm>> -> memref<1x2048xf32, #tpu.memory_space<hbm>>
    tpu.enqueue_dma source(%arg10 : memref<1x2048xf32, #tpu.memory_space<vmem>>) target(%dma_start3A_574 : memref<1x2048xf32, #tpu.memory_space<hbm>>) target_semaphore(%arg29 : memref<!tpu.dma_semaphore, #tpu.memory_space<semaphore_mem>>)
    %add3A_575 = arith.constant 2 : i32
    %add3A_576 = arith.addi %mul3A_2, %add3A_575 : i32
    %dma_start3A_577 = arith.constant 0 : i32
    %dma_start3A_578 = tpu.memref_slice %arg5[%add3A_576, %dma_start3A_577] : memref<512x2048xf32, #tpu.memory_space<hbm>> -> memref<1x2048xf32, #tpu.memory_space<hbm>>
    %dma_start3A_579 = arith.constant 0 : i32
    %dma_start3A_580 = tpu.memref_slice %arg5[%add3A_576, %dma_start3A_579] : memref<512x2048xf32, #tpu.memory_space<hbm>> -> memref<1x2048xf32, #tpu.memory_space<hbm>>
    tpu.enqueue_dma source(%arg11 : memref<1x2048xf32, #tpu.memory_space<vmem>>) target(%dma_start3A_580 : memref<1x2048xf32, #tpu.memory_space<hbm>>) target_semaphore(%arg29 : memref<!tpu.dma_semaphore, #tpu.memory_space<semaphore_mem>>)
    %add3A_581 = arith.constant 3 : i32
    %add3A_582 = arith.addi %mul3A_2, %add3A_581 : i32
    %dma_start3A_583 = arith.constant 0 : i32
    %dma_start3A_584 = tpu.memref_slice %arg5[%add3A_582, %dma_start3A_583] : memref<512x2048xf32, #tpu.memory_space<hbm>> -> memref<1x2048xf32, #tpu.memory_space<hbm>>
    %dma_start3A_585 = arith.constant 0 : i32
    %dma_start3A_586 = tpu.memref_slice %arg5[%add3A_582, %dma_start3A_585] : memref<512x2048xf32, #tpu.memory_space<hbm>> -> memref<1x2048xf32, #tpu.memory_space<hbm>>
    tpu.enqueue_dma source(%arg12 : memref<1x2048xf32, #tpu.memory_space<vmem>>) target(%dma_start3A_586 : memref<1x2048xf32, #tpu.memory_space<hbm>>) target_semaphore(%arg29 : memref<!tpu.dma_semaphore, #tpu.memory_space<semaphore_mem>>)
    %add3A_587 = arith.constant 4 : i32
    %add3A_588 = arith.addi %mul3A_2, %add3A_587 : i32
    %dma_start3A_589 = arith.constant 0 : i32
    %dma_start3A_590 = tpu.memref_slice %arg5[%add3A_588, %dma_start3A_589] : memref<512x2048xf32, #tpu.memory_space<hbm>> -> memref<1x2048xf32, #tpu.memory_space<hbm>>
    %dma_start3A_591 = arith.constant 0 : i32
    %dma_start3A_592 = tpu.memref_slice %arg5[%add3A_588, %dma_start3A_591] : memref<512x2048xf32, #tpu.memory_space<hbm>> -> memref<1x2048xf32, #tpu.memory_space<hbm>>
    tpu.enqueue_dma source(%arg13 : memref<1x2048xf32, #tpu.memory_space<vmem>>) target(%dma_start3A_592 : memref<1x2048xf32, #tpu.memory_space<hbm>>) target_semaphore(%arg29 : memref<!tpu.dma_semaphore, #tpu.memory_space<semaphore_mem>>)
    %add3A_593 = arith.constant 5 : i32
    %add3A_594 = arith.addi %mul3A_2, %add3A_593 : i32
    %dma_start3A_595 = arith.constant 0 : i32
    %dma_start3A_596 = tpu.memref_slice %arg5[%add3A_594, %dma_start3A_595] : memref<512x2048xf32, #tpu.memory_space<hbm>> -> memref<1x2048xf32, #tpu.memory_space<hbm>>
    %dma_start3A_597 = arith.constant 0 : i32
    %dma_start3A_598 = tpu.memref_slice %arg5[%add3A_594, %dma_start3A_597] : memref<512x2048xf32, #tpu.memory_space<hbm>> -> memref<1x2048xf32, #tpu.memory_space<hbm>>
    tpu.enqueue_dma source(%arg14 : memref<1x2048xf32, #tpu.memory_space<vmem>>) target(%dma_start3A_598 : memref<1x2048xf32, #tpu.memory_space<hbm>>) target_semaphore(%arg29 : memref<!tpu.dma_semaphore, #tpu.memory_space<semaphore_mem>>)
    %add3A_599 = arith.constant 6 : i32
    %add3A_600 = arith.addi %mul3A_2, %add3A_599 : i32
    %dma_start3A_601 = arith.constant 0 : i32
    %dma_start3A_602 = tpu.memref_slice %arg5[%add3A_600, %dma_start3A_601] : memref<512x2048xf32, #tpu.memory_space<hbm>> -> memref<1x2048xf32, #tpu.memory_space<hbm>>
    %dma_start3A_603 = arith.constant 0 : i32
    %dma_start3A_604 = tpu.memref_slice %arg5[%add3A_600, %dma_start3A_603] : memref<512x2048xf32, #tpu.memory_space<hbm>> -> memref<1x2048xf32, #tpu.memory_space<hbm>>
    tpu.enqueue_dma source(%arg15 : memref<1x2048xf32, #tpu.memory_space<vmem>>) target(%dma_start3A_604 : memref<1x2048xf32, #tpu.memory_space<hbm>>) target_semaphore(%arg29 : memref<!tpu.dma_semaphore, #tpu.memory_space<semaphore_mem>>)
    %add3A_605 = arith.constant 7 : i32
    %add3A_606 = arith.addi %mul3A_2, %add3A_605 : i32
    %dma_start3A_607 = arith.constant 0 : i32
    %dma_start3A_608 = tpu.memref_slice %arg5[%add3A_606, %dma_start3A_607] : memref<512x2048xf32, #tpu.memory_space<hbm>> -> memref<1x2048xf32, #tpu.memory_space<hbm>>
    %dma_start3A_609 = arith.constant 0 : i32
    %dma_start3A_610 = tpu.memref_slice %arg5[%add3A_606, %dma_start3A_609] : memref<512x2048xf32, #tpu.memory_space<hbm>> -> memref<1x2048xf32, #tpu.memory_space<hbm>>
    tpu.enqueue_dma source(%arg16 : memref<1x2048xf32, #tpu.memory_space<vmem>>) target(%dma_start3A_610 : memref<1x2048xf32, #tpu.memory_space<hbm>>) target_semaphore(%arg29 : memref<!tpu.dma_semaphore, #tpu.memory_space<semaphore_mem>>)
    %slice3A_611 = vector.extract_strided_slice %get3A_285 {offsets = [8], sizes = [1], strides = [1]} : vector<16xi32> to vector<1xi32>
    %squeeze3A_612 = vector.extract %slice3A_611[0] : i32 from vector<1xi32>
    %ne3A_613 = arith.constant 0 : i32
    %ne3A_614 = arith.cmpi ne, %squeeze3A_612, %ne3A_613 : i32
    %convert_element_type3A_615 = arith.extui %ne3A_614 : i1 to i32
    %cond3A_616 = arith.constant 0 : i32
    %cond3A_617 = arith.cmpi ne, %convert_element_type3A_615, %cond3A_616 : i32
    scf.if %cond3A_617 {
      %dma_wait3A_779 = arith.constant 0 : i32
      %dma_wait3A_780 = arith.constant 0 : i32
      %dma_wait3A_781 = tpu.memref_slice %arg2[%dma_wait3A_779, %dma_wait3A_780] : memref<16384x2048xf32, #tpu.memory_space<hbm>> -> memref<1x2048xf32, #tpu.memory_space<hbm>>
      %dma_wait3A_782 = arith.constant 0 : i32
      %dma_wait3A_783 = arith.constant 0 : i32
      %dma_wait3A_784 = tpu.memref_slice %arg2[%dma_wait3A_782, %dma_wait3A_783] : memref<16384x2048xf32, #tpu.memory_space<hbm>> -> memref<1x2048xf32, #tpu.memory_space<hbm>>
      tpu.wait_dma2 semaphore(%arg28 : memref<!tpu.dma_semaphore, #tpu.memory_space<semaphore_mem>>) src(%dma_wait3A_784 : memref<1x2048xf32, #tpu.memory_space<hbm>>) dst(%arg17 : memref<1x2048xf32, #tpu.memory_space<vmem>>)
    } else {
    }
    %slice3A_618 = vector.extract_strided_slice %get3A_285 {offsets = [9], sizes = [1], strides = [1]} : vector<16xi32> to vector<1xi32>
    %squeeze3A_619 = vector.extract %slice3A_618[0] : i32 from vector<1xi32>
    %ne3A_620 = arith.constant 0 : i32
    %ne3A_621 = arith.cmpi ne, %squeeze3A_619, %ne3A_620 : i32
    %convert_element_type3A_622 = arith.extui %ne3A_621 : i1 to i32
    %cond3A_623 = arith.constant 0 : i32
    %cond3A_624 = arith.cmpi ne, %convert_element_type3A_622, %cond3A_623 : i32
    scf.if %cond3A_624 {
      %dma_wait3A_779 = arith.constant 0 : i32
      %dma_wait3A_780 = arith.constant 0 : i32
      %dma_wait3A_781 = tpu.memref_slice %arg2[%dma_wait3A_779, %dma_wait3A_780] : memref<16384x2048xf32, #tpu.memory_space<hbm>> -> memref<1x2048xf32, #tpu.memory_space<hbm>>
      %dma_wait3A_782 = arith.constant 0 : i32
      %dma_wait3A_783 = arith.constant 0 : i32
      %dma_wait3A_784 = tpu.memref_slice %arg2[%dma_wait3A_782, %dma_wait3A_783] : memref<16384x2048xf32, #tpu.memory_space<hbm>> -> memref<1x2048xf32, #tpu.memory_space<hbm>>
      tpu.wait_dma2 semaphore(%arg28 : memref<!tpu.dma_semaphore, #tpu.memory_space<semaphore_mem>>) src(%dma_wait3A_784 : memref<1x2048xf32, #tpu.memory_space<hbm>>) dst(%arg18 : memref<1x2048xf32, #tpu.memory_space<vmem>>)
    } else {
    }
    %slice3A_625 = vector.extract_strided_slice %get3A_285 {offsets = [10], sizes = [1], strides = [1]} : vector<16xi32> to vector<1xi32>
    %squeeze3A_626 = vector.extract %slice3A_625[0] : i32 from vector<1xi32>
    %ne3A_627 = arith.constant 0 : i32
    %ne3A_628 = arith.cmpi ne, %squeeze3A_626, %ne3A_627 : i32
    %convert_element_type3A_629 = arith.extui %ne3A_628 : i1 to i32
    %cond3A_630 = arith.constant 0 : i32
    %cond3A_631 = arith.cmpi ne, %convert_element_type3A_629, %cond3A_630 : i32
    scf.if %cond3A_631 {
      %dma_wait3A_779 = arith.constant 0 : i32
      %dma_wait3A_780 = arith.constant 0 : i32
      %dma_wait3A_781 = tpu.memref_slice %arg2[%dma_wait3A_779, %dma_wait3A_780] : memref<16384x2048xf32, #tpu.memory_space<hbm>> -> memref<1x2048xf32, #tpu.memory_space<hbm>>
      %dma_wait3A_782 = arith.constant 0 : i32
      %dma_wait3A_783 = arith.constant 0 : i32
      %dma_wait3A_784 = tpu.memref_slice %arg2[%dma_wait3A_782, %dma_wait3A_783] : memref<16384x2048xf32, #tpu.memory_space<hbm>> -> memref<1x2048xf32, #tpu.memory_space<hbm>>
      tpu.wait_dma2 semaphore(%arg28 : memref<!tpu.dma_semaphore, #tpu.memory_space<semaphore_mem>>) src(%dma_wait3A_784 : memref<1x2048xf32, #tpu.memory_space<hbm>>) dst(%arg19 : memref<1x2048xf32, #tpu.memory_space<vmem>>)
    } else {
    }
    %slice3A_632 = vector.extract_strided_slice %get3A_285 {offsets = [11], sizes = [1], strides = [1]} : vector<16xi32> to vector<1xi32>
    %squeeze3A_633 = vector.extract %slice3A_632[0] : i32 from vector<1xi32>
    %ne3A_634 = arith.constant 0 : i32
    %ne3A_635 = arith.cmpi ne, %squeeze3A_633, %ne3A_634 : i32
    %convert_element_type3A_636 = arith.extui %ne3A_635 : i1 to i32
    %cond3A_637 = arith.constant 0 : i32
    %cond3A_638 = arith.cmpi ne, %convert_element_type3A_636, %cond3A_637 : i32
    scf.if %cond3A_638 {
      %dma_wait3A_779 = arith.constant 0 : i32
      %dma_wait3A_780 = arith.constant 0 : i32
      %dma_wait3A_781 = tpu.memref_slice %arg2[%dma_wait3A_779, %dma_wait3A_780] : memref<16384x2048xf32, #tpu.memory_space<hbm>> -> memref<1x2048xf32, #tpu.memory_space<hbm>>
      %dma_wait3A_782 = arith.constant 0 : i32
      %dma_wait3A_783 = arith.constant 0 : i32
      %dma_wait3A_784 = tpu.memref_slice %arg2[%dma_wait3A_782, %dma_wait3A_783] : memref<16384x2048xf32, #tpu.memory_space<hbm>> -> memref<1x2048xf32, #tpu.memory_space<hbm>>
      tpu.wait_dma2 semaphore(%arg28 : memref<!tpu.dma_semaphore, #tpu.memory_space<semaphore_mem>>) src(%dma_wait3A_784 : memref<1x2048xf32, #tpu.memory_space<hbm>>) dst(%arg20 : memref<1x2048xf32, #tpu.memory_space<vmem>>)
    } else {
    }
    %slice3A_639 = vector.extract_strided_slice %get3A_285 {offsets = [12], sizes = [1], strides = [1]} : vector<16xi32> to vector<1xi32>
    %squeeze3A_640 = vector.extract %slice3A_639[0] : i32 from vector<1xi32>
    %ne3A_641 = arith.constant 0 : i32
    %ne3A_642 = arith.cmpi ne, %squeeze3A_640, %ne3A_641 : i32
    %convert_element_type3A_643 = arith.extui %ne3A_642 : i1 to i32
    %cond3A_644 = arith.constant 0 : i32
    %cond3A_645 = arith.cmpi ne, %convert_element_type3A_643, %cond3A_644 : i32
    scf.if %cond3A_645 {
      %dma_wait3A_779 = arith.constant 0 : i32
      %dma_wait3A_780 = arith.constant 0 : i32
      %dma_wait3A_781 = tpu.memref_slice %arg2[%dma_wait3A_779, %dma_wait3A_780] : memref<16384x2048xf32, #tpu.memory_space<hbm>> -> memref<1x2048xf32, #tpu.memory_space<hbm>>
      %dma_wait3A_782 = arith.constant 0 : i32
      %dma_wait3A_783 = arith.constant 0 : i32
      %dma_wait3A_784 = tpu.memref_slice %arg2[%dma_wait3A_782, %dma_wait3A_783] : memref<16384x2048xf32, #tpu.memory_space<hbm>> -> memref<1x2048xf32, #tpu.memory_space<hbm>>
      tpu.wait_dma2 semaphore(%arg28 : memref<!tpu.dma_semaphore, #tpu.memory_space<semaphore_mem>>) src(%dma_wait3A_784 : memref<1x2048xf32, #tpu.memory_space<hbm>>) dst(%arg21 : memref<1x2048xf32, #tpu.memory_space<vmem>>)
    } else {
    }
    %slice3A_646 = vector.extract_strided_slice %get3A_285 {offsets = [13], sizes = [1], strides = [1]} : vector<16xi32> to vector<1xi32>
    %squeeze3A_647 = vector.extract %slice3A_646[0] : i32 from vector<1xi32>
    %ne3A_648 = arith.constant 0 : i32
    %ne3A_649 = arith.cmpi ne, %squeeze3A_647, %ne3A_648 : i32
    %convert_element_type3A_650 = arith.extui %ne3A_649 : i1 to i32
    %cond3A_651 = arith.constant 0 : i32
    %cond3A_652 = arith.cmpi ne, %convert_element_type3A_650, %cond3A_651 : i32
    scf.if %cond3A_652 {
      %dma_wait3A_779 = arith.constant 0 : i32
      %dma_wait3A_780 = arith.constant 0 : i32
      %dma_wait3A_781 = tpu.memref_slice %arg2[%dma_wait3A_779, %dma_wait3A_780] : memref<16384x2048xf32, #tpu.memory_space<hbm>> -> memref<1x2048xf32, #tpu.memory_space<hbm>>
      %dma_wait3A_782 = arith.constant 0 : i32
      %dma_wait3A_783 = arith.constant 0 : i32
      %dma_wait3A_784 = tpu.memref_slice %arg2[%dma_wait3A_782, %dma_wait3A_783] : memref<16384x2048xf32, #tpu.memory_space<hbm>> -> memref<1x2048xf32, #tpu.memory_space<hbm>>
      tpu.wait_dma2 semaphore(%arg28 : memref<!tpu.dma_semaphore, #tpu.memory_space<semaphore_mem>>) src(%dma_wait3A_784 : memref<1x2048xf32, #tpu.memory_space<hbm>>) dst(%arg22 : memref<1x2048xf32, #tpu.memory_space<vmem>>)
    } else {
    }
    %slice3A_653 = vector.extract_strided_slice %get3A_285 {offsets = [14], sizes = [1], strides = [1]} : vector<16xi32> to vector<1xi32>
    %squeeze3A_654 = vector.extract %slice3A_653[0] : i32 from vector<1xi32>
    %ne3A_655 = arith.constant 0 : i32
    %ne3A_656 = arith.cmpi ne, %squeeze3A_654, %ne3A_655 : i32
    %convert_element_type3A_657 = arith.extui %ne3A_656 : i1 to i32
    %cond3A_658 = arith.constant 0 : i32
    %cond3A_659 = arith.cmpi ne, %convert_element_type3A_657, %cond3A_658 : i32
    scf.if %cond3A_659 {
      %dma_wait3A_779 = arith.constant 0 : i32
      %dma_wait3A_780 = arith.constant 0 : i32
      %dma_wait3A_781 = tpu.memref_slice %arg2[%dma_wait3A_779, %dma_wait3A_780] : memref<16384x2048xf32, #tpu.memory_space<hbm>> -> memref<1x2048xf32, #tpu.memory_space<hbm>>
      %dma_wait3A_782 = arith.constant 0 : i32
      %dma_wait3A_783 = arith.constant 0 : i32
      %dma_wait3A_784 = tpu.memref_slice %arg2[%dma_wait3A_782, %dma_wait3A_783] : memref<16384x2048xf32, #tpu.memory_space<hbm>> -> memref<1x2048xf32, #tpu.memory_space<hbm>>
      tpu.wait_dma2 semaphore(%arg28 : memref<!tpu.dma_semaphore, #tpu.memory_space<semaphore_mem>>) src(%dma_wait3A_784 : memref<1x2048xf32, #tpu.memory_space<hbm>>) dst(%arg23 : memref<1x2048xf32, #tpu.memory_space<vmem>>)
    } else {
    }
    %slice3A_660 = vector.extract_strided_slice %get3A_285 {offsets = [15], sizes = [1], strides = [1]} : vector<16xi32> to vector<1xi32>
    %squeeze3A_661 = vector.extract %slice3A_660[0] : i32 from vector<1xi32>
    %ne3A_662 = arith.constant 0 : i32
    %ne3A_663 = arith.cmpi ne, %squeeze3A_661, %ne3A_662 : i32
    %convert_element_type3A_664 = arith.extui %ne3A_663 : i1 to i32
    %cond3A_665 = arith.constant 0 : i32
    %cond3A_666 = arith.cmpi ne, %convert_element_type3A_664, %cond3A_665 : i32
    scf.if %cond3A_666 {
      %dma_wait3A_779 = arith.constant 0 : i32
      %dma_wait3A_780 = arith.constant 0 : i32
      %dma_wait3A_781 = tpu.memref_slice %arg2[%dma_wait3A_779, %dma_wait3A_780] : memref<16384x2048xf32, #tpu.memory_space<hbm>> -> memref<1x2048xf32, #tpu.memory_space<hbm>>
      %dma_wait3A_782 = arith.constant 0 : i32
      %dma_wait3A_783 = arith.constant 0 : i32
      %dma_wait3A_784 = tpu.memref_slice %arg2[%dma_wait3A_782, %dma_wait3A_783] : memref<16384x2048xf32, #tpu.memory_space<hbm>> -> memref<1x2048xf32, #tpu.memory_space<hbm>>
      tpu.wait_dma2 semaphore(%arg28 : memref<!tpu.dma_semaphore, #tpu.memory_space<semaphore_mem>>) src(%dma_wait3A_784 : memref<1x2048xf32, #tpu.memory_space<hbm>>) dst(%arg24 : memref<1x2048xf32, #tpu.memory_space<vmem>>)
    } else {
    }
    %add3A_667 = arith.constant 8 : i32
    %add3A_668 = arith.addi %mul3A_2, %add3A_667 : i32
    %dma_start3A_669 = arith.constant 0 : i32
    %dma_start3A_670 = tpu.memref_slice %arg5[%add3A_668, %dma_start3A_669] : memref<512x2048xf32, #tpu.memory_space<hbm>> -> memref<1x2048xf32, #tpu.memory_space<hbm>>
    %dma_start3A_671 = arith.constant 0 : i32
    %dma_start3A_672 = tpu.memref_slice %arg5[%add3A_668, %dma_start3A_671] : memref<512x2048xf32, #tpu.memory_space<hbm>> -> memref<1x2048xf32, #tpu.memory_space<hbm>>
    tpu.enqueue_dma source(%arg17 : memref<1x2048xf32, #tpu.memory_space<vmem>>) target(%dma_start3A_672 : memref<1x2048xf32, #tpu.memory_space<hbm>>) target_semaphore(%arg29 : memref<!tpu.dma_semaphore, #tpu.memory_space<semaphore_mem>>)
    %add3A_673 = arith.constant 9 : i32
    %add3A_674 = arith.addi %mul3A_2, %add3A_673 : i32
    %dma_start3A_675 = arith.constant 0 : i32
    %dma_start3A_676 = tpu.memref_slice %arg5[%add3A_674, %dma_start3A_675] : memref<512x2048xf32, #tpu.memory_space<hbm>> -> memref<1x2048xf32, #tpu.memory_space<hbm>>
    %dma_start3A_677 = arith.constant 0 : i32
    %dma_start3A_678 = tpu.memref_slice %arg5[%add3A_674, %dma_start3A_677] : memref<512x2048xf32, #tpu.memory_space<hbm>> -> memref<1x2048xf32, #tpu.memory_space<hbm>>
    tpu.enqueue_dma source(%arg18 : memref<1x2048xf32, #tpu.memory_space<vmem>>) target(%dma_start3A_678 : memref<1x2048xf32, #tpu.memory_space<hbm>>) target_semaphore(%arg29 : memref<!tpu.dma_semaphore, #tpu.memory_space<semaphore_mem>>)
    %add3A_679 = arith.constant 10 : i32
    %add3A_680 = arith.addi %mul3A_2, %add3A_679 : i32
    %dma_start3A_681 = arith.constant 0 : i32
    %dma_start3A_682 = tpu.memref_slice %arg5[%add3A_680, %dma_start3A_681] : memref<512x2048xf32, #tpu.memory_space<hbm>> -> memref<1x2048xf32, #tpu.memory_space<hbm>>
    %dma_start3A_683 = arith.constant 0 : i32
    %dma_start3A_684 = tpu.memref_slice %arg5[%add3A_680, %dma_start3A_683] : memref<512x2048xf32, #tpu.memory_space<hbm>> -> memref<1x2048xf32, #tpu.memory_space<hbm>>
    tpu.enqueue_dma source(%arg19 : memref<1x2048xf32, #tpu.memory_space<vmem>>) target(%dma_start3A_684 : memref<1x2048xf32, #tpu.memory_space<hbm>>) target_semaphore(%arg29 : memref<!tpu.dma_semaphore, #tpu.memory_space<semaphore_mem>>)
    %add3A_685 = arith.constant 11 : i32
    %add3A_686 = arith.addi %mul3A_2, %add3A_685 : i32
    %dma_start3A_687 = arith.constant 0 : i32
    %dma_start3A_688 = tpu.memref_slice %arg5[%add3A_686, %dma_start3A_687] : memref<512x2048xf32, #tpu.memory_space<hbm>> -> memref<1x2048xf32, #tpu.memory_space<hbm>>
    %dma_start3A_689 = arith.constant 0 : i32
    %dma_start3A_690 = tpu.memref_slice %arg5[%add3A_686, %dma_start3A_689] : memref<512x2048xf32, #tpu.memory_space<hbm>> -> memref<1x2048xf32, #tpu.memory_space<hbm>>
    tpu.enqueue_dma source(%arg20 : memref<1x2048xf32, #tpu.memory_space<vmem>>) target(%dma_start3A_690 : memref<1x2048xf32, #tpu.memory_space<hbm>>) target_semaphore(%arg29 : memref<!tpu.dma_semaphore, #tpu.memory_space<semaphore_mem>>)
    %add3A_691 = arith.constant 12 : i32
    %add3A_692 = arith.addi %mul3A_2, %add3A_691 : i32
    %dma_start3A_693 = arith.constant 0 : i32
    %dma_start3A_694 = tpu.memref_slice %arg5[%add3A_692, %dma_start3A_693] : memref<512x2048xf32, #tpu.memory_space<hbm>> -> memref<1x2048xf32, #tpu.memory_space<hbm>>
    %dma_start3A_695 = arith.constant 0 : i32
    %dma_start3A_696 = tpu.memref_slice %arg5[%add3A_692, %dma_start3A_695] : memref<512x2048xf32, #tpu.memory_space<hbm>> -> memref<1x2048xf32, #tpu.memory_space<hbm>>
    tpu.enqueue_dma source(%arg21 : memref<1x2048xf32, #tpu.memory_space<vmem>>) target(%dma_start3A_696 : memref<1x2048xf32, #tpu.memory_space<hbm>>) target_semaphore(%arg29 : memref<!tpu.dma_semaphore, #tpu.memory_space<semaphore_mem>>)
    %add3A_697 = arith.constant 13 : i32
    %add3A_698 = arith.addi %mul3A_2, %add3A_697 : i32
    %dma_start3A_699 = arith.constant 0 : i32
    %dma_start3A_700 = tpu.memref_slice %arg5[%add3A_698, %dma_start3A_699] : memref<512x2048xf32, #tpu.memory_space<hbm>> -> memref<1x2048xf32, #tpu.memory_space<hbm>>
    %dma_start3A_701 = arith.constant 0 : i32
    %dma_start3A_702 = tpu.memref_slice %arg5[%add3A_698, %dma_start3A_701] : memref<512x2048xf32, #tpu.memory_space<hbm>> -> memref<1x2048xf32, #tpu.memory_space<hbm>>
    tpu.enqueue_dma source(%arg22 : memref<1x2048xf32, #tpu.memory_space<vmem>>) target(%dma_start3A_702 : memref<1x2048xf32, #tpu.memory_space<hbm>>) target_semaphore(%arg29 : memref<!tpu.dma_semaphore, #tpu.memory_space<semaphore_mem>>)
    %add3A_703 = arith.constant 14 : i32
    %add3A_704 = arith.addi %mul3A_2, %add3A_703 : i32
    %dma_start3A_705 = arith.constant 0 : i32
    %dma_start3A_706 = tpu.memref_slice %arg5[%add3A_704, %dma_start3A_705] : memref<512x2048xf32, #tpu.memory_space<hbm>> -> memref<1x2048xf32, #tpu.memory_space<hbm>>
    %dma_start3A_707 = arith.constant 0 : i32
    %dma_start3A_708 = tpu.memref_slice %arg5[%add3A_704, %dma_start3A_707] : memref<512x2048xf32, #tpu.memory_space<hbm>> -> memref<1x2048xf32, #tpu.memory_space<hbm>>
    tpu.enqueue_dma source(%arg23 : memref<1x2048xf32, #tpu.memory_space<vmem>>) target(%dma_start3A_708 : memref<1x2048xf32, #tpu.memory_space<hbm>>) target_semaphore(%arg29 : memref<!tpu.dma_semaphore, #tpu.memory_space<semaphore_mem>>)
    %add3A_709 = arith.constant 15 : i32
    %add3A_710 = arith.addi %mul3A_2, %add3A_709 : i32
    %dma_start3A_711 = arith.constant 0 : i32
    %dma_start3A_712 = tpu.memref_slice %arg5[%add3A_710, %dma_start3A_711] : memref<512x2048xf32, #tpu.memory_space<hbm>> -> memref<1x2048xf32, #tpu.memory_space<hbm>>
    %dma_start3A_713 = arith.constant 0 : i32
    %dma_start3A_714 = tpu.memref_slice %arg5[%add3A_710, %dma_start3A_713] : memref<512x2048xf32, #tpu.memory_space<hbm>> -> memref<1x2048xf32, #tpu.memory_space<hbm>>
    tpu.enqueue_dma source(%arg24 : memref<1x2048xf32, #tpu.memory_space<vmem>>) target(%dma_start3A_714 : memref<1x2048xf32, #tpu.memory_space<hbm>>) target_semaphore(%arg29 : memref<!tpu.dma_semaphore, #tpu.memory_space<semaphore_mem>>)
    %dma_wait3A_715 = arith.constant 0 : i32
    %dma_wait3A_716 = tpu.memref_slice %arg5[%add3A_564, %dma_wait3A_715] : memref<512x2048xf32, #tpu.memory_space<hbm>> -> memref<1x2048xf32, #tpu.memory_space<hbm>>
    %dma_wait3A_717 = arith.constant 0 : i32
    %dma_wait3A_718 = tpu.memref_slice %arg5[%add3A_564, %dma_wait3A_717] : memref<512x2048xf32, #tpu.memory_space<hbm>> -> memref<1x2048xf32, #tpu.memory_space<hbm>>
    tpu.wait_dma2 semaphore(%arg29 : memref<!tpu.dma_semaphore, #tpu.memory_space<semaphore_mem>>) src(%arg9 : memref<1x2048xf32, #tpu.memory_space<vmem>>) dst(%dma_wait3A_718 : memref<1x2048xf32, #tpu.memory_space<hbm>>)
    %dma_wait3A_719 = arith.constant 0 : i32
    %dma_wait3A_720 = tpu.memref_slice %arg5[%add3A_570, %dma_wait3A_719] : memref<512x2048xf32, #tpu.memory_space<hbm>> -> memref<1x2048xf32, #tpu.memory_space<hbm>>
    %dma_wait3A_721 = arith.constant 0 : i32
    %dma_wait3A_722 = tpu.memref_slice %arg5[%add3A_570, %dma_wait3A_721] : memref<512x2048xf32, #tpu.memory_space<hbm>> -> memref<1x2048xf32, #tpu.memory_space<hbm>>
    tpu.wait_dma2 semaphore(%arg29 : memref<!tpu.dma_semaphore, #tpu.memory_space<semaphore_mem>>) src(%arg10 : memref<1x2048xf32, #tpu.memory_space<vmem>>) dst(%dma_wait3A_722 : memref<1x2048xf32, #tpu.memory_space<hbm>>)
    %dma_wait3A_723 = arith.constant 0 : i32
    %dma_wait3A_724 = tpu.memref_slice %arg5[%add3A_576, %dma_wait3A_723] : memref<512x2048xf32, #tpu.memory_space<hbm>> -> memref<1x2048xf32, #tpu.memory_space<hbm>>
    %dma_wait3A_725 = arith.constant 0 : i32
    %dma_wait3A_726 = tpu.memref_slice %arg5[%add3A_576, %dma_wait3A_725] : memref<512x2048xf32, #tpu.memory_space<hbm>> -> memref<1x2048xf32, #tpu.memory_space<hbm>>
    tpu.wait_dma2 semaphore(%arg29 : memref<!tpu.dma_semaphore, #tpu.memory_space<semaphore_mem>>) src(%arg11 : memref<1x2048xf32, #tpu.memory_space<vmem>>) dst(%dma_wait3A_726 : memref<1x2048xf32, #tpu.memory_space<hbm>>)
    %dma_wait3A_727 = arith.constant 0 : i32
    %dma_wait3A_728 = tpu.memref_slice %arg5[%add3A_582, %dma_wait3A_727] : memref<512x2048xf32, #tpu.memory_space<hbm>> -> memref<1x2048xf32, #tpu.memory_space<hbm>>
    %dma_wait3A_729 = arith.constant 0 : i32
    %dma_wait3A_730 = tpu.memref_slice %arg5[%add3A_582, %dma_wait3A_729] : memref<512x2048xf32, #tpu.memory_space<hbm>> -> memref<1x2048xf32, #tpu.memory_space<hbm>>
    tpu.wait_dma2 semaphore(%arg29 : memref<!tpu.dma_semaphore, #tpu.memory_space<semaphore_mem>>) src(%arg12 : memref<1x2048xf32, #tpu.memory_space<vmem>>) dst(%dma_wait3A_730 : memref<1x2048xf32, #tpu.memory_space<hbm>>)
    %dma_wait3A_731 = arith.constant 0 : i32
    %dma_wait3A_732 = tpu.memref_slice %arg5[%add3A_588, %dma_wait3A_731] : memref<512x2048xf32, #tpu.memory_space<hbm>> -> memref<1x2048xf32, #tpu.memory_space<hbm>>
    %dma_wait3A_733 = arith.constant 0 : i32
    %dma_wait3A_734 = tpu.memref_slice %arg5[%add3A_588, %dma_wait3A_733] : memref<512x2048xf32, #tpu.memory_space<hbm>> -> memref<1x2048xf32, #tpu.memory_space<hbm>>
    tpu.wait_dma2 semaphore(%arg29 : memref<!tpu.dma_semaphore, #tpu.memory_space<semaphore_mem>>) src(%arg13 : memref<1x2048xf32, #tpu.memory_space<vmem>>) dst(%dma_wait3A_734 : memref<1x2048xf32, #tpu.memory_space<hbm>>)
    %dma_wait3A_735 = arith.constant 0 : i32
    %dma_wait3A_736 = tpu.memref_slice %arg5[%add3A_594, %dma_wait3A_735] : memref<512x2048xf32, #tpu.memory_space<hbm>> -> memref<1x2048xf32, #tpu.memory_space<hbm>>
    %dma_wait3A_737 = arith.constant 0 : i32
    %dma_wait3A_738 = tpu.memref_slice %arg5[%add3A_594, %dma_wait3A_737] : memref<512x2048xf32, #tpu.memory_space<hbm>> -> memref<1x2048xf32, #tpu.memory_space<hbm>>
    tpu.wait_dma2 semaphore(%arg29 : memref<!tpu.dma_semaphore, #tpu.memory_space<semaphore_mem>>) src(%arg14 : memref<1x2048xf32, #tpu.memory_space<vmem>>) dst(%dma_wait3A_738 : memref<1x2048xf32, #tpu.memory_space<hbm>>)
    %dma_wait3A_739 = arith.constant 0 : i32
    %dma_wait3A_740 = tpu.memref_slice %arg5[%add3A_600, %dma_wait3A_739] : memref<512x2048xf32, #tpu.memory_space<hbm>> -> memref<1x2048xf32, #tpu.memory_space<hbm>>
    %dma_wait3A_741 = arith.constant 0 : i32
    %dma_wait3A_742 = tpu.memref_slice %arg5[%add3A_600, %dma_wait3A_741] : memref<512x2048xf32, #tpu.memory_space<hbm>> -> memref<1x2048xf32, #tpu.memory_space<hbm>>
    tpu.wait_dma2 semaphore(%arg29 : memref<!tpu.dma_semaphore, #tpu.memory_space<semaphore_mem>>) src(%arg15 : memref<1x2048xf32, #tpu.memory_space<vmem>>) dst(%dma_wait3A_742 : memref<1x2048xf32, #tpu.memory_space<hbm>>)
    %dma_wait3A_743 = arith.constant 0 : i32
    %dma_wait3A_744 = tpu.memref_slice %arg5[%add3A_606, %dma_wait3A_743] : memref<512x2048xf32, #tpu.memory_space<hbm>> -> memref<1x2048xf32, #tpu.memory_space<hbm>>
    %dma_wait3A_745 = arith.constant 0 : i32
    %dma_wait3A_746 = tpu.memref_slice %arg5[%add3A_606, %dma_wait3A_745] : memref<512x2048xf32, #tpu.memory_space<hbm>> -> memref<1x2048xf32, #tpu.memory_space<hbm>>
    tpu.wait_dma2 semaphore(%arg29 : memref<!tpu.dma_semaphore, #tpu.memory_space<semaphore_mem>>) src(%arg16 : memref<1x2048xf32, #tpu.memory_space<vmem>>) dst(%dma_wait3A_746 : memref<1x2048xf32, #tpu.memory_space<hbm>>)
    %dma_wait3A_747 = arith.constant 0 : i32
    %dma_wait3A_748 = tpu.memref_slice %arg5[%add3A_668, %dma_wait3A_747] : memref<512x2048xf32, #tpu.memory_space<hbm>> -> memref<1x2048xf32, #tpu.memory_space<hbm>>
    %dma_wait3A_749 = arith.constant 0 : i32
    %dma_wait3A_750 = tpu.memref_slice %arg5[%add3A_668, %dma_wait3A_749] : memref<512x2048xf32, #tpu.memory_space<hbm>> -> memref<1x2048xf32, #tpu.memory_space<hbm>>
    tpu.wait_dma2 semaphore(%arg29 : memref<!tpu.dma_semaphore, #tpu.memory_space<semaphore_mem>>) src(%arg17 : memref<1x2048xf32, #tpu.memory_space<vmem>>) dst(%dma_wait3A_750 : memref<1x2048xf32, #tpu.memory_space<hbm>>)
    %dma_wait3A_751 = arith.constant 0 : i32
    %dma_wait3A_752 = tpu.memref_slice %arg5[%add3A_674, %dma_wait3A_751] : memref<512x2048xf32, #tpu.memory_space<hbm>> -> memref<1x2048xf32, #tpu.memory_space<hbm>>
    %dma_wait3A_753 = arith.constant 0 : i32
    %dma_wait3A_754 = tpu.memref_slice %arg5[%add3A_674, %dma_wait3A_753] : memref<512x2048xf32, #tpu.memory_space<hbm>> -> memref<1x2048xf32, #tpu.memory_space<hbm>>
    tpu.wait_dma2 semaphore(%arg29 : memref<!tpu.dma_semaphore, #tpu.memory_space<semaphore_mem>>) src(%arg18 : memref<1x2048xf32, #tpu.memory_space<vmem>>) dst(%dma_wait3A_754 : memref<1x2048xf32, #tpu.memory_space<hbm>>)
    %dma_wait3A_755 = arith.constant 0 : i32
    %dma_wait3A_756 = tpu.memref_slice %arg5[%add3A_680, %dma_wait3A_755] : memref<512x2048xf32, #tpu.memory_space<hbm>> -> memref<1x2048xf32, #tpu.memory_space<hbm>>
    %dma_wait3A_757 = arith.constant 0 : i32
    %dma_wait3A_758 = tpu.memref_slice %arg5[%add3A_680, %dma_wait3A_757] : memref<512x2048xf32, #tpu.memory_space<hbm>> -> memref<1x2048xf32, #tpu.memory_space<hbm>>
    tpu.wait_dma2 semaphore(%arg29 : memref<!tpu.dma_semaphore, #tpu.memory_space<semaphore_mem>>) src(%arg19 : memref<1x2048xf32, #tpu.memory_space<vmem>>) dst(%dma_wait3A_758 : memref<1x2048xf32, #tpu.memory_space<hbm>>)
    %dma_wait3A_759 = arith.constant 0 : i32
    %dma_wait3A_760 = tpu.memref_slice %arg5[%add3A_686, %dma_wait3A_759] : memref<512x2048xf32, #tpu.memory_space<hbm>> -> memref<1x2048xf32, #tpu.memory_space<hbm>>
    %dma_wait3A_761 = arith.constant 0 : i32
    %dma_wait3A_762 = tpu.memref_slice %arg5[%add3A_686, %dma_wait3A_761] : memref<512x2048xf32, #tpu.memory_space<hbm>> -> memref<1x2048xf32, #tpu.memory_space<hbm>>
    tpu.wait_dma2 semaphore(%arg29 : memref<!tpu.dma_semaphore, #tpu.memory_space<semaphore_mem>>) src(%arg20 : memref<1x2048xf32, #tpu.memory_space<vmem>>) dst(%dma_wait3A_762 : memref<1x2048xf32, #tpu.memory_space<hbm>>)
    %dma_wait3A_763 = arith.constant 0 : i32
    %dma_wait3A_764 = tpu.memref_slice %arg5[%add3A_692, %dma_wait3A_763] : memref<512x2048xf32, #tpu.memory_space<hbm>> -> memref<1x2048xf32, #tpu.memory_space<hbm>>
    %dma_wait3A_765 = arith.constant 0 : i32
    %dma_wait3A_766 = tpu.memref_slice %arg5[%add3A_692, %dma_wait3A_765] : memref<512x2048xf32, #tpu.memory_space<hbm>> -> memref<1x2048xf32, #tpu.memory_space<hbm>>
    tpu.wait_dma2 semaphore(%arg29 : memref<!tpu.dma_semaphore, #tpu.memory_space<semaphore_mem>>) src(%arg21 : memref<1x2048xf32, #tpu.memory_space<vmem>>) dst(%dma_wait3A_766 : memref<1x2048xf32, #tpu.memory_space<hbm>>)
    %dma_wait3A_767 = arith.constant 0 : i32
    %dma_wait3A_768 = tpu.memref_slice %arg5[%add3A_698, %dma_wait3A_767] : memref<512x2048xf32, #tpu.memory_space<hbm>> -> memref<1x2048xf32, #tpu.memory_space<hbm>>
    %dma_wait3A_769 = arith.constant 0 : i32
    %dma_wait3A_770 = tpu.memref_slice %arg5[%add3A_698, %dma_wait3A_769] : memref<512x2048xf32, #tpu.memory_space<hbm>> -> memref<1x2048xf32, #tpu.memory_space<hbm>>
    tpu.wait_dma2 semaphore(%arg29 : memref<!tpu.dma_semaphore, #tpu.memory_space<semaphore_mem>>) src(%arg22 : memref<1x2048xf32, #tpu.memory_space<vmem>>) dst(%dma_wait3A_770 : memref<1x2048xf32, #tpu.memory_space<hbm>>)
    %dma_wait3A_771 = arith.constant 0 : i32
    %dma_wait3A_772 = tpu.memref_slice %arg5[%add3A_704, %dma_wait3A_771] : memref<512x2048xf32, #tpu.memory_space<hbm>> -> memref<1x2048xf32, #tpu.memory_space<hbm>>
    %dma_wait3A_773 = arith.constant 0 : i32
    %dma_wait3A_774 = tpu.memref_slice %arg5[%add3A_704, %dma_wait3A_773] : memref<512x2048xf32, #tpu.memory_space<hbm>> -> memref<1x2048xf32, #tpu.memory_space<hbm>>
    tpu.wait_dma2 semaphore(%arg29 : memref<!tpu.dma_semaphore, #tpu.memory_space<semaphore_mem>>) src(%arg23 : memref<1x2048xf32, #tpu.memory_space<vmem>>) dst(%dma_wait3A_774 : memref<1x2048xf32, #tpu.memory_space<hbm>>)
    %dma_wait3A_775 = arith.constant 0 : i32
    %dma_wait3A_776 = tpu.memref_slice %arg5[%add3A_710, %dma_wait3A_775] : memref<512x2048xf32, #tpu.memory_space<hbm>> -> memref<1x2048xf32, #tpu.memory_space<hbm>>
    %dma_wait3A_777 = arith.constant 0 : i32
    %dma_wait3A_778 = tpu.memref_slice %arg5[%add3A_710, %dma_wait3A_777] : memref<512x2048xf32, #tpu.memory_space<hbm>> -> memref<1x2048xf32, #tpu.memory_space<hbm>>
    tpu.wait_dma2 semaphore(%arg29 : memref<!tpu.dma_semaphore, #tpu.memory_space<semaphore_mem>>) src(%arg24 : memref<1x2048xf32, #tpu.memory_space<vmem>>) dst(%dma_wait3A_778 : memref<1x2048xf32, #tpu.memory_space<hbm>>)
    return
  }
}

</mosaic_0001>

<sc_bundles>
// kernel: kernel.3.cloned.1.call-start
scs
__scs_entry_jumppad:
0x0: {  	(pc) =	sbr.rel $0x88, $3  }
0x1: {  	(tag) =	ssettag $0x0;
	lr =	simm.s32 $0x1  }
0x2: {  	[smem:$0x3F9E] =	sst lr;
	_ =	strace $0xD0000000  }
0x3: {  	_ = 	snop  }
0x4: {  	_ = 	snop  }
0x5: {  	_ = 	snop  }
0x6: {  	_ = 	snop  }
0x7: {  	_ = 	snop  }
__scs_overlays_trampoline_lowered:
0x8: {  	[smem:$0x3FAD] =	sst s0  }
0x9: {  	[smem:$0x3FAE] =	sst s1  }
0xa: {  	[smem:$0x3FAF] =	sst s2  }
0xb: {  	[smem:$0x3FB0] =	sst s3  }
0xc: {  	[smem:$0x3FB1] =	sst s4  }
0xd: {  	[smem:$0x3FB2] =	sst s5  }
0xe: {  	[smem:$0x3FB3] =	sst s6  }
0xf: {  	[smem:$0x3FB4] =	sst s7  }
0x10: {  	[smem:$0x3FB5] =	sst s8  }
0x11: {  	[smem:$0x3FB6] =	sst s9;
	s0 =	simm.s32 @!p0 $0x0  }
0x12: {  	s1 =	sld [smem:$0x3F9C];
	s0 =	simm.s32 @p0 $0x1  }
0x13: {  	[smem:$0x3FB7] =	sst s0;
	s0 =	simm.s32 @!p1 $0x0  }
0x14: {  	s2 =	sld [smem:$0x3F9B];
	s0 =	simm.s32 @p1 $0x1  }
0x15: {  	[smem:$0x3FB8] =	sst s0;
	s0 =	simm.s32 @!p2 $0x0  }
0x16: {  	s3 =	sld [smem:$0x3FDB];
	s0 =	simm.s32 @p2 $0x1  }
0x17: {  	s4 =	simm.s32 $0x1BF5;
	[smem:$0x3FBA] =	sst s0  }
0x18: {  	s0 =	sld [smem:$0x3F9D];
	_ =	swait.ge [sflag:s4], $0x0  }
0x19: {  	s7 =	sld [smem:$0x3F9E]  }
0x1a: {  	s8 =	sadd.s32 $0xFFFFE003, lr  }
0x1b: {  	s9 =	sadd.s32 $0xFFFFFEF7, lr;
	s5 =	simm.s32 $0xFFFFFFFF;
	p2 =	slt.u32 s8, $0xFFFFF086  }
0x1c: {  	p1 =	slt.u32 s9, $0xF7A;
	s5 =	simm.s32 @!p2 $0x0  }
0x1d: {  	s5 =	simm.s32 @p1 $0x1;
	p0 =	seq.s32 s7, s2  }
0x1e: {  	s7 =	smul.u32 @!p0 $0xF7A, s2;
	p2 =	seq.s32 @!p0 s5, $0x0  }
0x1f: {  	s9 =	smul.u32 $0xF7A, s1;
	s8 =	simm.s32 @!p0 $0x1BF5;
	p2 =	por !p2, p0  }
0x20: {  	[sflag:s8] =	ssyncset.s32 @!p0 $0xFFFFF086;
	s6 =	sadd.s32 @!p0 s3, s7;
	s7 =	simm.s32 @!p0 $0x108  }
0x21: {  	s3 =	sadd.s32 s3, s9;
	s6 =	sadd.s32 @!p0 $0x88, s6;
	s7 =	simm.s32 @p2 $0x1082  }
0x22: {  	[simem:s7], [sflag:s8] =	dma.local @!p0 [hbm:s6], $0xF7A  }
0x23: {  	s9 =	sor.u32 $0xD0000000, s2;
	s6 =	simm.s32 $0x108;
	_ =	swait.ge @!p0 [sflag:s8], $0x0  }
0x24: {  	s3 =	sadd.s32 $0x88, s3;
	s6 =	simm.s32 @!p1 $0x1082;
	[sflag:s4] =	ssyncset.s32 $0xFFFFF086  }
0x25: {  	[simem:s6], [sflag:s4] =	dma.local [hbm:s3], $0xF7A  }
0x26: {  	[smem:$0x3F9E] =	sst s1;
	(tag) =	ssettag s2;
	_ =	strace s9  }
0x27: {  	s1 =	sld [smem:$0x3FAE]  }
0x28: {  	s2 =	sld [smem:$0x3FAF]  }
0x29: {  	s4 =	sld [smem:$0x3FB1]  }
0x2a: {  	p0 =	seq.s32 s5, $0x0;
	s5 =	sld [smem:$0x3FB2]  }
0x2b: {  	s6 =	sld [smem:$0x3FB3]  }
0x2c: {  	s7 =	sld [smem:$0x3FB4]  }
0x2d: {  	s3 =	simm.s32 $0x108;
	s8 =	sld [smem:$0x3FB5]  }
0x2e: {  	s3 =	simm.s32 @!p0 $0x1082;
	s9 =	sld [smem:$0x3FB6]  }
0x2f: {  	lr =	sadd.s32 s0, s3;
	s0 =	sld [smem:$0x3FAD]  }
0x30: {  	s3 =	sld [smem:$0x3FB0]  }
0x31: {  	[smem:$0x3FB9] =	sst s10  }
0x32: {  	s10 =	sld [smem:$0x3FB7];
	_ =	sdelay $0x3  }
0x33: {  	p0 =	seq.s32 s10, $0x1;
	s10 =	sld [smem:$0x3FB9];
	_ =	sdelay $0x3  }
0x34: {  	[smem:$0x3FB9] =	sst s10  }
0x35: {  	s10 =	sld [smem:$0x3FB8];
	_ =	sdelay $0x3  }
0x36: {  	p1 =	seq.s32 s10, $0x1;
	s10 =	sld [smem:$0x3FB9];
	_ =	sdelay $0x3  }
0x37: {  	[smem:$0x3FB9] =	sst s10  }
0x38: {  	s10 =	sld [smem:$0x3FBA]  }
0x39: {  	_ = 	snop;
	(pc) =	sbr.ind lr, $3  }
0x3a: {  	_ = 	snop  }
0x3b: {  	_ = 	snop  }
0x3c: {  	p2 =	seq.s32 s10, $0x1;
	s10 =	sld [smem:$0x3FB9]  }
0x3d: {  	_ =	shalt  }
0x3e: {  	_ =	shalt  }
0x3f: {  	_ =	shalt  }
0x40: {  	_ =	shalt  }
0x41: {  	_ =	shalt  }
0x42: {  	_ =	shalt  }
0x43: {  	_ =	shalt  }
0x44: {  	_ =	shalt  }
0x45: {  	_ =	shalt  }
0x46: {  	_ =	shalt  }
0x47: {  	_ =	shalt  }
0x48: {  	_ =	shalt  }
0x49: {  	_ =	shalt  }
0x4a: {  	_ =	shalt  }
0x4b: {  	_ =	shalt  }
0x4c: {  	_ =	shalt  }
0x4d: {  	_ =	shalt  }
0x4e: {  	_ =	shalt  }
0x4f: {  	_ =	shalt  }
0x50: {  	_ =	shalt  }
0x51: {  	_ =	shalt  }
0x52: {  	_ =	shalt  }
0x53: {  	_ =	shalt  }
0x54: {  	_ =	shalt  }
0x55: {  	_ =	shalt  }
0x56: {  	_ =	shalt  }
0x57: {  	_ =	shalt  }
0x58: {  	_ =	shalt  }
0x59: {  	_ =	shalt  }
0x5a: {  	_ =	shalt  }
0x5b: {  	_ =	shalt  }
0x5c: {  	_ =	shalt  }
0x5d: {  	_ =	shalt  }
0x5e: {  	_ =	shalt  }
0x5f: {  	_ =	shalt  }
0x60: {  	_ =	shalt  }
0x61: {  	_ =	shalt  }
0x62: {  	_ =	shalt  }
0x63: {  	_ =	shalt  }
0x64: {  	_ =	shalt  }
0x65: {  	_ =	shalt  }
0x66: {  	_ =	shalt  }
0x67: {  	_ =	shalt  }
0x68: {  	_ =	shalt  }
0x69: {  	_ =	shalt  }
0x6a: {  	_ =	shalt  }
0x6b: {  	_ =	shalt  }
0x6c: {  	_ =	shalt  }
0x6d: {  	_ =	shalt  }
0x6e: {  	_ =	shalt  }
0x6f: {  	_ =	shalt  }
0x70: {  	_ =	shalt  }
0x71: {  	_ =	shalt  }
0x72: {  	_ =	shalt  }
0x73: {  	_ =	shalt  }
0x74: {  	_ =	shalt  }
0x75: {  	_ =	shalt  }
0x76: {  	_ =	shalt  }
0x77: {  	_ =	shalt  }
0x78: {  	_ =	shalt  }
0x79: {  	_ =	shalt  }
0x7a: {  	_ =	shalt  }
0x7b: {  	_ =	shalt  }
0x7c: {  	_ =	shalt  }
0x7d: {  	_ =	shalt  }
0x7e: {  	_ =	shalt  }
0x7f: {  	_ =	shalt  }
0x80: {  	_ =	shalt  }
0x81: {  	_ =	shalt  }
0x82: {  	_ =	shalt  }
0x83: {  	_ =	shalt  }
0x84: {  	_ =	shalt  }
0x85: {  	_ =	shalt  }
0x86: {  	_ =	shalt  }
0x87: {  	_ =	shalt  }
.Lfunc_end0:
.L_simem_size_0:
called_computation_lowered:
.L_overlay_start_0:
0x88: {  	s2 =	sld [smem:$0x3FD9]  }
0x89: {  	s3 =	sld [smem:$0x3FFE];
	_ =	sdelay $0x1  }
0x8a: {  	s1 =	srdreg.scid  }
0x8b: {  	s0 =	sand.u32 $0x1, s1  }
0x8c: {  	s15 =	sshll.u32 s0, $0xA;
	s2 =	sadd.s32 s3, s2  }
0x8d: {  	s2 =	sadd.s32 s2, s15  }
0x8e: {  	[smem:$0x3FC5] =	sst s2  }
0x8f: {  	_ = 	snop  }
0x90: {  	s2 =	sld [smem:$0x3FD0]  }
0x91: {  	s16 =	sld [smem:$0x3FC9]  }
0x92: {  	s4 =	sld [smem:$0x3FC8]  }
0x93: {  	s6 =	simm.s32 $0xA;
	s7 =	simm.s32 $0x10;
	s5 =	sld [smem:$0x3FC7]  }
0x94: {  	[smem:s7], [sflag:s6] =	dma.local [hbm:s2], $0x1  }
0x95: {  	_ =	swait.eq [sflag:s6], $0x1  }
0x96: {  	[sflag:s6] =	ssyncset.done $0x0  }
0x97: {  	[sflag:s6] =	ssyncadd.s32 $0xFFFFFFFF  }
0x98: {  	s17 =	sld [smem:$0x10];
	(tm) =	ssettm $0x1  }
0x99: {  	s18 =	sld [smem:$0x3FFB];
	_ =	sdelay $0x3  }
0x9a: {  	_ =	strace s18  }
0x9b: {  	s6 =	sld [smem:$0x3FFC];
	_ =	sdelay $0x3  }
0x9c: {  	_ =	strace s6  }
0x9d: {  	s6 =	sld [smem:$0x3FFD];
	_ =	sdelay $0x3  }
0x9e: {  	_ =	strace s6  }
0x9f: {  	_ =	strace $0x8FFFFFFF  }
0xa0: {  	s19 =	sld [smem:$0x3FDB];
	_ =	sdelay $0x1  }
0xa1: {  	s20 =	simm.s32 $_scs_section_size  }
0xa2: {  	s8 =	simm.s32 $_size__tile_overlayer_lowered;
	s9 =	simm.s32 $_tile_overlayer_lowered  }
0xa3: {  	s23 =	simm.s32 $0x1BFF;
	s22 =	sshll.u32 s9, $0x1;
	s6 =	sadd.s32 s20, s19  }
0xa4: {  	s10 =	simm.s32 $0x0;
	s21 =	sshll.u32 s8, $0x1;
	s8 =	sadd.s32 s22, s6  }
0xa5: {  	[timem:s10], [sflag:s23] =	dma.local [hbm:s8], s21  }
0xa6: {  	_ =	swait.ge [sflag:s23], s21  }
0xa7: {  	s7 =	ssub.s32 $0x0, s21;
	[sflag:s23] =	ssyncset.done $0x0  }
0xa8: {  	[sflag:s23] =	ssyncadd.s32 s7;
	_ =	sdelay $0x1  }
0xa9: {  	s24 =	simm.s32 $0x1B8B  }
0xaa: {  	_ =	swait.ge [sflag:s24], $0x1  }
0xab: {  	[sflag:s24] =	ssyncset.done $0x0  }
0xac: {  	s25 =	simm.s32 $0x1B8E;
	[sflag:s24] =	ssyncadd.s32 $0xFFFFFFFF  }
0xad: {  	s26 =	simm.s32 $execute0_lowered;
	[smem:$0x3FD2] =	sst s25  }
0xae: {  	s7 =	sshll.u32 s26, $0x1;
	_ =	strace $0x80000046;
	[dreg:$0x1] =	wrdreg $0xFFFFFFFF  }
0xaf: {  	s28 =	simm.s32 $_size_execute0_lowered;
	s6 =	sadd.s32 s6, s7;
	[dreg:$0x0] =	wrdreg $0x0  }
0xb0: {  	s7 =	sshll.u32 s28, $0x1;
	[dreg:$0x2] =	wrdreg s6  }
0xb1: {  	[dreg:$0x3] =	wrdreg s7  }
0xb2: {  	[dreg:$0x4] =	wrdreg $0xC0  }
0xb3: {  	_ =	task [dreg:s10], $0x5FFFF  }
0xb4: {  	[dreg:$0x1] =	wrdreg $0xFFFFFFFF  }
0xb5: {  	[dreg:$0x0] =	wrdreg $0x60  }
0xb6: {  	[dreg:$0x2] =	wrdreg s16  }
0xb7: {  	[dreg:$0x3] =	wrdreg s4  }
0xb8: {  	[dreg:$0x4] =	wrdreg s5  }
0xb9: {  	[dreg:$0x5] =	wrdreg s17  }
0xba: {  	[dreg:$0x6] =	wrdreg $0x9  }
0xbb: {  	_ =	task.clear_ibuf [dreg:s10], $0x7FFFF;
	_ =	strace $0x90000046  }
0xbc: {  	s29 =	simm.s32 $0x9;
	_ =	strace $0x80000048  }
0xbd: {  	_ =	swait.ge [sflag:s29], $0x1  }
0xbe: {  	[sflag:s29] =	ssyncadd.s32 $0xFFFFFFFF  }
0xbf: {  	_ =	strace $0x90000048  }
0xc0: {  	_ =	sfence  }
0xc1: {  	s30 =	sld [smem:$0x0];
	_ =	sdelay $0x2  }
0xc2: {  	s31 =	sshll.u32 s1, $0xD;
	s1 =	sshrl.u32 s1, $0x2  }
0xc3: {  	s3 =	sand.u32 $0x4000, s31;
	s1 =	sadd.s32 s1, s30  }
0xc4: {  	s0 =	sor.u32 s3, s0;
	s1 =	sshll.u32 s1, $0x11  }
0xc5: {  	s0 =	sor.u32 s1, s0  }
0xc6: {  	s0 =	sadd.s32 $0x8F2B, s0  }
0xc7: {  	[sflag:s0] =	ssyncadd.remote.s32 $0x1  }
0xc8: {  	_ =	sfence.sel $0xFFFF  }
0xc9: {  	[dreg:$0x0] =	wrdreg $0xFFFFFFFF;
	(pc) =	sbr.abs _section_cstart, $3  }
0xca: {  	[dreg:$0x1] =	wrdreg $0xFFFFFFFF  }
0xcb: {  	_ =	task.clear_ibuf [dreg:s10], $0x2FFFF;
	_ =	strace $0x9FFFFFFF  }
0xcc: {  	(tm) =	ssettm $0x7FFFFFFF  }
0xcd: {  	_ =	shalt  }
tec
execute0_lowered:
.L_overlay_start_1:
0x0: {  	(tag) =	ssettag $0x1  }
0x1: {  	s1 =	rddreg [dreg:$0x0]  }
0x2: {  	s0 =	rddreg [dreg:$0x1]  }
0x3: {  	s2 =	rddreg [dreg:$0x2]  }
0x4: {  	s6 =	rddreg [dreg:$0x3]  }
0x5: {  	s3 =	srdreg.scid;
	s9 =	stileid.u32  }
0x6: {  	s23 =	simm.s32 $0x80;
	s24 =	simm.s32 $0x1;
	s30 =	simm.s32 $0x7200  }
0x7: {  	s31 =	simm.s32 $0x7A00;
	s4 =	sand.u32 $0x1, s3;
	s3 =	simm.s32 $0x0  }
0x8: {  	s5 =	sshll.u32 s9, $0x5;
	s28 =	sshll.u32 s9, $0xA;
	s7 =	sshll.u32 s4, $0x4  }
0x9: {  	[smem:$0x7FF] =	sst s3;
	s4 =	ssub.s32 $0x2, s4;
	s29 =	sand.u32 $0x3000, s28  }
0xa: {  	s5 =	sor.u32 s7, s5;
	_ =	strace $0x80000047;
	s25 =	sshrl.u32 s4, $0x1  }
0xb: {  	s8 =	sshrl.u32 s5, $0x3;
	s22 =	ssub.s32 s4, s25;
	s26 =	sshll.u32 s5, $0x8  }
0xc: {  	s25 =	simm.s32 $0x2;
	s4 =	sadd.s32 s0, s8;
	s5 =	sadd.s32 s2, s8  }
0xd: {  	v1 =	vimm.s32 $0x0;
	v2 =	vimm.s32 $0x1;
	v3 =	vimm.s32 $0x2;
	s6 =	sadd.s32 s6, s26;
	s22 =	smax.u32 s22, $0x1;
	s26 =	simm.s32 $0x400  }
0xe: {  	v4 =	vimm.s32 $0x3;
	v5 =	vimm.s32 $0x4;
	v6 =	vimm.s32 $0x5;
	s0 =	simm.s32 $0x5;
	s2 =	simm.s32 $0x0;
	s7 =	sadd.s32 $0x10, s6  }
.Ltmp0:
0xf: {  	v7 =	vimm.s32 $0x6;
	v8 =	vimm.s32 $0x7;
	v9 =	vimm.s32 $0x8;
	s8 =	sadd.s32 $0x20, s6;
	s9 =	sadd.s32 $0x30, s6;
	(pc) =	sbr.rel .LBB2_1-.Ltmp0, $4  }
0x10: {  	v10 =	vimm.s32 $0x9;
	v11 =	vimm.s32 $0xA;
	v12 =	vimm.s32 $0xB;
	s10 =	sadd.s32 $0x40, s6;
	s11 =	sadd.s32 $0x50, s6;
	s12 =	sadd.s32 $0x60, s6  }
0x11: {  	v13 =	vimm.s32 $0xC;
	v14 =	vimm.s32 $0xD;
	v15 =	vimm.s32 $0xE;
	s13 =	sadd.s32 $0x70, s6;
	s14 =	sadd.s32 $0x800, s6;
	s15 =	sadd.s32 $0x810, s6  }
0x12: {  	v16 =	vimm.s32 $0xF;
	v18 =	vlaneseq.u32;
	v17 =	vimm.f32 $0.0e+00;
	s16 =	sadd.s32 $0x820, s6;
	s17 =	sadd.s32 $0x830, s6;
	s18 =	sadd.s32 $0x840, s6  }
0x13: {  	vm0 =	vmmov $0xffff;
	v18 =	vmul.u32 $0x8, v18;
	v0 =	vmov s29;
	s19 =	sadd.s32 $0x850, s6;
	s20 =	sadd.s32 $0x860, s6;
	s21 =	sadd.s32 $0x870, s6  }
.LBB2_82:
0x14: {  	v19 =	vld.msk [tilespmem:$0x1F0], $0x1;
	_ =	sdelay $0x4  }
0x15: {  	v20 =	vshll.u32 v19, $0x4  }
0x16: {  	v19 =	vand.u32 $0x7, v19;
	v20 =	vand.u32 $0xFFFFFF80, v20  }
0x17: {  	v19 =	vor.u32 v19, v20  }
0x18: {  	v19 =	vperm.xlane v19, v1;
	_ =	sdelay $0x1  }
0x19: {  	v19 =	vadd.s32 v18, v19;
	_ =	sdelay $0x4  }
0x1a: {  	[tilespmem:s31], [sflag:$0x4] =	stream.indirect_vreg.gather [hbm4b:s1+s3], $0x80, v19, vm0, $0xb8;
	[tilespmem:$0x8200] =	vst v63  }
.LBB2_80:
0x1b: {  	s28 =	simm.s32 @!p2 $0x3  }
0x1c: {  	_ =	swait.ge @!p2 [sflag:s28], $0x800  }
0x1d: {  	s29 =	sld [smem:$0x7FD];
	_ =	sdelay $0x1  }
0x1e: {  	[sflag:s28] =	ssyncset.done @!p2 $0x0  }
0x1f: {  	[sflag:s28] =	ssyncadd.s32 @!p2 $0xFFFFF800;
	p2 =	seq.s32 s29, $0x1  }
0x20: {  	s28 =	simm.s32 @!p2 $0x3  }
0x21: {  	_ =	swait.ge @!p2 [sflag:s28], $0x800  }
0x22: {  	s29 =	sld [smem:$0x7FC];
	_ =	sdelay $0x1  }
0x23: {  	[sflag:s28] =	ssyncset.done @!p2 $0x0  }
0x24: {  	[sflag:s28] =	ssyncadd.s32 @!p2 $0xFFFFF800;
	p2 =	seq.s32 s29, $0x1  }
0x25: {  	s28 =	simm.s32 @!p2 $0x3  }
0x26: {  	_ =	swait.ge @!p2 [sflag:s28], $0x800  }
0x27: {  	s29 =	sld [smem:$0x7FB];
	_ =	sdelay $0x1  }
0x28: {  	[sflag:s28] =	ssyncset.done @!p2 $0x0  }
0x29: {  	[sflag:s28] =	ssyncadd.s32 @!p2 $0xFFFFF800;
	p2 =	seq.s32 s29, $0x1  }
0x2a: {  	s28 =	simm.s32 @!p2 $0x3  }
0x2b: {  	_ =	swait.ge @!p2 [sflag:s28], $0x800  }
0x2c: {  	s29 =	sld [smem:$0x7FA];
	_ =	sdelay $0x1  }
0x2d: {  	[sflag:s28] =	ssyncset.done @!p2 $0x0  }
0x2e: {  	[sflag:s28] =	ssyncadd.s32 @!p2 $0xFFFFF800;
	p2 =	seq.s32 s29, $0x1  }
0x2f: {  	s28 =	simm.s32 @!p2 $0x3  }
0x30: {  	_ =	swait.ge @!p2 [sflag:s28], $0x800  }
0x31: {  	s29 =	sld [smem:$0x7F9];
	_ =	sdelay $0x1  }
0x32: {  	[sflag:s28] =	ssyncset.done @!p2 $0x0  }
0x33: {  	[sflag:s28] =	ssyncadd.s32 @!p2 $0xFFFFF800;
	p2 =	seq.s32 s29, $0x1  }
0x34: {  	s28 =	simm.s32 @!p2 $0x3  }
0x35: {  	_ =	swait.ge @!p2 [sflag:s28], $0x800  }
0x36: {  	s29 =	sld [smem:$0x7F8];
	_ =	sdelay $0x1  }
0x37: {  	[sflag:s28] =	ssyncset.done @!p2 $0x0  }
0x38: {  	[sflag:s28] =	ssyncadd.s32 @!p2 $0xFFFFF800;
	p2 =	seq.s32 s29, $0x1  }
0x39: {  	s28 =	simm.s32 @!p2 $0x3  }
0x3a: {  	_ =	swait.ge @!p2 [sflag:s28], $0x800  }
0x3b: {  	s29 =	sld [smem:$0x7F7];
	_ =	sdelay $0x1  }
0x3c: {  	[sflag:s28] =	ssyncset.done @!p2 $0x0  }
0x3d: {  	[sflag:s28] =	ssyncadd.s32 @!p2 $0xFFFFF800;
	p2 =	seq.s32 s29, $0x1  }
0x3e: {  	s28 =	simm.s32 @!p2 $0x3  }
0x3f: {  	_ =	swait.ge @!p2 [sflag:s28], $0x800  }
0x40: {  	[sflag:s28] =	ssyncset.done @!p2 $0x0  }
0x41: {  	s29 =	simm.s32 $0x200;
	[sflag:s28] =	ssyncadd.s32 @!p2 $0xFFFFF800  }
0x42: {  	[hbm4b:s6+s23] =	stream.strided.scatter [tilespmem:s29], [sflag:$0x5], $0x800, s26, s23, $0x38;
	[tilespmem:$0x8200] =	vst v63  }
0x43: {  	s29 =	simm.s32 $0xA00  }
0x44: {  	[hbm4b:s7+s23] =	stream.strided.scatter [tilespmem:s29], [sflag:$0x5], $0x800, s26, s23, $0x38;
	[tilespmem:$0x8200] =	vst v63  }
0x45: {  	s29 =	simm.s32 $0x1200  }
0x46: {  	[hbm4b:s8+s23] =	stream.strided.scatter [tilespmem:s29], [sflag:$0x5], $0x800, s26, s23, $0x38;
	[tilespmem:$0x8200] =	vst v63  }
0x47: {  	s29 =	simm.s32 $0x1A00  }
0x48: {  	[hbm4b:s9+s23] =	stream.strided.scatter [tilespmem:s29], [sflag:$0x5], $0x800, s26, s23, $0x38;
	[tilespmem:$0x8200] =	vst v63  }
0x49: {  	s29 =	simm.s32 $0x2200  }
0x4a: {  	[hbm4b:s10+s23] =	stream.strided.scatter [tilespmem:s29], [sflag:$0x5], $0x800, s26, s23, $0x38;
	[tilespmem:$0x8200] =	vst v63  }
0x4b: {  	s29 =	simm.s32 $0x2A00  }
0x4c: {  	[hbm4b:s11+s23] =	stream.strided.scatter [tilespmem:s29], [sflag:$0x5], $0x800, s26, s23, $0x38;
	[tilespmem:$0x8200] =	vst v63  }
0x4d: {  	s29 =	simm.s32 $0x3200  }
0x4e: {  	[hbm4b:s12+s23] =	stream.strided.scatter [tilespmem:s29], [sflag:$0x5], $0x800, s26, s23, $0x38;
	[tilespmem:$0x8200] =	vst v63  }
0x4f: {  	s29 =	simm.s32 $0x3A00  }
0x50: {  	[hbm4b:s13+s23] =	stream.strided.scatter [tilespmem:s29], [sflag:$0x5], $0x800, s26, s23, $0x38;
	[tilespmem:$0x8200] =	vst v63  }
0x51: {  	s29 =	sld [smem:$0x7F6];
	_ =	sdelay $0x2  }
0x52: {  	p2 =	seq.s32 s29, $0x1  }
0x53: {  	s28 =	simm.s32 @!p2 $0x4  }
0x54: {  	_ =	swait.ge @!p2 [sflag:s28], $0x800  }
0x55: {  	s29 =	sld [smem:$0x7F5];
	_ =	sdelay $0x1  }
0x56: {  	[sflag:s28] =	ssyncset.done @!p2 $0x0  }
0x57: {  	[sflag:s28] =	ssyncadd.s32 @!p2 $0xFFFFF800;
	p2 =	seq.s32 s29, $0x1  }
0x58: {  	s28 =	simm.s32 @!p2 $0x4  }
0x59: {  	_ =	swait.ge @!p2 [sflag:s28], $0x800  }
0x5a: {  	[sflag:s28] =	ssyncset.done @!p2 $0x0  }
0x5b: {  	[sflag:s28] =	ssyncadd.s32 @!p2 $0xFFFFF800;
	s28 =	simm.s32 @!p3 $0x4  }
0x5c: {  	_ =	swait.ge @!p3 [sflag:s28], $0x800  }
0x5d: {  	[sflag:s28] =	ssyncset.done @!p3 $0x0  }
0x5e: {  	[sflag:s28] =	ssyncadd.s32 @!p3 $0xFFFFF800;
	s28 =	simm.s32 @!p4 $0x4  }
0x5f: {  	_ =	swait.ge @!p4 [sflag:s28], $0x800  }
0x60: {  	[sflag:s28] =	ssyncset.done @!p4 $0x0  }
0x61: {  	[sflag:s28] =	ssyncadd.s32 @!p4 $0xFFFFF800;
	s28 =	simm.s32 @!p5 $0x4  }
0x62: {  	_ =	swait.ge @!p5 [sflag:s28], $0x800  }
0x63: {  	[sflag:s28] =	ssyncset.done @!p5 $0x0  }
0x64: {  	[sflag:s28] =	ssyncadd.s32 @!p5 $0xFFFFF800;
	s28 =	simm.s32 @!p6 $0x4  }
0x65: {  	_ =	swait.ge @!p6 [sflag:s28], $0x800  }
0x66: {  	[sflag:s28] =	ssyncset.done @!p6 $0x0  }
0x67: {  	[sflag:s28] =	ssyncadd.s32 @!p6 $0xFFFFF800;
	s28 =	simm.s32 @!p0 $0x4  }
0x68: {  	_ =	swait.ge @!p0 [sflag:s28], $0x800  }
0x69: {  	[sflag:s28] =	ssyncset.done @!p0 $0x0  }
0x6a: {  	[sflag:s28] =	ssyncadd.s32 @!p0 $0xFFFFF800;
	s28 =	simm.s32 @!p1 $0x4  }
0x6b: {  	_ =	swait.ge @!p1 [sflag:s28], $0x800  }
0x6c: {  	[sflag:s28] =	ssyncset.done @!p1 $0x0  }
0x6d: {  	s29 =	simm.s32 $0x4200;
	[sflag:s28] =	ssyncadd.s32 @!p1 $0xFFFFF800  }
0x6e: {  	[hbm4b:s14+s23] =	stream.strided.scatter [tilespmem:s29], [sflag:$0x5], $0x800, s26, s23, $0x38;
	[tilespmem:$0x8200] =	vst v63  }
0x6f: {  	s29 =	simm.s32 $0x4A00  }
0x70: {  	[hbm4b:s15+s23] =	stream.strided.scatter [tilespmem:s29], [sflag:$0x5], $0x800, s26, s23, $0x38;
	[tilespmem:$0x8200] =	vst v63  }
0x71: {  	s29 =	simm.s32 $0x5200  }
0x72: {  	[hbm4b:s16+s23] =	stream.strided.scatter [tilespmem:s29], [sflag:$0x5], $0x800, s26, s23, $0x38;
	[tilespmem:$0x8200] =	vst v63  }
0x73: {  	s29 =	simm.s32 $0x5A00  }
0x74: {  	[hbm4b:s17+s23] =	stream.strided.scatter [tilespmem:s29], [sflag:$0x5], $0x800, s26, s23, $0x38;
	[tilespmem:$0x8200] =	vst v63  }
0x75: {  	s29 =	simm.s32 $0x6200  }
0x76: {  	[hbm4b:s18+s23] =	stream.strided.scatter [tilespmem:s29], [sflag:$0x5], $0x800, s26, s23, $0x38;
	[tilespmem:$0x8200] =	vst v63  }
0x77: {  	s29 =	simm.s32 $0x6A00  }
0x78: {  	[hbm4b:s19+s23] =	stream.strided.scatter [tilespmem:s29], [sflag:$0x5], $0x800, s26, s23, $0x38;
	[tilespmem:$0x8200] =	vst v63  }
0x79: {  	_ = 	snop  }
0x7a: {  	[hbm4b:s20+s23] =	stream.strided.scatter [tilespmem:s30], [sflag:$0x5], $0x800, s26, s23, $0x38;
	[tilespmem:$0x8200] =	vst v63  }
0x7b: {  	_ = 	snop  }
0x7c: {  	[hbm4b:s21+s23] =	stream.strided.scatter [tilespmem:s31], [sflag:$0x5], $0x800, s26, s23, $0x38;
	[tilespmem:$0x8200] =	vst v63  }
0x7d: {  	_ =	swait.ge [sflag:s0], $0x800  }
0x7e: {  	[sflag:s0] =	ssyncset.done $0x0  }
0x7f: {  	[sflag:s0] =	ssyncadd.s32 $0xFFFFF800  }
0x80: {  	_ =	swait.ge [sflag:s0], $0x800  }
0x81: {  	[sflag:s0] =	ssyncset.done $0x0  }
0x82: {  	[sflag:s0] =	ssyncadd.s32 $0xFFFFF800  }
0x83: {  	_ =	swait.ge [sflag:s0], $0x800  }
0x84: {  	[sflag:s0] =	ssyncset.done $0x0  }
0x85: {  	[sflag:s0] =	ssyncadd.s32 $0xFFFFF800  }
0x86: {  	_ =	swait.ge [sflag:s0], $0x800  }
0x87: {  	[sflag:s0] =	ssyncset.done $0x0  }
0x88: {  	[sflag:s0] =	ssyncadd.s32 $0xFFFFF800  }
0x89: {  	_ =	swait.ge [sflag:s0], $0x800  }
0x8a: {  	[sflag:s0] =	ssyncset.done $0x0  }
0x8b: {  	[sflag:s0] =	ssyncadd.s32 $0xFFFFF800  }
0x8c: {  	_ =	swait.ge [sflag:s0], $0x800  }
0x8d: {  	[sflag:s0] =	ssyncset.done $0x0  }
0x8e: {  	[sflag:s0] =	ssyncadd.s32 $0xFFFFF800  }
0x8f: {  	_ =	swait.ge [sflag:s0], $0x800  }
0x90: {  	[sflag:s0] =	ssyncset.done $0x0  }
0x91: {  	[sflag:s0] =	ssyncadd.s32 $0xFFFFF800  }
0x92: {  	_ =	swait.ge [sflag:s0], $0x800  }
0x93: {  	[sflag:s0] =	ssyncset.done $0x0  }
0x94: {  	[sflag:s0] =	ssyncadd.s32 $0xFFFFF800  }
0x95: {  	_ =	swait.ge [sflag:s0], $0x800  }
0x96: {  	[sflag:s0] =	ssyncset.done $0x0  }
0x97: {  	[sflag:s0] =	ssyncadd.s32 $0xFFFFF800  }
0x98: {  	_ =	swait.ge [sflag:s0], $0x800  }
0x99: {  	[sflag:s0] =	ssyncset.done $0x0  }
0x9a: {  	[sflag:s0] =	ssyncadd.s32 $0xFFFFF800  }
0x9b: {  	_ =	swait.ge [sflag:s0], $0x800  }
0x9c: {  	[sflag:s0] =	ssyncset.done $0x0  }
0x9d: {  	[sflag:s0] =	ssyncadd.s32 $0xFFFFF800  }
0x9e: {  	_ =	swait.ge [sflag:s0], $0x800  }
0x9f: {  	[sflag:s0] =	ssyncset.done $0x0  }
0xa0: {  	[sflag:s0] =	ssyncadd.s32 $0xFFFFF800  }
0xa1: {  	_ =	swait.ge [sflag:s0], $0x800  }
0xa2: {  	[sflag:s0] =	ssyncset.done $0x0  }
0xa3: {  	[sflag:s0] =	ssyncadd.s32 $0xFFFFF800  }
0xa4: {  	_ =	swait.ge [sflag:s0], $0x800  }
0xa5: {  	[sflag:s0] =	ssyncset.done $0x0  }
0xa6: {  	s2 =	sadd.s32 $0x1, s2;
	[sflag:s0] =	ssyncadd.s32 $0xFFFFF800  }
0xa7: {  	p0 =	sne.s32 s2, s22;
	_ =	swait.ge [sflag:s0], $0x800  }
.Ltmp1:
0xa8: {  	[sflag:s0] =	ssyncset.done $0x0;
	(pc) =	sbr.rel @!p0 .LBB2_81-.Ltmp1, $4  }
0xa9: {  	[sflag:s0] =	ssyncadd.s32 $0xFFFFF800  }
0xaa: {  	_ =	swait.ge [sflag:s0], $0x800  }
0xab: {  	[sflag:s0] =	ssyncset.done $0x0  }
0xac: {  	[sflag:s0] =	ssyncadd.s32 $0xFFFFF800  }
.LBB2_1:
0xad: {  	[tilespmem:s3], [sflag:$0x1] =	stream.linear.gather [hbm4b:s4+s3], $0x10, $0x38;
	[tilespmem:$0x8200] =	vst v63  }
0xae: {  	_ = 	snop  }
0xaf: {  	[tilespmem:s23], [sflag:$0x2] =	stream.linear.gather [hbm4b:s5+s3], $0x10, $0x38;
	[tilespmem:$0x8200] =	vst v63  }
0xb0: {  	_ =	swait.ge [sflag:s24], $0x10  }
0xb1: {  	[sflag:s24] =	ssyncset.done $0x0  }
0xb2: {  	[sflag:s24] =	ssyncadd.s32 $0xFFFFFFF0  }
0xb3: {  	_ =	swait.ge [sflag:s25], $0x10  }
0xb4: {  	[sflag:s25] =	ssyncset.done $0x0  }
0xb5: {  	[sflag:s25] =	ssyncadd.s32 $0xFFFFFFF0  }
0xb6: {  	v19 =	vld [tilespmem:$0x80];
	_ =	sdelay $0x2  }
0xb7: {  	v20 =	vld [tilespmem:$0x0];
	_ =	sdelay $0x1  }
0xb8: {  	(v2sf) =	vpush v19, $0x0;
	_ =	sdelay $0x2  }
0xb9: {  	v20 =	vadd.s32 v0, v20  }
0xba: {  	v21 =	vperm.xlane v20, v1  }
0xbb: {  	v22 =	vperm.xlane v20, v2  }
0xbc: {  	v51 =	vperm.xlane v20, v3;
	[tilespmem:$0x100] =	vst v21  }
0xbd: {  	v52 =	vperm.xlane v20, v4;
	[tilespmem:$0x110] =	vst v22  }
0xbe: {  	v53 =	vperm.xlane v20, v5;
	[tilespmem:$0x120] =	vst v51  }
0xbf: {  	v54 =	vperm.xlane v20, v6;
	[tilespmem:$0x130] =	vst v52  }
0xc0: {  	v55 =	vperm.xlane v20, v7;
	[tilespmem:$0x140] =	vst v53  }
0xc1: {  	v56 =	vperm.xlane v20, v8;
	[tilespmem:$0x150] =	vst v54  }
0xc2: {  	v57 =	vperm.xlane v20, v9;
	[tilespmem:$0x160] =	vst v55  }
0xc3: {  	v58 =	vperm.xlane v20, v10;
	[tilespmem:$0x170] =	vst v56  }
0xc4: {  	v59 =	vperm.xlane v20, v11;
	[tilespmem:$0x180] =	vst v57  }
0xc5: {  	v60 =	vperm.xlane v20, v12;
	[tilespmem:$0x190] =	vst v58;
	s28 =	spop (v2sf)  }
0xc6: {  	v61 =	vperm.xlane v20, v13;
	[tilespmem:$0x1A0] =	vst v59;
	p2 =	seq.s32 s28, $0x0  }
.Ltmp2:
0xc7: {  	v62 =	vperm.xlane v20, v14;
	[tilespmem:$0x1B0] =	vst v60;
	(pc) =	sbr.rel @p2 .LBB2_3-.Ltmp2, $4  }
0xc8: {  	v63 =	vperm.xlane v20, v15;
	[tilespmem:$0x1C0] =	vst v61  }
0xc9: {  	v20 =	vperm.xlane v20, v16;
	[tilespmem:$0x1D0] =	vst v62  }
0xca: {  	[tilespmem:$0x1E0] =	vst v63  }
0xcb: {  	[tilespmem:$0x1F0] =	vst v20  }
0xcc: {  	v20 =	vld.msk [tilespmem:$0x100], $0x1;
	_ =	sdelay $0x4  }
0xcd: {  	v21 =	vshll.u32 v20, $0x4  }
0xce: {  	v20 =	vand.u32 $0x7, v20;
	v21 =	vand.u32 $0xFFFFFF80, v21  }
0xcf: {  	v20 =	vor.u32 v20, v21  }
0xd0: {  	v20 =	vperm.xlane v20, v1;
	_ =	sdelay $0x1  }
0xd1: {  	v20 =	vadd.s32 v18, v20  }
.Ltmp3:
0xd2: {  	_ = 	snop;
	(pc) =	sbr.rel .LBB2_6-.Ltmp3, $3  }
0xd3: {  	_ =	sdelay $0x1  }
0xd4: {  	s28 =	simm.s32 $0x200  }
0xd5: {  	[tilespmem:s28], [sflag:$0x3] =	stream.indirect_vreg.gather [hbm4b:s1+s3], $0x80, v20, vm0, $0xb8;
	[tilespmem:$0x8200] =	vst v63  }
.LBB2_3:
0xd6: {  	s28 =	sshra.s32 s3, $0x2;
	s29 =	sadd.s32 $0x200, s3  }
.LBB2_4:
0xd7: {  	p0 =	sne.s32 s29, $0x1E00;
	[tilespmem:s28+$0x270] =	vst v17  }
0xd8: {  	[tilespmem:s28+$0x200] =	vst v17  }
0xd9: {  	[tilespmem:s28+$0x210] =	vst v17  }
.Ltmp4:
0xda: {  	[tilespmem:s28+$0x220] =	vst v17;
	(pc) =	sbr.rel @p0 .LBB2_4-.Ltmp4, $4  }
0xdb: {  	[tilespmem:s28+$0x230] =	vst v17  }
0xdc: {  	[tilespmem:s28+$0x240] =	vst v17  }
0xdd: {  	[tilespmem:s28+$0x250] =	vst v17  }
0xde: {  	[tilespmem:s28+$0x260] =	vst v17;
	s28 =	sshra.s32 s29, $0x2;
	s29 =	sadd.s32 $0x200, s29  }
0xdf: {  	[tilespmem:s28+$0x270] =	vst v17  }
0xe0: {  	[tilespmem:s28+$0x200] =	vst v17  }
0xe1: {  	[tilespmem:s28+$0x210] =	vst v17  }
0xe2: {  	[tilespmem:s28+$0x220] =	vst v17  }
0xe3: {  	[tilespmem:s28+$0x230] =	vst v17  }
0xe4: {  	[tilespmem:s28+$0x240] =	vst v17  }
0xe5: {  	[tilespmem:s28+$0x250] =	vst v17  }
0xe6: {  	[tilespmem:s28+$0x260] =	vst v17  }
.LBB2_6:
0xe7: {  	(v2sf) =	vpush v19, $0x1;
	_ =	sdelay $0xe  }
0xe8: {  	s28 =	spop (v2sf)  }
0xe9: {  	p0 =	seq.s32 s28, $0x0  }
.Ltmp5:
0xea: {  	_ = 	snop;
	(pc) =	sbr.rel @p0 .LBB2_8-.Ltmp5, $4  }
0xeb: {  	_ = 	snop  }
0xec: {  	s28 =	simm.s32 @!p0 $0x0  }
0xed: {  	s28 =	simm.s32 @p0 $0x1  }
0xee: {  	[smem:$0x7FD] =	sst s28  }
0xef: {  	v20 =	vld.msk [tilespmem:$0x110], $0x1;
	_ =	sdelay $0x4  }
0xf0: {  	v21 =	vshll.u32 v20, $0x4  }
0xf1: {  	v20 =	vand.u32 $0x7, v20;
	v21 =	vand.u32 $0xFFFFFF80, v21  }
0xf2: {  	v20 =	vor.u32 v20, v21  }
0xf3: {  	v20 =	vperm.xlane v20, v1;
	_ =	sdelay $0x1  }
0xf4: {  	v20 =	vadd.s32 v18, v20  }
.Ltmp6:
0xf5: {  	_ = 	snop;
	(pc) =	sbr.rel .LBB2_11-.Ltmp6, $3  }
0xf6: {  	_ =	sdelay $0x1  }
0xf7: {  	s28 =	simm.s32 $0xA00  }
0xf8: {  	[tilespmem:s28], [sflag:$0x3] =	stream.indirect_vreg.gather [hbm4b:s1+s3], $0x80, v20, vm0, $0xb8;
	[tilespmem:$0x8200] =	vst v63  }
.LBB2_8:
0xf9: {  	s28 =	simm.s32 $0x0;
	s29 =	simm.s32 $0x200  }
.LBB2_9:
0xfa: {  	p0 =	sne.s32 s29, $0x1E00;
	[tilespmem:s28+$0xA70] =	vst v17  }
0xfb: {  	[tilespmem:s28+$0xA00] =	vst v17  }
0xfc: {  	[tilespmem:s28+$0xA10] =	vst v17  }
.Ltmp7:
0xfd: {  	[tilespmem:s28+$0xA20] =	vst v17;
	(pc) =	sbr.rel @p0 .LBB2_9-.Ltmp7, $4  }
0xfe: {  	[tilespmem:s28+$0xA30] =	vst v17  }
0xff: {  	[tilespmem:s28+$0xA40] =	vst v17  }
0x100: {  	[tilespmem:s28+$0xA50] =	vst v17  }
0x101: {  	[tilespmem:s28+$0xA60] =	vst v17;
	s28 =	sshra.s32 s29, $0x2;
	s29 =	sadd.s32 $0x200, s29  }
0x102: {  	[tilespmem:s28+$0xA70] =	vst v17  }
0x103: {  	[tilespmem:s28+$0xA00] =	vst v17  }
0x104: {  	[tilespmem:s28+$0xA10] =	vst v17  }
0x105: {  	[tilespmem:s28+$0xA20] =	vst v17  }
0x106: {  	[tilespmem:s28+$0xA30] =	vst v17  }
0x107: {  	[tilespmem:s28+$0xA40] =	vst v17  }
0x108: {  	[tilespmem:s28+$0xA50] =	vst v17  }
0x109: {  	[tilespmem:s28+$0xA60] =	vst v17  }
.LBB2_11:
0x10a: {  	(v2sf) =	vpush v19, $0x2;
	_ =	sdelay $0xe  }
0x10b: {  	s28 =	spop (v2sf)  }
0x10c: {  	p0 =	seq.s32 s28, $0x0  }
.Ltmp8:
0x10d: {  	_ = 	snop;
	(pc) =	sbr.rel @p0 .LBB2_13-.Ltmp8, $4  }
0x10e: {  	_ = 	snop  }
0x10f: {  	s28 =	simm.s32 @!p0 $0x0  }
0x110: {  	s28 =	simm.s32 @p0 $0x1  }
0x111: {  	[smem:$0x7FC] =	sst s28  }
0x112: {  	v20 =	vld.msk [tilespmem:$0x120], $0x1;
	_ =	sdelay $0x4  }
0x113: {  	v21 =	vshll.u32 v20, $0x4  }
0x114: {  	v20 =	vand.u32 $0x7, v20;
	v21 =	vand.u32 $0xFFFFFF80, v21  }
0x115: {  	v20 =	vor.u32 v20, v21  }
0x116: {  	v20 =	vperm.xlane v20, v1;
	_ =	sdelay $0x1  }
0x117: {  	v20 =	vadd.s32 v18, v20  }
.Ltmp9:
0x118: {  	_ = 	snop;
	(pc) =	sbr.rel .LBB2_16-.Ltmp9, $3  }
0x119: {  	_ =	sdelay $0x1  }
0x11a: {  	s28 =	simm.s32 $0x1200  }
0x11b: {  	[tilespmem:s28], [sflag:$0x3] =	stream.indirect_vreg.gather [hbm4b:s1+s3], $0x80, v20, vm0, $0xb8;
	[tilespmem:$0x8200] =	vst v63  }
.LBB2_13:
0x11c: {  	s28 =	simm.s32 $0x0;
	s29 =	simm.s32 $0x200  }
.LBB2_14:
0x11d: {  	p0 =	sne.s32 s29, $0x1E00;
	[tilespmem:s28+$0x1270] =	vst v17  }
0x11e: {  	[tilespmem:s28+$0x1200] =	vst v17  }
0x11f: {  	[tilespmem:s28+$0x1210] =	vst v17  }
.Ltmp10:
0x120: {  	[tilespmem:s28+$0x1220] =	vst v17;
	(pc) =	sbr.rel @p0 .LBB2_14-.Ltmp10, $4  }
0x121: {  	[tilespmem:s28+$0x1230] =	vst v17  }
0x122: {  	[tilespmem:s28+$0x1240] =	vst v17  }
0x123: {  	[tilespmem:s28+$0x1250] =	vst v17  }
0x124: {  	[tilespmem:s28+$0x1260] =	vst v17;
	s28 =	sshra.s32 s29, $0x2;
	s29 =	sadd.s32 $0x200, s29  }
0x125: {  	[tilespmem:s28+$0x1270] =	vst v17  }
0x126: {  	[tilespmem:s28+$0x1200] =	vst v17  }
0x127: {  	[tilespmem:s28+$0x1210] =	vst v17  }
0x128: {  	[tilespmem:s28+$0x1220] =	vst v17  }
0x129: {  	[tilespmem:s28+$0x1230] =	vst v17  }
0x12a: {  	[tilespmem:s28+$0x1240] =	vst v17  }
0x12b: {  	[tilespmem:s28+$0x1250] =	vst v17  }
0x12c: {  	[tilespmem:s28+$0x1260] =	vst v17  }
.LBB2_16:
0x12d: {  	(v2sf) =	vpush v19, $0x3;
	_ =	sdelay $0xe  }
0x12e: {  	s28 =	spop (v2sf)  }
0x12f: {  	p0 =	seq.s32 s28, $0x0  }
.Ltmp11:
0x130: {  	_ = 	snop;
	(pc) =	sbr.rel @p0 .LBB2_18-.Ltmp11, $4  }
0x131: {  	_ = 	snop  }
0x132: {  	s28 =	simm.s32 @!p0 $0x0  }
0x133: {  	s28 =	simm.s32 @p0 $0x1  }
0x134: {  	[smem:$0x7FB] =	sst s28  }
0x135: {  	v20 =	vld.msk [tilespmem:$0x130], $0x1;
	_ =	sdelay $0x4  }
0x136: {  	v21 =	vshll.u32 v20, $0x4  }
0x137: {  	v20 =	vand.u32 $0x7, v20;
	v21 =	vand.u32 $0xFFFFFF80, v21  }
0x138: {  	v20 =	vor.u32 v20, v21  }
0x139: {  	v20 =	vperm.xlane v20, v1;
	_ =	sdelay $0x1  }
0x13a: {  	v20 =	vadd.s32 v18, v20  }
.Ltmp12:
0x13b: {  	_ = 	snop;
	(pc) =	sbr.rel .LBB2_21-.Ltmp12, $3  }
0x13c: {  	_ =	sdelay $0x1  }
0x13d: {  	s28 =	simm.s32 $0x1A00  }
0x13e: {  	[tilespmem:s28], [sflag:$0x3] =	stream.indirect_vreg.gather [hbm4b:s1+s3], $0x80, v20, vm0, $0xb8;
	[tilespmem:$0x8200] =	vst v63  }
.LBB2_18:
0x13f: {  	s28 =	simm.s32 $0x0;
	s29 =	simm.s32 $0x200  }
.LBB2_19:
0x140: {  	p0 =	sne.s32 s29, $0x1E00;
	[tilespmem:s28+$0x1A70] =	vst v17  }
0x141: {  	[tilespmem:s28+$0x1A00] =	vst v17  }
0x142: {  	[tilespmem:s28+$0x1A10] =	vst v17  }
.Ltmp13:
0x143: {  	[tilespmem:s28+$0x1A20] =	vst v17;
	(pc) =	sbr.rel @p0 .LBB2_19-.Ltmp13, $4  }
0x144: {  	[tilespmem:s28+$0x1A30] =	vst v17  }
0x145: {  	[tilespmem:s28+$0x1A40] =	vst v17  }
0x146: {  	[tilespmem:s28+$0x1A50] =	vst v17  }
0x147: {  	[tilespmem:s28+$0x1A60] =	vst v17;
	s28 =	sshra.s32 s29, $0x2;
	s29 =	sadd.s32 $0x200, s29  }
0x148: {  	[tilespmem:s28+$0x1A70] =	vst v17  }
0x149: {  	[tilespmem:s28+$0x1A00] =	vst v17  }
0x14a: {  	[tilespmem:s28+$0x1A10] =	vst v17  }
0x14b: {  	[tilespmem:s28+$0x1A20] =	vst v17  }
0x14c: {  	[tilespmem:s28+$0x1A30] =	vst v17  }
0x14d: {  	[tilespmem:s28+$0x1A40] =	vst v17  }
0x14e: {  	[tilespmem:s28+$0x1A50] =	vst v17  }
0x14f: {  	[tilespmem:s28+$0x1A60] =	vst v17  }
.LBB2_21:
0x150: {  	(v2sf) =	vpush v19, $0x4;
	_ =	sdelay $0xe  }
0x151: {  	s28 =	spop (v2sf)  }
0x152: {  	p0 =	seq.s32 s28, $0x0  }
.Ltmp14:
0x153: {  	_ = 	snop;
	(pc) =	sbr.rel @p0 .LBB2_23-.Ltmp14, $4  }
0x154: {  	_ = 	snop  }
0x155: {  	s28 =	simm.s32 @!p0 $0x0  }
0x156: {  	s28 =	simm.s32 @p0 $0x1  }
0x157: {  	[smem:$0x7FA] =	sst s28  }
0x158: {  	v20 =	vld.msk [tilespmem:$0x140], $0x1;
	_ =	sdelay $0x4  }
0x159: {  	v21 =	vshll.u32 v20, $0x4  }
0x15a: {  	v20 =	vand.u32 $0x7, v20;
	v21 =	vand.u32 $0xFFFFFF80, v21  }
0x15b: {  	v20 =	vor.u32 v20, v21  }
0x15c: {  	v20 =	vperm.xlane v20, v1;
	_ =	sdelay $0x1  }
0x15d: {  	v20 =	vadd.s32 v18, v20  }
.Ltmp15:
0x15e: {  	_ = 	snop;
	(pc) =	sbr.rel .LBB2_26-.Ltmp15, $3  }
0x15f: {  	_ =	sdelay $0x1  }
0x160: {  	s28 =	simm.s32 $0x2200  }
0x161: {  	[tilespmem:s28], [sflag:$0x3] =	stream.indirect_vreg.gather [hbm4b:s1+s3], $0x80, v20, vm0, $0xb8;
	[tilespmem:$0x8200] =	vst v63  }
.LBB2_23:
0x162: {  	s28 =	simm.s32 $0x0;
	s29 =	simm.s32 $0x200  }
.LBB2_24:
0x163: {  	p0 =	sne.s32 s29, $0x1E00;
	[tilespmem:s28+$0x2270] =	vst v17  }
0x164: {  	[tilespmem:s28+$0x2200] =	vst v17  }
0x165: {  	[tilespmem:s28+$0x2210] =	vst v17  }
.Ltmp16:
0x166: {  	[tilespmem:s28+$0x2220] =	vst v17;
	(pc) =	sbr.rel @p0 .LBB2_24-.Ltmp16, $4  }
0x167: {  	[tilespmem:s28+$0x2230] =	vst v17  }
0x168: {  	[tilespmem:s28+$0x2240] =	vst v17  }
0x169: {  	[tilespmem:s28+$0x2250] =	vst v17  }
0x16a: {  	[tilespmem:s28+$0x2260] =	vst v17;
	s28 =	sshra.s32 s29, $0x2;
	s29 =	sadd.s32 $0x200, s29  }
0x16b: {  	[tilespmem:s28+$0x2270] =	vst v17  }
0x16c: {  	[tilespmem:s28+$0x2200] =	vst v17  }
0x16d: {  	[tilespmem:s28+$0x2210] =	vst v17  }
0x16e: {  	[tilespmem:s28+$0x2220] =	vst v17  }
0x16f: {  	[tilespmem:s28+$0x2230] =	vst v17  }
0x170: {  	[tilespmem:s28+$0x2240] =	vst v17  }
0x171: {  	[tilespmem:s28+$0x2250] =	vst v17  }
0x172: {  	[tilespmem:s28+$0x2260] =	vst v17  }
.LBB2_26:
0x173: {  	(v2sf) =	vpush v19, $0x5;
	_ =	sdelay $0xe  }
0x174: {  	s28 =	spop (v2sf)  }
0x175: {  	p0 =	seq.s32 s28, $0x0  }
.Ltmp17:
0x176: {  	_ = 	snop;
	(pc) =	sbr.rel @p0 .LBB2_28-.Ltmp17, $4  }
0x177: {  	_ = 	snop  }
0x178: {  	s28 =	simm.s32 @!p0 $0x0  }
0x179: {  	s28 =	simm.s32 @p0 $0x1  }
0x17a: {  	[smem:$0x7F9] =	sst s28  }
0x17b: {  	v20 =	vld.msk [tilespmem:$0x150], $0x1;
	_ =	sdelay $0x4  }
0x17c: {  	v21 =	vshll.u32 v20, $0x4  }
0x17d: {  	v20 =	vand.u32 $0x7, v20;
	v21 =	vand.u32 $0xFFFFFF80, v21  }
0x17e: {  	v20 =	vor.u32 v20, v21  }
0x17f: {  	v20 =	vperm.xlane v20, v1;
	_ =	sdelay $0x1  }
0x180: {  	v20 =	vadd.s32 v18, v20  }
.Ltmp18:
0x181: {  	_ = 	snop;
	(pc) =	sbr.rel .LBB2_31-.Ltmp18, $3  }
0x182: {  	_ =	sdelay $0x1  }
0x183: {  	s28 =	simm.s32 $0x2A00  }
0x184: {  	[tilespmem:s28], [sflag:$0x3] =	stream.indirect_vreg.gather [hbm4b:s1+s3], $0x80, v20, vm0, $0xb8;
	[tilespmem:$0x8200] =	vst v63  }
.LBB2_28:
0x185: {  	s28 =	simm.s32 $0x0;
	s29 =	simm.s32 $0x200  }
.LBB2_29:
0x186: {  	p0 =	sne.s32 s29, $0x1E00;
	[tilespmem:s28+$0x2A70] =	vst v17  }
0x187: {  	[tilespmem:s28+$0x2A00] =	vst v17  }
0x188: {  	[tilespmem:s28+$0x2A10] =	vst v17  }
.Ltmp19:
0x189: {  	[tilespmem:s28+$0x2A20] =	vst v17;
	(pc) =	sbr.rel @p0 .LBB2_29-.Ltmp19, $4  }
0x18a: {  	[tilespmem:s28+$0x2A30] =	vst v17  }
0x18b: {  	[tilespmem:s28+$0x2A40] =	vst v17  }
0x18c: {  	[tilespmem:s28+$0x2A50] =	vst v17  }
0x18d: {  	[tilespmem:s28+$0x2A60] =	vst v17;
	s28 =	sshra.s32 s29, $0x2;
	s29 =	sadd.s32 $0x200, s29  }
0x18e: {  	[tilespmem:s28+$0x2A70] =	vst v17  }
0x18f: {  	[tilespmem:s28+$0x2A00] =	vst v17  }
0x190: {  	[tilespmem:s28+$0x2A10] =	vst v17  }
0x191: {  	[tilespmem:s28+$0x2A20] =	vst v17  }
0x192: {  	[tilespmem:s28+$0x2A30] =	vst v17  }
0x193: {  	[tilespmem:s28+$0x2A40] =	vst v17  }
0x194: {  	[tilespmem:s28+$0x2A50] =	vst v17  }
0x195: {  	[tilespmem:s28+$0x2A60] =	vst v17  }
.LBB2_31:
0x196: {  	(v2sf) =	vpush v19, $0x6;
	_ =	sdelay $0xe  }
0x197: {  	s28 =	spop (v2sf)  }
0x198: {  	p0 =	seq.s32 s28, $0x0  }
.Ltmp20:
0x199: {  	_ = 	snop;
	(pc) =	sbr.rel @p0 .LBB2_33-.Ltmp20, $4  }
0x19a: {  	_ = 	snop  }
0x19b: {  	s28 =	simm.s32 @!p0 $0x0  }
0x19c: {  	s28 =	simm.s32 @p0 $0x1  }
0x19d: {  	[smem:$0x7F8] =	sst s28  }
0x19e: {  	v20 =	vld.msk [tilespmem:$0x160], $0x1;
	_ =	sdelay $0x4  }
0x19f: {  	v21 =	vshll.u32 v20, $0x4  }
0x1a0: {  	v20 =	vand.u32 $0x7, v20;
	v21 =	vand.u32 $0xFFFFFF80, v21  }
0x1a1: {  	v20 =	vor.u32 v20, v21  }
0x1a2: {  	v20 =	vperm.xlane v20, v1;
	_ =	sdelay $0x1  }
0x1a3: {  	v20 =	vadd.s32 v18, v20  }
.Ltmp21:
0x1a4: {  	_ = 	snop;
	(pc) =	sbr.rel .LBB2_36-.Ltmp21, $3  }
0x1a5: {  	_ =	sdelay $0x1  }
0x1a6: {  	s28 =	simm.s32 $0x3200  }
0x1a7: {  	[tilespmem:s28], [sflag:$0x3] =	stream.indirect_vreg.gather [hbm4b:s1+s3], $0x80, v20, vm0, $0xb8;
	[tilespmem:$0x8200] =	vst v63  }
.LBB2_33:
0x1a8: {  	s28 =	simm.s32 $0x0;
	s29 =	simm.s32 $0x200  }
.LBB2_34:
0x1a9: {  	p0 =	sne.s32 s29, $0x1E00;
	[tilespmem:s28+$0x3270] =	vst v17  }
0x1aa: {  	[tilespmem:s28+$0x3200] =	vst v17  }
0x1ab: {  	[tilespmem:s28+$0x3210] =	vst v17  }
.Ltmp22:
0x1ac: {  	[tilespmem:s28+$0x3220] =	vst v17;
	(pc) =	sbr.rel @p0 .LBB2_34-.Ltmp22, $4  }
0x1ad: {  	[tilespmem:s28+$0x3230] =	vst v17  }
0x1ae: {  	[tilespmem:s28+$0x3240] =	vst v17  }
0x1af: {  	[tilespmem:s28+$0x3250] =	vst v17  }
0x1b0: {  	[tilespmem:s28+$0x3260] =	vst v17;
	s28 =	sshra.s32 s29, $0x2;
	s29 =	sadd.s32 $0x200, s29  }
0x1b1: {  	[tilespmem:s28+$0x3270] =	vst v17  }
0x1b2: {  	[tilespmem:s28+$0x3200] =	vst v17  }
0x1b3: {  	[tilespmem:s28+$0x3210] =	vst v17  }
0x1b4: {  	[tilespmem:s28+$0x3220] =	vst v17  }
0x1b5: {  	[tilespmem:s28+$0x3230] =	vst v17  }
0x1b6: {  	[tilespmem:s28+$0x3240] =	vst v17  }
0x1b7: {  	[tilespmem:s28+$0x3250] =	vst v17  }
0x1b8: {  	[tilespmem:s28+$0x3260] =	vst v17  }
.LBB2_36:
0x1b9: {  	(v2sf) =	vpush v19, $0x7;
	_ =	sdelay $0xe  }
0x1ba: {  	s28 =	spop (v2sf)  }
0x1bb: {  	p0 =	seq.s32 s28, $0x0  }
.Ltmp23:
0x1bc: {  	_ = 	snop;
	(pc) =	sbr.rel @p0 .LBB2_38-.Ltmp23, $4  }
0x1bd: {  	_ = 	snop  }
0x1be: {  	s28 =	simm.s32 @!p0 $0x0  }
0x1bf: {  	s28 =	simm.s32 @p0 $0x1  }
0x1c0: {  	[smem:$0x7F7] =	sst s28  }
0x1c1: {  	v20 =	vld.msk [tilespmem:$0x170], $0x1;
	_ =	sdelay $0x4  }
0x1c2: {  	v21 =	vshll.u32 v20, $0x4  }
0x1c3: {  	v20 =	vand.u32 $0x7, v20;
	v21 =	vand.u32 $0xFFFFFF80, v21  }
0x1c4: {  	v20 =	vor.u32 v20, v21  }
0x1c5: {  	v20 =	vperm.xlane v20, v1;
	_ =	sdelay $0x1  }
0x1c6: {  	v20 =	vadd.s32 v18, v20  }
.Ltmp24:
0x1c7: {  	_ = 	snop;
	(pc) =	sbr.rel .LBB2_41-.Ltmp24, $3  }
0x1c8: {  	_ =	sdelay $0x1  }
0x1c9: {  	s28 =	simm.s32 $0x3A00  }
0x1ca: {  	[tilespmem:s28], [sflag:$0x3] =	stream.indirect_vreg.gather [hbm4b:s1+s3], $0x80, v20, vm0, $0xb8;
	[tilespmem:$0x8200] =	vst v63  }
.LBB2_38:
0x1cb: {  	s28 =	simm.s32 $0x0;
	s29 =	simm.s32 $0x200  }
.LBB2_39:
0x1cc: {  	p0 =	sne.s32 s29, $0x1E00;
	[tilespmem:s28+$0x3A70] =	vst v17  }
0x1cd: {  	[tilespmem:s28+$0x3A00] =	vst v17  }
0x1ce: {  	[tilespmem:s28+$0x3A10] =	vst v17  }
.Ltmp25:
0x1cf: {  	[tilespmem:s28+$0x3A20] =	vst v17;
	(pc) =	sbr.rel @p0 .LBB2_39-.Ltmp25, $4  }
0x1d0: {  	[tilespmem:s28+$0x3A30] =	vst v17  }
0x1d1: {  	[tilespmem:s28+$0x3A40] =	vst v17  }
0x1d2: {  	[tilespmem:s28+$0x3A50] =	vst v17  }
0x1d3: {  	[tilespmem:s28+$0x3A60] =	vst v17;
	s28 =	sshra.s32 s29, $0x2;
	s29 =	sadd.s32 $0x200, s29  }
0x1d4: {  	[tilespmem:s28+$0x3A70] =	vst v17  }
0x1d5: {  	[tilespmem:s28+$0x3A00] =	vst v17  }
0x1d6: {  	[tilespmem:s28+$0x3A10] =	vst v17  }
0x1d7: {  	[tilespmem:s28+$0x3A20] =	vst v17  }
0x1d8: {  	[tilespmem:s28+$0x3A30] =	vst v17  }
0x1d9: {  	[tilespmem:s28+$0x3A40] =	vst v17  }
0x1da: {  	[tilespmem:s28+$0x3A50] =	vst v17  }
0x1db: {  	[tilespmem:s28+$0x3A60] =	vst v17  }
.LBB2_41:
0x1dc: {  	(v2sf) =	vpush v19, $0x8;
	_ =	sdelay $0xe  }
0x1dd: {  	s28 =	spop (v2sf)  }
0x1de: {  	p0 =	seq.s32 s28, $0x0  }
.Ltmp26:
0x1df: {  	_ = 	snop;
	(pc) =	sbr.rel @p0 .LBB2_43-.Ltmp26, $4  }
0x1e0: {  	_ = 	snop  }
0x1e1: {  	s28 =	simm.s32 @!p0 $0x0  }
0x1e2: {  	s28 =	simm.s32 @p0 $0x1  }
0x1e3: {  	[smem:$0x7F6] =	sst s28  }
0x1e4: {  	v20 =	vld.msk [tilespmem:$0x180], $0x1;
	_ =	sdelay $0x4  }
0x1e5: {  	v21 =	vshll.u32 v20, $0x4  }
0x1e6: {  	v20 =	vand.u32 $0x7, v20;
	v21 =	vand.u32 $0xFFFFFF80, v21  }
0x1e7: {  	v20 =	vor.u32 v20, v21  }
0x1e8: {  	v20 =	vperm.xlane v20, v1;
	_ =	sdelay $0x1  }
0x1e9: {  	v20 =	vadd.s32 v18, v20  }
.Ltmp27:
0x1ea: {  	_ = 	snop;
	(pc) =	sbr.rel .LBB2_46-.Ltmp27, $3  }
0x1eb: {  	_ =	sdelay $0x1  }
0x1ec: {  	s28 =	simm.s32 $0x4200  }
0x1ed: {  	[tilespmem:s28], [sflag:$0x4] =	stream.indirect_vreg.gather [hbm4b:s1+s3], $0x80, v20, vm0, $0xb8;
	[tilespmem:$0x8200] =	vst v63  }
.LBB2_43:
0x1ee: {  	s28 =	simm.s32 $0x0;
	s29 =	simm.s32 $0x200  }
.LBB2_44:
0x1ef: {  	p0 =	sne.s32 s29, $0x1E00;
	[tilespmem:s28+$0x4270] =	vst v17  }
0x1f0: {  	[tilespmem:s28+$0x4200] =	vst v17  }
0x1f1: {  	[tilespmem:s28+$0x4210] =	vst v17  }
.Ltmp28:
0x1f2: {  	[tilespmem:s28+$0x4220] =	vst v17;
	(pc) =	sbr.rel @p0 .LBB2_44-.Ltmp28, $4  }
0x1f3: {  	[tilespmem:s28+$0x4230] =	vst v17  }
0x1f4: {  	[tilespmem:s28+$0x4240] =	vst v17  }
0x1f5: {  	[tilespmem:s28+$0x4250] =	vst v17  }
0x1f6: {  	[tilespmem:s28+$0x4260] =	vst v17;
	s28 =	sshra.s32 s29, $0x2;
	s29 =	sadd.s32 $0x200, s29  }
0x1f7: {  	[tilespmem:s28+$0x4270] =	vst v17  }
0x1f8: {  	[tilespmem:s28+$0x4200] =	vst v17  }
0x1f9: {  	[tilespmem:s28+$0x4210] =	vst v17  }
0x1fa: {  	[tilespmem:s28+$0x4220] =	vst v17  }
0x1fb: {  	[tilespmem:s28+$0x4230] =	vst v17  }
0x1fc: {  	[tilespmem:s28+$0x4240] =	vst v17  }
0x1fd: {  	[tilespmem:s28+$0x4250] =	vst v17  }
0x1fe: {  	[tilespmem:s28+$0x4260] =	vst v17  }
.LBB2_46:
0x1ff: {  	(v2sf) =	vpush v19, $0x9;
	_ =	sdelay $0xe  }
0x200: {  	s28 =	spop (v2sf)  }
0x201: {  	p0 =	seq.s32 s28, $0x0  }
.Ltmp29:
0x202: {  	_ = 	snop;
	(pc) =	sbr.rel @p0 .LBB2_48-.Ltmp29, $4  }
0x203: {  	_ = 	snop  }
0x204: {  	s28 =	simm.s32 @!p0 $0x0  }
0x205: {  	s28 =	simm.s32 @p0 $0x1  }
0x206: {  	[smem:$0x7F5] =	sst s28  }
0x207: {  	v20 =	vld.msk [tilespmem:$0x190], $0x1;
	_ =	sdelay $0x4  }
0x208: {  	v21 =	vshll.u32 v20, $0x4  }
0x209: {  	v20 =	vand.u32 $0x7, v20;
	v21 =	vand.u32 $0xFFFFFF80, v21  }
0x20a: {  	v20 =	vor.u32 v20, v21  }
0x20b: {  	v20 =	vperm.xlane v20, v1;
	_ =	sdelay $0x1  }
0x20c: {  	v20 =	vadd.s32 v18, v20  }
.Ltmp30:
0x20d: {  	_ = 	snop;
	(pc) =	sbr.rel .LBB2_51-.Ltmp30, $3  }
0x20e: {  	_ =	sdelay $0x1  }
0x20f: {  	s28 =	simm.s32 $0x4A00  }
0x210: {  	[tilespmem:s28], [sflag:$0x4] =	stream.indirect_vreg.gather [hbm4b:s1+s3], $0x80, v20, vm0, $0xb8;
	[tilespmem:$0x8200] =	vst v63  }
.LBB2_48:
0x211: {  	s28 =	simm.s32 $0x0;
	s29 =	simm.s32 $0x200  }
.LBB2_49:
0x212: {  	p0 =	sne.s32 s29, $0x1E00;
	[tilespmem:s28+$0x4A70] =	vst v17  }
0x213: {  	[tilespmem:s28+$0x4A00] =	vst v17  }
0x214: {  	[tilespmem:s28+$0x4A10] =	vst v17  }
.Ltmp31:
0x215: {  	[tilespmem:s28+$0x4A20] =	vst v17;
	(pc) =	sbr.rel @p0 .LBB2_49-.Ltmp31, $4  }
0x216: {  	[tilespmem:s28+$0x4A30] =	vst v17  }
0x217: {  	[tilespmem:s28+$0x4A40] =	vst v17  }
0x218: {  	[tilespmem:s28+$0x4A50] =	vst v17  }
0x219: {  	[tilespmem:s28+$0x4A60] =	vst v17;
	s28 =	sshra.s32 s29, $0x2;
	s29 =	sadd.s32 $0x200, s29  }
0x21a: {  	[tilespmem:s28+$0x4A70] =	vst v17  }
0x21b: {  	[tilespmem:s28+$0x4A00] =	vst v17  }
0x21c: {  	[tilespmem:s28+$0x4A10] =	vst v17  }
0x21d: {  	[tilespmem:s28+$0x4A20] =	vst v17  }
0x21e: {  	[tilespmem:s28+$0x4A30] =	vst v17  }
0x21f: {  	[tilespmem:s28+$0x4A40] =	vst v17  }
0x220: {  	[tilespmem:s28+$0x4A50] =	vst v17  }
0x221: {  	[tilespmem:s28+$0x4A60] =	vst v17  }
.LBB2_51:
0x222: {  	(v2sf) =	vpush v19, $0xA;
	_ =	sdelay $0xe  }
0x223: {  	s28 =	spop (v2sf)  }
0x224: {  	p3 =	seq.s32 s28, $0x0  }
.Ltmp32:
0x225: {  	_ = 	snop;
	(pc) =	sbr.rel @p3 .LBB2_53-.Ltmp32, $1  }
0x226: {  	_ =	sdelay $0x3  }
0x227: {  	v20 =	vld.msk [tilespmem:$0x1A0], $0x1;
	_ =	sdelay $0x4  }
0x228: {  	v21 =	vshll.u32 v20, $0x4  }
0x229: {  	v20 =	vand.u32 $0x7, v20;
	v21 =	vand.u32 $0xFFFFFF80, v21  }
0x22a: {  	v20 =	vor.u32 v20, v21  }
0x22b: {  	v20 =	vperm.xlane v20, v1;
	_ =	sdelay $0x1  }
0x22c: {  	v20 =	vadd.s32 v18, v20  }
.Ltmp33:
0x22d: {  	_ = 	snop;
	(pc) =	sbr.rel .LBB2_56-.Ltmp33, $3  }
0x22e: {  	_ =	sdelay $0x1  }
0x22f: {  	s28 =	simm.s32 $0x5200  }
0x230: {  	[tilespmem:s28], [sflag:$0x4] =	stream.indirect_vreg.gather [hbm4b:s1+s3], $0x80, v20, vm0, $0xb8;
	[tilespmem:$0x8200] =	vst v63  }
.LBB2_53:
0x231: {  	s28 =	simm.s32 $0x0;
	s29 =	simm.s32 $0x200  }
.LBB2_54:
0x232: {  	p0 =	sne.s32 s29, $0x1E00;
	[tilespmem:s28+$0x5270] =	vst v17  }
0x233: {  	[tilespmem:s28+$0x5200] =	vst v17  }
0x234: {  	[tilespmem:s28+$0x5210] =	vst v17  }
.Ltmp34:
0x235: {  	[tilespmem:s28+$0x5220] =	vst v17;
	(pc) =	sbr.rel @p0 .LBB2_54-.Ltmp34, $4  }
0x236: {  	[tilespmem:s28+$0x5230] =	vst v17  }
0x237: {  	[tilespmem:s28+$0x5240] =	vst v17  }
0x238: {  	[tilespmem:s28+$0x5250] =	vst v17  }
0x239: {  	[tilespmem:s28+$0x5260] =	vst v17;
	s28 =	sshra.s32 s29, $0x2;
	s29 =	sadd.s32 $0x200, s29  }
0x23a: {  	[tilespmem:s28+$0x5270] =	vst v17  }
0x23b: {  	[tilespmem:s28+$0x5200] =	vst v17  }
0x23c: {  	[tilespmem:s28+$0x5210] =	vst v17  }
0x23d: {  	[tilespmem:s28+$0x5220] =	vst v17  }
0x23e: {  	[tilespmem:s28+$0x5230] =	vst v17  }
0x23f: {  	[tilespmem:s28+$0x5240] =	vst v17  }
0x240: {  	[tilespmem:s28+$0x5250] =	vst v17  }
0x241: {  	[tilespmem:s28+$0x5260] =	vst v17  }
.LBB2_56:
0x242: {  	(v2sf) =	vpush v19, $0xB;
	_ =	sdelay $0xe  }
0x243: {  	s28 =	spop (v2sf)  }
0x244: {  	p4 =	seq.s32 s28, $0x0  }
.Ltmp35:
0x245: {  	_ = 	snop;
	(pc) =	sbr.rel @p4 .LBB2_58-.Ltmp35, $1  }
0x246: {  	_ =	sdelay $0x3  }
0x247: {  	v20 =	vld.msk [tilespmem:$0x1B0], $0x1;
	_ =	sdelay $0x4  }
0x248: {  	v21 =	vshll.u32 v20, $0x4  }
0x249: {  	v20 =	vand.u32 $0x7, v20;
	v21 =	vand.u32 $0xFFFFFF80, v21  }
0x24a: {  	v20 =	vor.u32 v20, v21  }
0x24b: {  	v20 =	vperm.xlane v20, v1;
	_ =	sdelay $0x1  }
0x24c: {  	v20 =	vadd.s32 v18, v20  }
.Ltmp36:
0x24d: {  	_ = 	snop;
	(pc) =	sbr.rel .LBB2_61-.Ltmp36, $3  }
0x24e: {  	_ =	sdelay $0x1  }
0x24f: {  	s28 =	simm.s32 $0x5A00  }
0x250: {  	[tilespmem:s28], [sflag:$0x4] =	stream.indirect_vreg.gather [hbm4b:s1+s3], $0x80, v20, vm0, $0xb8;
	[tilespmem:$0x8200] =	vst v63  }
.LBB2_58:
0x251: {  	s28 =	simm.s32 $0x0;
	s29 =	simm.s32 $0x200  }
.LBB2_59:
0x252: {  	p0 =	sne.s32 s29, $0x1E00;
	[tilespmem:s28+$0x5A70] =	vst v17  }
0x253: {  	[tilespmem:s28+$0x5A00] =	vst v17  }
0x254: {  	[tilespmem:s28+$0x5A10] =	vst v17  }
.Ltmp37:
0x255: {  	[tilespmem:s28+$0x5A20] =	vst v17;
	(pc) =	sbr.rel @p0 .LBB2_59-.Ltmp37, $4  }
0x256: {  	[tilespmem:s28+$0x5A30] =	vst v17  }
0x257: {  	[tilespmem:s28+$0x5A40] =	vst v17  }
0x258: {  	[tilespmem:s28+$0x5A50] =	vst v17  }
0x259: {  	[tilespmem:s28+$0x5A60] =	vst v17;
	s28 =	sshra.s32 s29, $0x2;
	s29 =	sadd.s32 $0x200, s29  }
0x25a: {  	[tilespmem:s28+$0x5A70] =	vst v17  }
0x25b: {  	[tilespmem:s28+$0x5A00] =	vst v17  }
0x25c: {  	[tilespmem:s28+$0x5A10] =	vst v17  }
0x25d: {  	[tilespmem:s28+$0x5A20] =	vst v17  }
0x25e: {  	[tilespmem:s28+$0x5A30] =	vst v17  }
0x25f: {  	[tilespmem:s28+$0x5A40] =	vst v17  }
0x260: {  	[tilespmem:s28+$0x5A50] =	vst v17  }
0x261: {  	[tilespmem:s28+$0x5A60] =	vst v17  }
.LBB2_61:
0x262: {  	(v2sf) =	vpush v19, $0xC;
	_ =	sdelay $0xe  }
0x263: {  	s28 =	spop (v2sf)  }
0x264: {  	p5 =	seq.s32 s28, $0x0  }
.Ltmp38:
0x265: {  	_ = 	snop;
	(pc) =	sbr.rel @p5 .LBB2_63-.Ltmp38, $1  }
0x266: {  	_ =	sdelay $0x3  }
0x267: {  	v20 =	vld.msk [tilespmem:$0x1C0], $0x1;
	_ =	sdelay $0x4  }
0x268: {  	v21 =	vshll.u32 v20, $0x4  }
0x269: {  	v20 =	vand.u32 $0x7, v20;
	v21 =	vand.u32 $0xFFFFFF80, v21  }
0x26a: {  	v20 =	vor.u32 v20, v21  }
0x26b: {  	v20 =	vperm.xlane v20, v1;
	_ =	sdelay $0x1  }
0x26c: {  	v20 =	vadd.s32 v18, v20  }
.Ltmp39:
0x26d: {  	_ = 	snop;
	(pc) =	sbr.rel .LBB2_66-.Ltmp39, $3  }
0x26e: {  	_ =	sdelay $0x1  }
0x26f: {  	s28 =	simm.s32 $0x6200  }
0x270: {  	[tilespmem:s28], [sflag:$0x4] =	stream.indirect_vreg.gather [hbm4b:s1+s3], $0x80, v20, vm0, $0xb8;
	[tilespmem:$0x8200] =	vst v63  }
.LBB2_63:
0x271: {  	s28 =	simm.s32 $0x0;
	s29 =	simm.s32 $0x200  }
.LBB2_64:
0x272: {  	p0 =	sne.s32 s29, $0x1E00;
	[tilespmem:s28+$0x6270] =	vst v17  }
0x273: {  	[tilespmem:s28+$0x6200] =	vst v17  }
0x274: {  	[tilespmem:s28+$0x6210] =	vst v17  }
.Ltmp40:
0x275: {  	[tilespmem:s28+$0x6220] =	vst v17;
	(pc) =	sbr.rel @p0 .LBB2_64-.Ltmp40, $4  }
0x276: {  	[tilespmem:s28+$0x6230] =	vst v17  }
0x277: {  	[tilespmem:s28+$0x6240] =	vst v17  }
0x278: {  	[tilespmem:s28+$0x6250] =	vst v17  }
0x279: {  	[tilespmem:s28+$0x6260] =	vst v17;
	s28 =	sshra.s32 s29, $0x2;
	s29 =	sadd.s32 $0x200, s29  }
0x27a: {  	[tilespmem:s28+$0x6270] =	vst v17  }
0x27b: {  	[tilespmem:s28+$0x6200] =	vst v17  }
0x27c: {  	[tilespmem:s28+$0x6210] =	vst v17  }
0x27d: {  	[tilespmem:s28+$0x6220] =	vst v17  }
0x27e: {  	[tilespmem:s28+$0x6230] =	vst v17  }
0x27f: {  	[tilespmem:s28+$0x6240] =	vst v17  }
0x280: {  	[tilespmem:s28+$0x6250] =	vst v17  }
0x281: {  	[tilespmem:s28+$0x6260] =	vst v17  }
.LBB2_66:
0x282: {  	(v2sf) =	vpush v19, $0xD;
	_ =	sdelay $0xe  }
0x283: {  	s28 =	spop (v2sf)  }
0x284: {  	p6 =	seq.s32 s28, $0x0  }
.Ltmp41:
0x285: {  	_ = 	snop;
	(pc) =	sbr.rel @p6 .LBB2_68-.Ltmp41, $1  }
0x286: {  	_ =	sdelay $0x3  }
0x287: {  	v20 =	vld.msk [tilespmem:$0x1D0], $0x1;
	_ =	sdelay $0x4  }
0x288: {  	v21 =	vshll.u32 v20, $0x4  }
0x289: {  	v20 =	vand.u32 $0x7, v20;
	v21 =	vand.u32 $0xFFFFFF80, v21  }
0x28a: {  	v20 =	vor.u32 v20, v21  }
0x28b: {  	v20 =	vperm.xlane v20, v1;
	_ =	sdelay $0x1  }
0x28c: {  	v20 =	vadd.s32 v18, v20  }
.Ltmp42:
0x28d: {  	_ = 	snop;
	(pc) =	sbr.rel .LBB2_71-.Ltmp42, $3  }
0x28e: {  	_ =	sdelay $0x1  }
0x28f: {  	s28 =	simm.s32 $0x6A00  }
0x290: {  	[tilespmem:s28], [sflag:$0x4] =	stream.indirect_vreg.gather [hbm4b:s1+s3], $0x80, v20, vm0, $0xb8;
	[tilespmem:$0x8200] =	vst v63  }
.LBB2_68:
0x291: {  	s28 =	simm.s32 $0x0;
	s29 =	simm.s32 $0x200  }
.LBB2_69:
0x292: {  	p0 =	sne.s32 s29, $0x1E00;
	[tilespmem:s28+$0x6A70] =	vst v17  }
0x293: {  	[tilespmem:s28+$0x6A00] =	vst v17  }
0x294: {  	[tilespmem:s28+$0x6A10] =	vst v17  }
.Ltmp43:
0x295: {  	[tilespmem:s28+$0x6A20] =	vst v17;
	(pc) =	sbr.rel @p0 .LBB2_69-.Ltmp43, $4  }
0x296: {  	[tilespmem:s28+$0x6A30] =	vst v17  }
0x297: {  	[tilespmem:s28+$0x6A40] =	vst v17  }
0x298: {  	[tilespmem:s28+$0x6A50] =	vst v17  }
0x299: {  	[tilespmem:s28+$0x6A60] =	vst v17;
	s28 =	sshra.s32 s29, $0x2;
	s29 =	sadd.s32 $0x200, s29  }
0x29a: {  	[tilespmem:s28+$0x6A70] =	vst v17  }
0x29b: {  	[tilespmem:s28+$0x6A00] =	vst v17  }
0x29c: {  	[tilespmem:s28+$0x6A10] =	vst v17  }
0x29d: {  	[tilespmem:s28+$0x6A20] =	vst v17  }
0x29e: {  	[tilespmem:s28+$0x6A30] =	vst v17  }
0x29f: {  	[tilespmem:s28+$0x6A40] =	vst v17  }
0x2a0: {  	[tilespmem:s28+$0x6A50] =	vst v17  }
0x2a1: {  	[tilespmem:s28+$0x6A60] =	vst v17  }
.LBB2_71:
0x2a2: {  	(v2sf) =	vpush v19, $0xE;
	_ =	sdelay $0xe  }
0x2a3: {  	s28 =	spop (v2sf)  }
0x2a4: {  	p0 =	seq.s32 s28, $0x0  }
.Ltmp44:
0x2a5: {  	_ = 	snop;
	(pc) =	sbr.rel @p0 .LBB2_73-.Ltmp44, $1  }
0x2a6: {  	_ =	sdelay $0x3  }
0x2a7: {  	v20 =	vld.msk [tilespmem:$0x1E0], $0x1;
	_ =	sdelay $0x4  }
0x2a8: {  	v21 =	vshll.u32 v20, $0x4  }
0x2a9: {  	v20 =	vand.u32 $0x7, v20;
	v21 =	vand.u32 $0xFFFFFF80, v21  }
0x2aa: {  	v20 =	vor.u32 v20, v21  }
0x2ab: {  	v20 =	vperm.xlane v20, v1;
	_ =	sdelay $0x1  }
0x2ac: {  	v20 =	vadd.s32 v18, v20  }
.Ltmp45:
0x2ad: {  	_ = 	snop;
	(pc) =	sbr.rel .LBB2_76-.Ltmp45, $2  }
0x2ae: {  	_ =	sdelay $0x2  }
0x2af: {  	[tilespmem:s30], [sflag:$0x4] =	stream.indirect_vreg.gather [hbm4b:s1+s3], $0x80, v20, vm0, $0xb8;
	[tilespmem:$0x8200] =	vst v63  }
.LBB2_73:
0x2b0: {  	s28 =	simm.s32 $0x0;
	s29 =	simm.s32 $0x200  }
.LBB2_74:
0x2b1: {  	p1 =	sne.s32 s29, $0x1E00;
	[tilespmem:s28+$0x7270] =	vst v17  }
0x2b2: {  	[tilespmem:s28+$0x7200] =	vst v17  }
0x2b3: {  	[tilespmem:s28+$0x7210] =	vst v17  }
.Ltmp46:
0x2b4: {  	[tilespmem:s28+$0x7220] =	vst v17;
	(pc) =	sbr.rel @p1 .LBB2_74-.Ltmp46, $4  }
0x2b5: {  	[tilespmem:s28+$0x7230] =	vst v17  }
0x2b6: {  	[tilespmem:s28+$0x7240] =	vst v17  }
0x2b7: {  	[tilespmem:s28+$0x7250] =	vst v17  }
0x2b8: {  	[tilespmem:s28+$0x7260] =	vst v17;
	s28 =	sshra.s32 s29, $0x2;
	s29 =	sadd.s32 $0x200, s29  }
0x2b9: {  	[tilespmem:s28+$0x7270] =	vst v17  }
0x2ba: {  	[tilespmem:s28+$0x7200] =	vst v17  }
0x2bb: {  	[tilespmem:s28+$0x7210] =	vst v17  }
0x2bc: {  	[tilespmem:s28+$0x7220] =	vst v17  }
0x2bd: {  	[tilespmem:s28+$0x7230] =	vst v17  }
0x2be: {  	[tilespmem:s28+$0x7240] =	vst v17  }
0x2bf: {  	[tilespmem:s28+$0x7250] =	vst v17  }
0x2c0: {  	[tilespmem:s28+$0x7260] =	vst v17  }
.LBB2_76:
0x2c1: {  	(v2sf) =	vpush v19, $0xF;
	_ =	sdelay $0xe  }
0x2c2: {  	s28 =	spop (v2sf)  }
0x2c3: {  	p1 =	seq.s32 s28, $0x0  }
.Ltmp47:
0x2c4: {  	_ = 	snop;
	(pc) =	sbr.rel @!p1 .LBB2_82-.Ltmp47, $1  }
0x2c5: {  	_ =	sdelay $0x3  }
0x2c6: {  	s28 =	simm.s32 @!p2 $0x0  }
0x2c7: {  	s28 =	simm.s32 @p2 $0x1  }
0x2c8: {  	s29 =	simm.s32 $0x200;
	[smem:$0x7F4] =	sst s28;
	s28 =	simm.s32 $0x0  }
.LBB2_78:
0x2c9: {  	p2 =	sne.s32 s29, $0x1E00;
	[tilespmem:s28+$0x7A70] =	vst v17  }
0x2ca: {  	[tilespmem:s28+$0x7A00] =	vst v17  }
0x2cb: {  	[tilespmem:s28+$0x7A10] =	vst v17  }
.Ltmp48:
0x2cc: {  	[tilespmem:s28+$0x7A20] =	vst v17;
	(pc) =	sbr.rel @p2 .LBB2_78-.Ltmp48, $4  }
0x2cd: {  	[tilespmem:s28+$0x7A30] =	vst v17  }
0x2ce: {  	[tilespmem:s28+$0x7A40] =	vst v17  }
0x2cf: {  	[tilespmem:s28+$0x7A50] =	vst v17  }
0x2d0: {  	[tilespmem:s28+$0x7A60] =	vst v17;
	s28 =	sshra.s32 s29, $0x2;
	s29 =	sadd.s32 $0x200, s29  }
0x2d1: {  	[tilespmem:s28+$0x7A70] =	vst v17  }
0x2d2: {  	[tilespmem:s28+$0x7A00] =	vst v17  }
0x2d3: {  	[tilespmem:s28+$0x7A10] =	vst v17  }
.Ltmp49:
0x2d4: {  	[tilespmem:s28+$0x7A20] =	vst v17;
	(pc) =	sbr.rel .LBB2_80-.Ltmp49, $4  }
0x2d5: {  	[tilespmem:s28+$0x7A30] =	vst v17;
	s29 =	sld [smem:$0x7F4]  }
0x2d6: {  	[tilespmem:s28+$0x7A40] =	vst v17  }
0x2d7: {  	[tilespmem:s28+$0x7A50] =	vst v17  }
0x2d8: {  	[tilespmem:s28+$0x7A60] =	vst v17;
	p2 =	seq.s32 s29, $0x1  }
.LBB2_81:
0x2d9: {  	_ =	sfence.sel $0x180000  }
0x2da: {  	[bflag:$0x0] =	sbarrier.arrive $0xFFFF  }
0x2db: {  	_ =	strace $0x90000047  }
0x2dc: {  	s0 =	stileid.u32;
	[bflag:$0x2] =	sbarrier.arrive $0xFFFF  }
0x2dd: {  	p0 =	sne.s32 s0, $0x0;
	s0 =	rddreg [dreg:$0x4]  }
0x2de: {  	s0 =	sadd.s32 @!p0 $0x100000, s0  }
0x2df: {  	[sflag:s0] =	ssyncadd.tile.s32 @!p0 $0x1;
	_ =	shalt  }
.Lfunc_end2:
_tile_overlayer_lowered:
.L_overlay_start_2:
0x2e0: {  	(tag) =	ssettag $0x2  }
0x2e1: {  	s0 =	rddreg [dreg:$0x0];
	s2 =	stileid.u32  }
0x2e2: {  	s1 =	rddreg [dreg:$0x1];
	p0 =	sne.s32 s2, $0x0  }
0x2e3: {  	s3 =	rddreg [dreg:$0x2];
	[bflag:$0x3] =	sbarrier.arrive $0xFFFF;
	s2 =	simm.s32 @!p0 $0x1C06  }
0x2e4: {  	[timem:s3], [sflag:s2] =	dma.local @!p0 [hbm:s0], s1  }
0x2e5: {  	s0 =	simm.s32 @!p0 $0x6  }
0x2e6: {  	_ =	swait.ge @!p0 [sflag:s0], s1  }
0x2e7: {  	s1 =	ssub.s32 @!p0 $0x0, s1;
	[sflag:s0] =	ssyncset.done @!p0 $0x0  }
0x2e8: {  	[sflag:s0] =	ssyncadd.s32 @!p0 s1  }
0x2e9: {  	[bflag:$0x3] =	sbarrier.arrive $0xFFFF  }
0x2ea: {  	_ =	shalt  }

</sc_bundles>
